<compile_context>
chip_gen: v7x
topology: tpu7x:2x2x1
jax: 0.10.2.dev20260603
libtpu: 0.0.44.dev20260713+nightly
codegen_flags: <defaults>
</compile_context>

<pallas_src>
import jax
import jax.numpy as jnp
from jax import lax
from jax.experimental import pallas as pl
from jax.experimental.pallas import tpu as pltpu
import jax.experimental.pallas.tpu_sc as plsc

L = 16
NC = 2
NS = 16
NW = NC * NS
RU = 2


def _forest_body(x_hbm, thr_hbm, ord_hbm, w_hbm, out_hbm,
                 x_v, thr_v, ord_v, w_v, out_v):
    B, T = out_hbm.shape
    C = x_hbm.shape[0] // B
    NL = thr_hbm.shape[0] // T
    NI = NL - 1
    depth = NI.bit_length()
    ROWS = out_v.shape[0]
    TB = thr_v.shape[0] // NL
    n_chunks = B // (NW * ROWS)
    n_tb = T // TB
    n_tg = TB // L

    wid = lax.axis_index("s") * NC + lax.axis_index("c")
    row0_w = wid * (B // NW)
    iota = lax.iota(jnp.int32, L)
    tbases = [(tg * L + iota) * NL for tg in range(n_tg)]
    wbases = [tb - NI for tb in tbases]

    def do_chunk(c, carry):
        row0 = row0_w + c * ROWS
        pltpu.sync_copy(x_hbm.at[pl.ds(row0 * C, ROWS * C)], x_v)

        def do_tb(tb, carry2):
            t0 = tb * TB
            col0 = t0
            pltpu.sync_copy(thr_hbm.at[pl.ds(t0 * NL, TB * NL)], thr_v)
            pltpu.sync_copy(ord_hbm.at[pl.ds(t0 * NL, TB * NL)], ord_v)
            pltpu.sync_copy(w_hbm.at[pl.ds(t0 * NL, TB * NL)], w_v)

            def do_rows(r2):
                r = r2 * RU
                nch = RU * n_tg
                rowbase = [jnp.full((L,), (r + dr) * C, jnp.int32)
                           for dr in range(RU)]
                node = [None] * nch
                minm = [None] * nch
                mcur = [None] * nch
                ocur = [None] * nch
                thcur = [None] * nch
                fcur = [None] * nch
                idx = [None] * nch
                for lvl in range(depth):
                    for k in range(nch):
                        tg = k % n_tg
                        if lvl == 0:
                            idx[k] = tbases[tg]
                        else:
                            idx[k] = tbases[tg] + node[k]
                    for k in range(nch):
                        ocur[k] = plsc.load_gather(ord_v, [idx[k]])
                    for k in range(nch):
                        thcur[k] = plsc.load_gather(thr_v, [idx[k]])
                    for k in range(nch):
                        dr = k // n_tg
                        fcur[k] = plsc.load_gather(x_v, [rowbase[dr] + ocur[k]])
                    for k in range(nch):
                        mcur[k] = fcur[k] - thcur[k]
                    for k in range(nch):
                        a = jnp.abs(mcur[k])
                        minm[k] = a if lvl == 0 else jnp.minimum(minm[k], a)
                    for k in range(nch):
                        inc = jnp.where(mcur[k] > 0, 2, 1).astype(jnp.int32)
                        if lvl == 0:
                            node[k] = inc
                        else:
                            node[k] = node[k] + node[k] + inc
                for k in range(nch):
                    tg = k % n_tg
                    w = plsc.load_gather(w_v, [wbases[tg] + node[k]])
                    dr = k // n_tg
                    out_v[r + dr, pl.ds(col0 + tg * L, L)] = minm[k] * w

            plsc.parallel_loop(0, ROWS // RU, 1, unroll=2)(do_rows)
            return carry2

        lax.fori_loop(0, n_tb, do_tb, 0)
        pltpu.sync_copy(out_v, out_hbm.at[pl.ds(row0, ROWS)])
        return carry

    lax.fori_loop(0, n_chunks, do_chunk, 0)


def kernel(x, thresholds, ordinals, weights):
    B, C = x.shape
    T, NI = thresholds.shape
    NL = NI + 1
    ROWS = min(32, B // NW)
    TB = min(64, T)
    thr_p = jnp.pad(thresholds, ((0, 0), (0, 1))).reshape(-1)
    ord_p = jnp.pad(ordinals, ((0, 0), (0, 1))).reshape(-1)
    w_p = weights.reshape(-1)
    x_f = x.reshape(-1)
    mesh = plsc.VectorSubcoreMesh(
        core_axis_name="c", subcore_axis_name="s",
        num_cores=NC, num_subcores=NS)
    f = pl.kernel(
        _forest_body,
        out_type=jax.ShapeDtypeStruct((B, T), jnp.float32),
        mesh=mesh,
        compiler_params=pltpu.CompilerParams(needs_layout_passes=False),
        scratch_types=[
            pltpu.VMEM((ROWS * C,), jnp.float32),
            pltpu.VMEM((TB * NL,), jnp.float32),
            pltpu.VMEM((TB * NL,), jnp.int32),
            pltpu.VMEM((TB * NL,), jnp.float32),
            pltpu.VMEM((ROWS, T), jnp.float32),
        ],
    )
    return f(x_f, thr_p, ord_p, w_p)

# --- scband reference (transcript-rebuilt; emitter-appended) ---
"""Pipeline reference for scband-random-hinge-forest-69114613728656 (READ-ONLY COPY).

The authoritative reference and input builder live on the scoring server;
editing this copy changes nothing except your own understanding.
"""

import jax, jax.numpy as jnp
import numpy as np

IN_CHANNELS = 1024
OUT_CHANNELS = 1024
DEPTH = 7
BATCH = 16384
N_INNER = 2 ** DEPTH - 1
N_LEAF = 2 ** DEPTH


def setup_inputs(seed: int = 0) -> dict:
    key = jax.random.key(seed)
    k1, k2, k3, k4 = jax.random.split(key, 4)
    x = jax.random.normal(k1, (BATCH, IN_CHANNELS), dtype=jnp.float32)
    # thresholds ~ U[-3, 3), as in torch init: 6*rand - 3
    thresholds = 6.0 * jax.random.uniform(k2, (OUT_CHANNELS, N_INNER), dtype=jnp.float32) - 3.0
    # random feature ordinals per internal node
    ordinals = jax.random.randint(k3, (OUT_CHANNELS, N_INNER), 0, IN_CHANNELS, dtype=jnp.int32)
    weights = jax.random.normal(k4, (OUT_CHANNELS, N_LEAF), dtype=jnp.float32)
    return {"x": x, "thresholds": thresholds, "ordinals": ordinals, "weights": weights}


def reference(x, thresholds, ordinals, weights):
    # Hinge tree forward (Random Hinge Forest, Lay et al.):
    # traverse each tree in heap layout (root=0, children 2i+1 / 2i+2),
    # branching on sign of margin = x[ordinal] - threshold; output is
    # leaf weight scaled by the minimum absolute margin along the path.
    B = x.shape[0]
    T = thresholds.shape[0]
    tree_idx = jnp.arange(T, dtype=jnp.int32)[None, :]  # [1, T]
    node = jnp.zeros((B, T), dtype=jnp.int32)
    min_margin = jnp.full((B, T), jnp.inf, dtype=x.dtype)
    for _ in range(DEPTH):
        t = thresholds[tree_idx, node]                 # [B, T] gather
        o = ordinals[tree_idx, node]                   # [B, T] gather
        feat = jnp.take_along_axis(x, o, axis=1)       # [B, T] gather over features
        margin = feat - t
        min_margin = jnp.minimum(min_margin, jnp.abs(margin))
        node = 2 * node + 1 + (margin > 0).astype(jnp.int32)
    leaf = node - N_INNER                              # leaf index in [0, 2^depth)
    w_leaf = weights[tree_idx, leaf]                   # [B, T] gather
    return min_margin * w_leaf

if __name__ == "__main__":
    import jax
    _d = setup_inputs()
    print(jax.jit(kernel)(*tuple(_d.values())))

</pallas_src>

<mosaic_0001>
#map = affine_map<(d0, d1) -> (0)>
#map1 = affine_map<(d0, d1) -> (0, 0)>
module attributes {stable_mosaic.version = 14 : i64} {
  func.func @_forest_body(%arg0: i32, %arg1: i32, %arg2: memref<16777216xf32, #tpu.memory_space<hbm>>, %arg3: memref<131072xf32, #tpu.memory_space<hbm>>, %arg4: memref<131072xi32, #tpu.memory_space<hbm>>, %arg5: memref<131072xf32, #tpu.memory_space<hbm>>, %arg6: memref<16384x1024xf32, #tpu.memory_space<hbm>>, %arg7: memref<32768xf32, #tpu.memory_space<vmem>>, %arg8: memref<8192xf32, #tpu.memory_space<vmem>>, %arg9: memref<8192xi32, #tpu.memory_space<vmem>>, %arg10: memref<8192xf32, #tpu.memory_space<vmem>>, %arg11: memref<32x1024xf32, #tpu.memory_space<vmem>>) attributes {dimension_semantics = [#tpu.dimension_semantics<core_parallel>, #tpu.dimension_semantics<subcore_parallel>], iteration_bounds = array<i64: 2, 16>, scalar_prefetch = 0 : i64, scratch_operands = 5 : i64, tpu.core_type = #tpu.core_type<sc_vector_subcore>, window_params = [{transform_indices = #map}, {transform_indices = #map}, {transform_indices = #map}, {transform_indices = #map}, {transform_indices = #map1}]} {
    %mul3A = arith.constant 2 : i32
    %mul3A_0 = arith.muli %arg1, %mul3A : i32
    %add3A = arith.addi %mul3A_0, %arg0 : i32
    %mul3A_1 = arith.constant 512 : i32
    %mul3A_2 = arith.muli %add3A, %mul3A_1 : i32
    %iota3A = tpu.iota {dimensions = array<i32: 0>} : vector<16xi32>
    %add3A_3 = arith.constant 0 : i32
    %add3A_4 = vector.broadcast %add3A_3 : i32 to vector<16xi32>
    %add3A_5 = arith.addi %add3A_4, %iota3A : vector<16xi32>
    %mul3A_6 = arith.constant 128 : i32
    %mul3A_7 = vector.broadcast %mul3A_6 : i32 to vector<16xi32>
    %mul3A_8 = arith.muli %add3A_5, %mul3A_7 : vector<16xi32>
    %add3A_9 = arith.constant 16 : i32
    %add3A_10 = vector.broadcast %add3A_9 : i32 to vector<16xi32>
    %add3A_11 = arith.addi %add3A_10, %iota3A : vector<16xi32>
    %mul3A_12 = arith.constant 128 : i32
    %mul3A_13 = vector.broadcast %mul3A_12 : i32 to vector<16xi32>
    %mul3A_14 = arith.muli %add3A_11, %mul3A_13 : vector<16xi32>
    %add3A_15 = arith.constant 32 : i32
    %add3A_16 = vector.broadcast %add3A_15 : i32 to vector<16xi32>
    %add3A_17 = arith.addi %add3A_16, %iota3A : vector<16xi32>
    %mul3A_18 = arith.constant 128 : i32
    %mul3A_19 = vector.broadcast %mul3A_18 : i32 to vector<16xi32>
    %mul3A_20 = arith.muli %add3A_17, %mul3A_19 : vector<16xi32>
    %add3A_21 = arith.constant 48 : i32
    %add3A_22 = vector.broadcast %add3A_21 : i32 to vector<16xi32>
    %add3A_23 = arith.addi %add3A_22, %iota3A : vector<16xi32>
    %mul3A_24 = arith.constant 128 : i32
    %mul3A_25 = vector.broadcast %mul3A_24 : i32 to vector<16xi32>
    %mul3A_26 = arith.muli %add3A_23, %mul3A_25 : vector<16xi32>
    %sub3A = arith.constant 127 : i32
    %sub3A_27 = vector.broadcast %sub3A : i32 to vector<16xi32>
    %sub3A_28 = arith.subi %mul3A_8, %sub3A_27 : vector<16xi32>
    %sub3A_29 = arith.constant 127 : i32
    %sub3A_30 = vector.broadcast %sub3A_29 : i32 to vector<16xi32>
    %sub3A_31 = arith.subi %mul3A_14, %sub3A_30 : vector<16xi32>
    %sub3A_32 = arith.constant 127 : i32
    %sub3A_33 = vector.broadcast %sub3A_32 : i32 to vector<16xi32>
    %sub3A_34 = arith.subi %mul3A_20, %sub3A_33 : vector<16xi32>
    %sub3A_35 = arith.constant 127 : i32
    %sub3A_36 = vector.broadcast %sub3A_35 : i32 to vector<16xi32>
    %sub3A_37 = arith.subi %mul3A_26, %sub3A_36 : vector<16xi32>
    %scan3A = arith.constant 0 : i32
    %scan3A_38 = arith.constant 0 : i32
    %scan3A_39 = arith.constant 16 : i32
    %scan3A_40 = arith.addi %scan3A_38, %scan3A_39 : i32
    %scan3A_41 = arith.constant 1 : i32
    scf.for %scan3A_43 = %scan3A_38 to %scan3A_40 step %scan3A_41  : i32 {
      %mul3A_44 = arith.constant 32 : i32
      %mul3A_45 = arith.muli %scan3A_43, %mul3A_44 : i32
      %add3A_46 = arith.addi %mul3A_2, %mul3A_45 : i32
      %mul3A_47 = arith.constant 1024 : i32
      %mul3A_48 = arith.muli %add3A_46, %mul3A_47 : i32
      "tpu.region"() ({
        %run_scoped3A = tpu.sem_alloc : memref<!tpu.dma_semaphore, #tpu.memory_space<semaphore_mem>>
        %dma_start3A = tpu.memref_slice %arg2[%mul3A_48] : memref<16777216xf32, #tpu.memory_space<hbm>> -> memref<32768xf32, #tpu.memory_space<hbm>>
        %dma_start3A_55 = tpu.memref_slice %arg2[%mul3A_48] : memref<16777216xf32, #tpu.memory_space<hbm>> -> memref<32768xf32, #tpu.memory_space<hbm>>
        tpu.enqueue_dma source(%dma_start3A_55 : memref<32768xf32, #tpu.memory_space<hbm>>) target(%arg7 : memref<32768xf32, #tpu.memory_space<vmem>>) target_semaphore(%run_scoped3A : memref<!tpu.dma_semaphore, #tpu.memory_space<semaphore_mem>>)
        %dma_wait3A = tpu.memref_slice %arg2[%mul3A_48] : memref<16777216xf32, #tpu.memory_space<hbm>> -> memref<32768xf32, #tpu.memory_space<hbm>>
        %dma_wait3A_56 = tpu.memref_slice %arg2[%mul3A_48] : memref<16777216xf32, #tpu.memory_space<hbm>> -> memref<32768xf32, #tpu.memory_space<hbm>>
        tpu.wait_dma2 semaphore(%run_scoped3A : memref<!tpu.dma_semaphore, #tpu.memory_space<semaphore_mem>>) src(%dma_wait3A_56 : memref<32768xf32, #tpu.memory_space<hbm>>) dst(%arg7 : memref<32768xf32, #tpu.memory_space<vmem>>)
        tpu.yield
      }) : () -> ()
      %scan3A_49 = arith.constant 0 : i32
      %scan3A_50 = arith.constant 0 : i32
      %scan3A_51 = arith.constant 16 : i32
      %scan3A_52 = arith.addi %scan3A_50, %scan3A_51 : i32
      %scan3A_53 = arith.constant 1 : i32
      scf.for %scan3A_55 = %scan3A_50 to %scan3A_52 step %scan3A_53  : i32 {
        %mul3A_56 = arith.constant 64 : i32
        %mul3A_57 = arith.muli %scan3A_55, %mul3A_56 : i32
        %mul3A_58 = arith.constant 128 : i32
        %mul3A_59 = arith.muli %mul3A_57, %mul3A_58 : i32
        "tpu.region"() ({
          %run_scoped3A = tpu.sem_alloc : memref<!tpu.dma_semaphore, #tpu.memory_space<semaphore_mem>>
          %dma_start3A = tpu.memref_slice %arg3[%mul3A_59] : memref<131072xf32, #tpu.memory_space<hbm>> -> memref<8192xf32, #tpu.memory_space<hbm>>
          %dma_start3A_66 = tpu.memref_slice %arg3[%mul3A_59] : memref<131072xf32, #tpu.memory_space<hbm>> -> memref<8192xf32, #tpu.memory_space<hbm>>
          tpu.enqueue_dma source(%dma_start3A_66 : memref<8192xf32, #tpu.memory_space<hbm>>) target(%arg8 : memref<8192xf32, #tpu.memory_space<vmem>>) target_semaphore(%run_scoped3A : memref<!tpu.dma_semaphore, #tpu.memory_space<semaphore_mem>>)
          %dma_wait3A = tpu.memref_slice %arg3[%mul3A_59] : memref<131072xf32, #tpu.memory_space<hbm>> -> memref<8192xf32, #tpu.memory_space<hbm>>
          %dma_wait3A_67 = tpu.memref_slice %arg3[%mul3A_59] : memref<131072xf32, #tpu.memory_space<hbm>> -> memref<8192xf32, #tpu.memory_space<hbm>>
          tpu.wait_dma2 semaphore(%run_scoped3A : memref<!tpu.dma_semaphore, #tpu.memory_space<semaphore_mem>>) src(%dma_wait3A_67 : memref<8192xf32, #tpu.memory_space<hbm>>) dst(%arg8 : memref<8192xf32, #tpu.memory_space<vmem>>)
          tpu.yield
        }) : () -> ()
        %mul3A_60 = arith.constant 128 : i32
        %mul3A_61 = arith.muli %mul3A_57, %mul3A_60 : i32
        "tpu.region"() ({
          %run_scoped3A = tpu.sem_alloc : memref<!tpu.dma_semaphore, #tpu.memory_space<semaphore_mem>>
          %dma_start3A = tpu.memref_slice %arg4[%mul3A_61] : memref<131072xi32, #tpu.memory_space<hbm>> -> memref<8192xi32, #tpu.memory_space<hbm>>
          %dma_start3A_66 = tpu.memref_slice %arg4[%mul3A_61] : memref<131072xi32, #tpu.memory_space<hbm>> -> memref<8192xi32, #tpu.memory_space<hbm>>
          tpu.enqueue_dma source(%dma_start3A_66 : memref<8192xi32, #tpu.memory_space<hbm>>) target(%arg9 : memref<8192xi32, #tpu.memory_space<vmem>>) target_semaphore(%run_scoped3A : memref<!tpu.dma_semaphore, #tpu.memory_space<semaphore_mem>>)
          %dma_wait3A = tpu.memref_slice %arg4[%mul3A_61] : memref<131072xi32, #tpu.memory_space<hbm>> -> memref<8192xi32, #tpu.memory_space<hbm>>
          %dma_wait3A_67 = tpu.memref_slice %arg4[%mul3A_61] : memref<131072xi32, #tpu.memory_space<hbm>> -> memref<8192xi32, #tpu.memory_space<hbm>>
          tpu.wait_dma2 semaphore(%run_scoped3A : memref<!tpu.dma_semaphore, #tpu.memory_space<semaphore_mem>>) src(%dma_wait3A_67 : memref<8192xi32, #tpu.memory_space<hbm>>) dst(%arg9 : memref<8192xi32, #tpu.memory_space<vmem>>)
          tpu.yield
        }) : () -> ()
        %mul3A_62 = arith.constant 128 : i32
        %mul3A_63 = arith.muli %mul3A_57, %mul3A_62 : i32
        "tpu.region"() ({
          %run_scoped3A = tpu.sem_alloc : memref<!tpu.dma_semaphore, #tpu.memory_space<semaphore_mem>>
          %dma_start3A = tpu.memref_slice %arg5[%mul3A_63] : memref<131072xf32, #tpu.memory_space<hbm>> -> memref<8192xf32, #tpu.memory_space<hbm>>
          %dma_start3A_66 = tpu.memref_slice %arg5[%mul3A_63] : memref<131072xf32, #tpu.memory_space<hbm>> -> memref<8192xf32, #tpu.memory_space<hbm>>
          tpu.enqueue_dma source(%dma_start3A_66 : memref<8192xf32, #tpu.memory_space<hbm>>) target(%arg10 : memref<8192xf32, #tpu.memory_space<vmem>>) target_semaphore(%run_scoped3A : memref<!tpu.dma_semaphore, #tpu.memory_space<semaphore_mem>>)
          %dma_wait3A = tpu.memref_slice %arg5[%mul3A_63] : memref<131072xf32, #tpu.memory_space<hbm>> -> memref<8192xf32, #tpu.memory_space<hbm>>
          %dma_wait3A_67 = tpu.memref_slice %arg5[%mul3A_63] : memref<131072xf32, #tpu.memory_space<hbm>> -> memref<8192xf32, #tpu.memory_space<hbm>>
          tpu.wait_dma2 semaphore(%run_scoped3A : memref<!tpu.dma_semaphore, #tpu.memory_space<semaphore_mem>>) src(%dma_wait3A_67 : memref<8192xf32, #tpu.memory_space<hbm>>) dst(%arg10 : memref<8192xf32, #tpu.memory_space<vmem>>)
          tpu.yield
        }) : () -> ()
        %parallel_loop3A = arith.constant 0 : i32
        %parallel_loop3A_64 = arith.constant 16 : i32
        %parallel_loop3A_65 = arith.constant 1 : i32
        scf.for %parallel_loop3A_66 = %parallel_loop3A to %parallel_loop3A_64 step %parallel_loop3A_65  : i32 {
          %parallel_loop3A_67 = arith.constant 2 : i32
          %parallel_loop3A_68 = arith.muli %parallel_loop3A_66, %parallel_loop3A_67 : i32
          %parallel_loop3A_69 = arith.constant 0 : i32
          %parallel_loop3A_70 = arith.addi %parallel_loop3A_68, %parallel_loop3A_69 : i32
          %parallel_loop3A_71 = arith.constant 1024 : i32
          %parallel_loop3A_72 = arith.muli %parallel_loop3A_70, %parallel_loop3A_71 : i32
          %parallel_loop3A_73 = vector.broadcast %parallel_loop3A_72 : i32 to vector<16xi32>
          %parallel_loop3A_74 = arith.constant 1 : i32
          %parallel_loop3A_75 = arith.addi %parallel_loop3A_68, %parallel_loop3A_74 : i32
          %parallel_loop3A_76 = arith.constant 1024 : i32
          %parallel_loop3A_77 = arith.muli %parallel_loop3A_75, %parallel_loop3A_76 : i32
          %parallel_loop3A_78 = vector.broadcast %parallel_loop3A_77 : i32 to vector<16xi32>
          %parallel_loop3A_79 = tpu.vector_load_idx %arg9[%mul3A_8] : memref<8192xi32, #tpu.memory_space<vmem>>[vector<16xi32>], vector<16xi32>,
          %parallel_loop3A_80 = tpu.vector_load_idx %arg9[%mul3A_14] : memref<8192xi32, #tpu.memory_space<vmem>>[vector<16xi32>], vector<16xi32>,
          %parallel_loop3A_81 = tpu.vector_load_idx %arg9[%mul3A_20] : memref<8192xi32, #tpu.memory_space<vmem>>[vector<16xi32>], vector<16xi32>,
          %parallel_loop3A_82 = tpu.vector_load_idx %arg9[%mul3A_26] : memref<8192xi32, #tpu.memory_space<vmem>>[vector<16xi32>], vector<16xi32>,
          %parallel_loop3A_83 = tpu.vector_load_idx %arg9[%mul3A_8] : memref<8192xi32, #tpu.memory_space<vmem>>[vector<16xi32>], vector<16xi32>,
          %parallel_loop3A_84 = tpu.vector_load_idx %arg9[%mul3A_14] : memref<8192xi32, #tpu.memory_space<vmem>>[vector<16xi32>], vector<16xi32>,
          %parallel_loop3A_85 = tpu.vector_load_idx %arg9[%mul3A_20] : memref<8192xi32, #tpu.memory_space<vmem>>[vector<16xi32>], vector<16xi32>,
          %parallel_loop3A_86 = tpu.vector_load_idx %arg9[%mul3A_26] : memref<8192xi32, #tpu.memory_space<vmem>>[vector<16xi32>], vector<16xi32>,
          %parallel_loop3A_87 = tpu.vector_load_idx %arg8[%mul3A_8] : memref<8192xf32, #tpu.memory_space<vmem>>[vector<16xi32>], vector<16xf32>,
          %parallel_loop3A_88 = tpu.vector_load_idx %arg8[%mul3A_14] : memref<8192xf32, #tpu.memory_space<vmem>>[vector<16xi32>], vector<16xf32>,
          %parallel_loop3A_89 = tpu.vector_load_idx %arg8[%mul3A_20] : memref<8192xf32, #tpu.memory_space<vmem>>[vector<16xi32>], vector<16xf32>,
          %parallel_loop3A_90 = tpu.vector_load_idx %arg8[%mul3A_26] : memref<8192xf32, #tpu.memory_space<vmem>>[vector<16xi32>], vector<16xf32>,
          %parallel_loop3A_91 = tpu.vector_load_idx %arg8[%mul3A_8] : memref<8192xf32, #tpu.memory_space<vmem>>[vector<16xi32>], vector<16xf32>,
          %parallel_loop3A_92 = tpu.vector_load_idx %arg8[%mul3A_14] : memref<8192xf32, #tpu.memory_space<vmem>>[vector<16xi32>], vector<16xf32>,
          %parallel_loop3A_93 = tpu.vector_load_idx %arg8[%mul3A_20] : memref<8192xf32, #tpu.memory_space<vmem>>[vector<16xi32>], vector<16xf32>,
          %parallel_loop3A_94 = tpu.vector_load_idx %arg8[%mul3A_26] : memref<8192xf32, #tpu.memory_space<vmem>>[vector<16xi32>], vector<16xf32>,
          %parallel_loop3A_95 = arith.addi %parallel_loop3A_73, %parallel_loop3A_79 : vector<16xi32>
          %parallel_loop3A_96 = tpu.vector_load_idx %arg7[%parallel_loop3A_95] : memref<32768xf32, #tpu.memory_space<vmem>>[vector<16xi32>], vector<16xf32>,
          %parallel_loop3A_97 = arith.addi %parallel_loop3A_73, %parallel_loop3A_80 : vector<16xi32>
          %parallel_loop3A_98 = tpu.vector_load_idx %arg7[%parallel_loop3A_97] : memref<32768xf32, #tpu.memory_space<vmem>>[vector<16xi32>], vector<16xf32>,
          %parallel_loop3A_99 = arith.addi %parallel_loop3A_73, %parallel_loop3A_81 : vector<16xi32>
          %parallel_loop3A_100 = tpu.vector_load_idx %arg7[%parallel_loop3A_99] : memref<32768xf32, #tpu.memory_space<vmem>>[vector<16xi32>], vector<16xf32>,
          %parallel_loop3A_101 = arith.addi %parallel_loop3A_73, %parallel_loop3A_82 : vector<16xi32>
          %parallel_loop3A_102 = tpu.vector_load_idx %arg7[%parallel_loop3A_101] : memref<32768xf32, #tpu.memory_space<vmem>>[vector<16xi32>], vector<16xf32>,
          %parallel_loop3A_103 = arith.addi %parallel_loop3A_78, %parallel_loop3A_83 : vector<16xi32>
          %parallel_loop3A_104 = tpu.vector_load_idx %arg7[%parallel_loop3A_103] : memref<32768xf32, #tpu.memory_space<vmem>>[vector<16xi32>], vector<16xf32>,
          %parallel_loop3A_105 = arith.addi %parallel_loop3A_78, %parallel_loop3A_84 : vector<16xi32>
          %parallel_loop3A_106 = tpu.vector_load_idx %arg7[%parallel_loop3A_105] : memref<32768xf32, #tpu.memory_space<vmem>>[vector<16xi32>], vector<16xf32>,
          %parallel_loop3A_107 = arith.addi %parallel_loop3A_78, %parallel_loop3A_85 : vector<16xi32>
          %parallel_loop3A_108 = tpu.vector_load_idx %arg7[%parallel_loop3A_107] : memref<32768xf32, #tpu.memory_space<vmem>>[vector<16xi32>], vector<16xf32>,
          %parallel_loop3A_109 = arith.addi %parallel_loop3A_78, %parallel_loop3A_86 : vector<16xi32>
          %parallel_loop3A_110 = tpu.vector_load_idx %arg7[%parallel_loop3A_109] : memref<32768xf32, #tpu.memory_space<vmem>>[vector<16xi32>], vector<16xf32>,
          %parallel_loop3A_111 = arith.subf %parallel_loop3A_96, %parallel_loop3A_87 : vector<16xf32>
          %parallel_loop3A_112 = arith.subf %parallel_loop3A_98, %parallel_loop3A_88 : vector<16xf32>
          %parallel_loop3A_113 = arith.subf %parallel_loop3A_100, %parallel_loop3A_89 : vector<16xf32>
          %parallel_loop3A_114 = arith.subf %parallel_loop3A_102, %parallel_loop3A_90 : vector<16xf32>
          %parallel_loop3A_115 = arith.subf %parallel_loop3A_104, %parallel_loop3A_91 : vector<16xf32>
          %parallel_loop3A_116 = arith.subf %parallel_loop3A_106, %parallel_loop3A_92 : vector<16xf32>
          %parallel_loop3A_117 = arith.subf %parallel_loop3A_108, %parallel_loop3A_93 : vector<16xf32>
          %parallel_loop3A_118 = arith.subf %parallel_loop3A_110, %parallel_loop3A_94 : vector<16xf32>
          %parallel_loop3A_119 = math.absf %parallel_loop3A_111 : vector<16xf32>
          %parallel_loop3A_120 = math.absf %parallel_loop3A_112 : vector<16xf32>
          %parallel_loop3A_121 = math.absf %parallel_loop3A_113 : vector<16xf32>
          %parallel_loop3A_122 = math.absf %parallel_loop3A_114 : vector<16xf32>
          %parallel_loop3A_123 = math.absf %parallel_loop3A_115 : vector<16xf32>
          %parallel_loop3A_124 = math.absf %parallel_loop3A_116 : vector<16xf32>
          %parallel_loop3A_125 = math.absf %parallel_loop3A_117 : vector<16xf32>
          %parallel_loop3A_126 = math.absf %parallel_loop3A_118 : vector<16xf32>
          %parallel_loop3A_127 = arith.constant 0.000000e+00 : f32
          %parallel_loop3A_128 = vector.broadcast %parallel_loop3A_127 : f32 to vector<16xf32>
          %parallel_loop3A_129 = arith.cmpf ogt, %parallel_loop3A_111, %parallel_loop3A_128 : vector<16xf32>
          %parallel_loop3A_130 = arith.constant 2 : i32
          %parallel_loop3A_131 = arith.constant 1 : i32
          %parallel_loop3A_132 = vector.broadcast %parallel_loop3A_130 : i32 to vector<16xi32>
          %parallel_loop3A_133 = vector.broadcast %parallel_loop3A_131 : i32 to vector<16xi32>
          %parallel_loop3A_134 = arith.select %parallel_loop3A_129, %parallel_loop3A_132, %parallel_loop3A_133 : vector<16xi1>, vector<16xi32>
          %parallel_loop3A_135 = arith.constant 0.000000e+00 : f32
          %parallel_loop3A_136 = vector.broadcast %parallel_loop3A_135 : f32 to vector<16xf32>
          %parallel_loop3A_137 = arith.cmpf ogt, %parallel_loop3A_112, %parallel_loop3A_136 : vector<16xf32>
          %parallel_loop3A_138 = arith.constant 2 : i32
          %parallel_loop3A_139 = arith.constant 1 : i32
          %parallel_loop3A_140 = vector.broadcast %parallel_loop3A_138 : i32 to vector<16xi32>
          %parallel_loop3A_141 = vector.broadcast %parallel_loop3A_139 : i32 to vector<16xi32>
          %parallel_loop3A_142 = arith.select %parallel_loop3A_137, %parallel_loop3A_140, %parallel_loop3A_141 : vector<16xi1>, vector<16xi32>
          %parallel_loop3A_143 = arith.constant 0.000000e+00 : f32
          %parallel_loop3A_144 = vector.broadcast %parallel_loop3A_143 : f32 to vector<16xf32>
          %parallel_loop3A_145 = arith.cmpf ogt, %parallel_loop3A_113, %parallel_loop3A_144 : vector<16xf32>
          %parallel_loop3A_146 = arith.constant 2 : i32
          %parallel_loop3A_147 = arith.constant 1 : i32
          %parallel_loop3A_148 = vector.broadcast %parallel_loop3A_146 : i32 to vector<16xi32>
          %parallel_loop3A_149 = vector.broadcast %parallel_loop3A_147 : i32 to vector<16xi32>
          %parallel_loop3A_150 = arith.select %parallel_loop3A_145, %parallel_loop3A_148, %parallel_loop3A_149 : vector<16xi1>, vector<16xi32>
          %parallel_loop3A_151 = arith.constant 0.000000e+00 : f32
          %parallel_loop3A_152 = vector.broadcast %parallel_loop3A_151 : f32 to vector<16xf32>
          %parallel_loop3A_153 = arith.cmpf ogt, %parallel_loop3A_114, %parallel_loop3A_152 : vector<16xf32>
          %parallel_loop3A_154 = arith.constant 2 : i32
          %parallel_loop3A_155 = arith.constant 1 : i32
          %parallel_loop3A_156 = vector.broadcast %parallel_loop3A_154 : i32 to vector<16xi32>
          %parallel_loop3A_157 = vector.broadcast %parallel_loop3A_155 : i32 to vector<16xi32>
          %parallel_loop3A_158 = arith.select %parallel_loop3A_153, %parallel_loop3A_156, %parallel_loop3A_157 : vector<16xi1>, vector<16xi32>
          %parallel_loop3A_159 = arith.constant 0.000000e+00 : f32
          %parallel_loop3A_160 = vector.broadcast %parallel_loop3A_159 : f32 to vector<16xf32>
          %parallel_loop3A_161 = arith.cmpf ogt, %parallel_loop3A_115, %parallel_loop3A_160 : vector<16xf32>
          %parallel_loop3A_162 = arith.constant 2 : i32
          %parallel_loop3A_163 = arith.constant 1 : i32
          %parallel_loop3A_164 = vector.broadcast %parallel_loop3A_162 : i32 to vector<16xi32>
          %parallel_loop3A_165 = vector.broadcast %parallel_loop3A_163 : i32 to vector<16xi32>
          %parallel_loop3A_166 = arith.select %parallel_loop3A_161, %parallel_loop3A_164, %parallel_loop3A_165 : vector<16xi1>, vector<16xi32>
          %parallel_loop3A_167 = arith.constant 0.000000e+00 : f32
          %parallel_loop3A_168 = vector.broadcast %parallel_loop3A_167 : f32 to vector<16xf32>
          %parallel_loop3A_169 = arith.cmpf ogt, %parallel_loop3A_116, %parallel_loop3A_168 : vector<16xf32>
          %parallel_loop3A_170 = arith.constant 2 : i32
          %parallel_loop3A_171 = arith.constant 1 : i32
          %parallel_loop3A_172 = vector.broadcast %parallel_loop3A_170 : i32 to vector<16xi32>
          %parallel_loop3A_173 = vector.broadcast %parallel_loop3A_171 : i32 to vector<16xi32>
          %parallel_loop3A_174 = arith.select %parallel_loop3A_169, %parallel_loop3A_172, %parallel_loop3A_173 : vector<16xi1>, vector<16xi32>
          %parallel_loop3A_175 = arith.constant 0.000000e+00 : f32
          %parallel_loop3A_176 = vector.broadcast %parallel_loop3A_175 : f32 to vector<16xf32>
          %parallel_loop3A_177 = arith.cmpf ogt, %parallel_loop3A_117, %parallel_loop3A_176 : vector<16xf32>
          %parallel_loop3A_178 = arith.constant 2 : i32
          %parallel_loop3A_179 = arith.constant 1 : i32
          %parallel_loop3A_180 = vector.broadcast %parallel_loop3A_178 : i32 to vector<16xi32>
          %parallel_loop3A_181 = vector.broadcast %parallel_loop3A_179 : i32 to vector<16xi32>
          %parallel_loop3A_182 = arith.select %parallel_loop3A_177, %parallel_loop3A_180, %parallel_loop3A_181 : vector<16xi1>, vector<16xi32>
          %parallel_loop3A_183 = arith.constant 0.000000e+00 : f32
          %parallel_loop3A_184 = vector.broadcast %parallel_loop3A_183 : f32 to vector<16xf32>
          %parallel_loop3A_185 = arith.cmpf ogt, %parallel_loop3A_118, %parallel_loop3A_184 : vector<16xf32>
          %parallel_loop3A_186 = arith.constant 2 : i32
          %parallel_loop3A_187 = arith.constant 1 : i32
          %parallel_loop3A_188 = vector.broadcast %parallel_loop3A_186 : i32 to vector<16xi32>
          %parallel_loop3A_189 = vector.broadcast %parallel_loop3A_187 : i32 to vector<16xi32>
          %parallel_loop3A_190 = arith.select %parallel_loop3A_185, %parallel_loop3A_188, %parallel_loop3A_189 : vector<16xi1>, vector<16xi32>
          %parallel_loop3A_191 = arith.addi %mul3A_8, %parallel_loop3A_134 : vector<16xi32>
          %parallel_loop3A_192 = arith.addi %mul3A_14, %parallel_loop3A_142 : vector<16xi32>
          %parallel_loop3A_193 = arith.addi %mul3A_20, %parallel_loop3A_150 : vector<16xi32>
          %parallel_loop3A_194 = arith.addi %mul3A_26, %parallel_loop3A_158 : vector<16xi32>
          %parallel_loop3A_195 = arith.addi %mul3A_8, %parallel_loop3A_166 : vector<16xi32>
          %parallel_loop3A_196 = arith.addi %mul3A_14, %parallel_loop3A_174 : vector<16xi32>
          %parallel_loop3A_197 = arith.addi %mul3A_20, %parallel_loop3A_182 : vector<16xi32>
          %parallel_loop3A_198 = arith.addi %mul3A_26, %parallel_loop3A_190 : vector<16xi32>
          %parallel_loop3A_199 = tpu.vector_load_idx %arg9[%parallel_loop3A_191] : memref<8192xi32, #tpu.memory_space<vmem>>[vector<16xi32>], vector<16xi32>,
          %parallel_loop3A_200 = tpu.vector_load_idx %arg9[%parallel_loop3A_192] : memref<8192xi32, #tpu.memory_space<vmem>>[vector<16xi32>], vector<16xi32>,
          %parallel_loop3A_201 = tpu.vector_load_idx %arg9[%parallel_loop3A_193] : memref<8192xi32, #tpu.memory_space<vmem>>[vector<16xi32>], vector<16xi32>,
          %parallel_loop3A_202 = tpu.vector_load_idx %arg9[%parallel_loop3A_194] : memref<8192xi32, #tpu.memory_space<vmem>>[vector<16xi32>], vector<16xi32>,
          %parallel_loop3A_203 = tpu.vector_load_idx %arg9[%parallel_loop3A_195] : memref<8192xi32, #tpu.memory_space<vmem>>[vector<16xi32>], vector<16xi32>,
          %parallel_loop3A_204 = tpu.vector_load_idx %arg9[%parallel_loop3A_196] : memref<8192xi32, #tpu.memory_space<vmem>>[vector<16xi32>], vector<16xi32>,
          %parallel_loop3A_205 = tpu.vector_load_idx %arg9[%parallel_loop3A_197] : memref<8192xi32, #tpu.memory_space<vmem>>[vector<16xi32>], vector<16xi32>,
          %parallel_loop3A_206 = tpu.vector_load_idx %arg9[%parallel_loop3A_198] : memref<8192xi32, #tpu.memory_space<vmem>>[vector<16xi32>], vector<16xi32>,
          %parallel_loop3A_207 = tpu.vector_load_idx %arg8[%parallel_loop3A_191] : memref<8192xf32, #tpu.memory_space<vmem>>[vector<16xi32>], vector<16xf32>,
          %parallel_loop3A_208 = tpu.vector_load_idx %arg8[%parallel_loop3A_192] : memref<8192xf32, #tpu.memory_space<vmem>>[vector<16xi32>], vector<16xf32>,
          %parallel_loop3A_209 = tpu.vector_load_idx %arg8[%parallel_loop3A_193] : memref<8192xf32, #tpu.memory_space<vmem>>[vector<16xi32>], vector<16xf32>,
          %parallel_loop3A_210 = tpu.vector_load_idx %arg8[%parallel_loop3A_194] : memref<8192xf32, #tpu.memory_space<vmem>>[vector<16xi32>], vector<16xf32>,
          %parallel_loop3A_211 = tpu.vector_load_idx %arg8[%parallel_loop3A_195] : memref<8192xf32, #tpu.memory_space<vmem>>[vector<16xi32>], vector<16xf32>,
          %parallel_loop3A_212 = tpu.vector_load_idx %arg8[%parallel_loop3A_196] : memref<8192xf32, #tpu.memory_space<vmem>>[vector<16xi32>], vector<16xf32>,
          %parallel_loop3A_213 = tpu.vector_load_idx %arg8[%parallel_loop3A_197] : memref<8192xf32, #tpu.memory_space<vmem>>[vector<16xi32>], vector<16xf32>,
          %parallel_loop3A_214 = tpu.vector_load_idx %arg8[%parallel_loop3A_198] : memref<8192xf32, #tpu.memory_space<vmem>>[vector<16xi32>], vector<16xf32>,
          %parallel_loop3A_215 = arith.addi %parallel_loop3A_73, %parallel_loop3A_199 : vector<16xi32>
          %parallel_loop3A_216 = tpu.vector_load_idx %arg7[%parallel_loop3A_215] : memref<32768xf32, #tpu.memory_space<vmem>>[vector<16xi32>], vector<16xf32>,
          %parallel_loop3A_217 = arith.addi %parallel_loop3A_73, %parallel_loop3A_200 : vector<16xi32>
          %parallel_loop3A_218 = tpu.vector_load_idx %arg7[%parallel_loop3A_217] : memref<32768xf32, #tpu.memory_space<vmem>>[vector<16xi32>], vector<16xf32>,
          %parallel_loop3A_219 = arith.addi %parallel_loop3A_73, %parallel_loop3A_201 : vector<16xi32>
          %parallel_loop3A_220 = tpu.vector_load_idx %arg7[%parallel_loop3A_219] : memref<32768xf32, #tpu.memory_space<vmem>>[vector<16xi32>], vector<16xf32>,
          %parallel_loop3A_221 = arith.addi %parallel_loop3A_73, %parallel_loop3A_202 : vector<16xi32>
          %parallel_loop3A_222 = tpu.vector_load_idx %arg7[%parallel_loop3A_221] : memref<32768xf32, #tpu.memory_space<vmem>>[vector<16xi32>], vector<16xf32>,
          %parallel_loop3A_223 = arith.addi %parallel_loop3A_78, %parallel_loop3A_203 : vector<16xi32>
          %parallel_loop3A_224 = tpu.vector_load_idx %arg7[%parallel_loop3A_223] : memref<32768xf32, #tpu.memory_space<vmem>>[vector<16xi32>], vector<16xf32>,
          %parallel_loop3A_225 = arith.addi %parallel_loop3A_78, %parallel_loop3A_204 : vector<16xi32>
          %parallel_loop3A_226 = tpu.vector_load_idx %arg7[%parallel_loop3A_225] : memref<32768xf32, #tpu.memory_space<vmem>>[vector<16xi32>], vector<16xf32>,
          %parallel_loop3A_227 = arith.addi %parallel_loop3A_78, %parallel_loop3A_205 : vector<16xi32>
          %parallel_loop3A_228 = tpu.vector_load_idx %arg7[%parallel_loop3A_227] : memref<32768xf32, #tpu.memory_space<vmem>>[vector<16xi32>], vector<16xf32>,
          %parallel_loop3A_229 = arith.addi %parallel_loop3A_78, %parallel_loop3A_206 : vector<16xi32>
          %parallel_loop3A_230 = tpu.vector_load_idx %arg7[%parallel_loop3A_229] : memref<32768xf32, #tpu.memory_space<vmem>>[vector<16xi32>], vector<16xf32>,
          %parallel_loop3A_231 = arith.subf %parallel_loop3A_216, %parallel_loop3A_207 : vector<16xf32>
          %parallel_loop3A_232 = arith.subf %parallel_loop3A_218, %parallel_loop3A_208 : vector<16xf32>
          %parallel_loop3A_233 = arith.subf %parallel_loop3A_220, %parallel_loop3A_209 : vector<16xf32>
          %parallel_loop3A_234 = arith.subf %parallel_loop3A_222, %parallel_loop3A_210 : vector<16xf32>
          %parallel_loop3A_235 = arith.subf %parallel_loop3A_224, %parallel_loop3A_211 : vector<16xf32>
          %parallel_loop3A_236 = arith.subf %parallel_loop3A_226, %parallel_loop3A_212 : vector<16xf32>
          %parallel_loop3A_237 = arith.subf %parallel_loop3A_228, %parallel_loop3A_213 : vector<16xf32>
          %parallel_loop3A_238 = arith.subf %parallel_loop3A_230, %parallel_loop3A_214 : vector<16xf32>
          %parallel_loop3A_239 = math.absf %parallel_loop3A_231 : vector<16xf32>
          %parallel_loop3A_240 = arith.minimumf %parallel_loop3A_119, %parallel_loop3A_239 : vector<16xf32>
          %parallel_loop3A_241 = math.absf %parallel_loop3A_232 : vector<16xf32>
          %parallel_loop3A_242 = arith.minimumf %parallel_loop3A_120, %parallel_loop3A_241 : vector<16xf32>
          %parallel_loop3A_243 = math.absf %parallel_loop3A_233 : vector<16xf32>
          %parallel_loop3A_244 = arith.minimumf %parallel_loop3A_121, %parallel_loop3A_243 : vector<16xf32>
          %parallel_loop3A_245 = math.absf %parallel_loop3A_234 : vector<16xf32>
          %parallel_loop3A_246 = arith.minimumf %parallel_loop3A_122, %parallel_loop3A_245 : vector<16xf32>
          %parallel_loop3A_247 = math.absf %parallel_loop3A_235 : vector<16xf32>
          %parallel_loop3A_248 = arith.minimumf %parallel_loop3A_123, %parallel_loop3A_247 : vector<16xf32>
          %parallel_loop3A_249 = math.absf %parallel_loop3A_236 : vector<16xf32>
          %parallel_loop3A_250 = arith.minimumf %parallel_loop3A_124, %parallel_loop3A_249 : vector<16xf32>
          %parallel_loop3A_251 = math.absf %parallel_loop3A_237 : vector<16xf32>
          %parallel_loop3A_252 = arith.minimumf %parallel_loop3A_125, %parallel_loop3A_251 : vector<16xf32>
          %parallel_loop3A_253 = math.absf %parallel_loop3A_238 : vector<16xf32>
          %parallel_loop3A_254 = arith.minimumf %parallel_loop3A_126, %parallel_loop3A_253 : vector<16xf32>
          %parallel_loop3A_255 = arith.constant 0.000000e+00 : f32
          %parallel_loop3A_256 = vector.broadcast %parallel_loop3A_255 : f32 to vector<16xf32>
          %parallel_loop3A_257 = arith.cmpf ogt, %parallel_loop3A_231, %parallel_loop3A_256 : vector<16xf32>
          %parallel_loop3A_258 = arith.constant 2 : i32
          %parallel_loop3A_259 = arith.constant 1 : i32
          %parallel_loop3A_260 = vector.broadcast %parallel_loop3A_258 : i32 to vector<16xi32>
          %parallel_loop3A_261 = vector.broadcast %parallel_loop3A_259 : i32 to vector<16xi32>
          %parallel_loop3A_262 = arith.select %parallel_loop3A_257, %parallel_loop3A_260, %parallel_loop3A_261 : vector<16xi1>, vector<16xi32>
          %parallel_loop3A_263 = arith.addi %parallel_loop3A_134, %parallel_loop3A_134 : vector<16xi32>
          %parallel_loop3A_264 = arith.addi %parallel_loop3A_263, %parallel_loop3A_262 : vector<16xi32>
          %parallel_loop3A_265 = arith.constant 0.000000e+00 : f32
          %parallel_loop3A_266 = vector.broadcast %parallel_loop3A_265 : f32 to vector<16xf32>
          %parallel_loop3A_267 = arith.cmpf ogt, %parallel_loop3A_232, %parallel_loop3A_266 : vector<16xf32>
          %parallel_loop3A_268 = arith.constant 2 : i32
          %parallel_loop3A_269 = arith.constant 1 : i32
          %parallel_loop3A_270 = vector.broadcast %parallel_loop3A_268 : i32 to vector<16xi32>
          %parallel_loop3A_271 = vector.broadcast %parallel_loop3A_269 : i32 to vector<16xi32>
          %parallel_loop3A_272 = arith.select %parallel_loop3A_267, %parallel_loop3A_270, %parallel_loop3A_271 : vector<16xi1>, vector<16xi32>
          %parallel_loop3A_273 = arith.addi %parallel_loop3A_142, %parallel_loop3A_142 : vector<16xi32>
          %parallel_loop3A_274 = arith.addi %parallel_loop3A_273, %parallel_loop3A_272 : vector<16xi32>
          %parallel_loop3A_275 = arith.constant 0.000000e+00 : f32
          %parallel_loop3A_276 = vector.broadcast %parallel_loop3A_275 : f32 to vector<16xf32>
          %parallel_loop3A_277 = arith.cmpf ogt, %parallel_loop3A_233, %parallel_loop3A_276 : vector<16xf32>
          %parallel_loop3A_278 = arith.constant 2 : i32
          %parallel_loop3A_279 = arith.constant 1 : i32
          %parallel_loop3A_280 = vector.broadcast %parallel_loop3A_278 : i32 to vector<16xi32>
          %parallel_loop3A_281 = vector.broadcast %parallel_loop3A_279 : i32 to vector<16xi32>
          %parallel_loop3A_282 = arith.select %parallel_loop3A_277, %parallel_loop3A_280, %parallel_loop3A_281 : vector<16xi1>, vector<16xi32>
          %parallel_loop3A_283 = arith.addi %parallel_loop3A_150, %parallel_loop3A_150 : vector<16xi32>
          %parallel_loop3A_284 = arith.addi %parallel_loop3A_283, %parallel_loop3A_282 : vector<16xi32>
          %parallel_loop3A_285 = arith.constant 0.000000e+00 : f32
          %parallel_loop3A_286 = vector.broadcast %parallel_loop3A_285 : f32 to vector<16xf32>
          %parallel_loop3A_287 = arith.cmpf ogt, %parallel_loop3A_234, %parallel_loop3A_286 : vector<16xf32>
          %parallel_loop3A_288 = arith.constant 2 : i32
          %parallel_loop3A_289 = arith.constant 1 : i32
          %parallel_loop3A_290 = vector.broadcast %parallel_loop3A_288 : i32 to vector<16xi32>
          %parallel_loop3A_291 = vector.broadcast %parallel_loop3A_289 : i32 to vector<16xi32>
          %parallel_loop3A_292 = arith.select %parallel_loop3A_287, %parallel_loop3A_290, %parallel_loop3A_291 : vector<16xi1>, vector<16xi32>
          %parallel_loop3A_293 = arith.addi %parallel_loop3A_158, %parallel_loop3A_158 : vector<16xi32>
          %parallel_loop3A_294 = arith.addi %parallel_loop3A_293, %parallel_loop3A_292 : vector<16xi32>
          %parallel_loop3A_295 = arith.constant 0.000000e+00 : f32
          %parallel_loop3A_296 = vector.broadcast %parallel_loop3A_295 : f32 to vector<16xf32>
          %parallel_loop3A_297 = arith.cmpf ogt, %parallel_loop3A_235, %parallel_loop3A_296 : vector<16xf32>
          %parallel_loop3A_298 = arith.constant 2 : i32
          %parallel_loop3A_299 = arith.constant 1 : i32
          %parallel_loop3A_300 = vector.broadcast %parallel_loop3A_298 : i32 to vector<16xi32>
          %parallel_loop3A_301 = vector.broadcast %parallel_loop3A_299 : i32 to vector<16xi32>
          %parallel_loop3A_302 = arith.select %parallel_loop3A_297, %parallel_loop3A_300, %parallel_loop3A_301 : vector<16xi1>, vector<16xi32>
          %parallel_loop3A_303 = arith.addi %parallel_loop3A_166, %parallel_loop3A_166 : vector<16xi32>
          %parallel_loop3A_304 = arith.addi %parallel_loop3A_303, %parallel_loop3A_302 : vector<16xi32>
          %parallel_loop3A_305 = arith.constant 0.000000e+00 : f32
          %parallel_loop3A_306 = vector.broadcast %parallel_loop3A_305 : f32 to vector<16xf32>
          %parallel_loop3A_307 = arith.cmpf ogt, %parallel_loop3A_236, %parallel_loop3A_306 : vector<16xf32>
          %parallel_loop3A_308 = arith.constant 2 : i32
          %parallel_loop3A_309 = arith.constant 1 : i32
          %parallel_loop3A_310 = vector.broadcast %parallel_loop3A_308 : i32 to vector<16xi32>
          %parallel_loop3A_311 = vector.broadcast %parallel_loop3A_309 : i32 to vector<16xi32>
          %parallel_loop3A_312 = arith.select %parallel_loop3A_307, %parallel_loop3A_310, %parallel_loop3A_311 : vector<16xi1>, vector<16xi32>
          %parallel_loop3A_313 = arith.addi %parallel_loop3A_174, %parallel_loop3A_174 : vector<16xi32>
          %parallel_loop3A_314 = arith.addi %parallel_loop3A_313, %parallel_loop3A_312 : vector<16xi32>
          %parallel_loop3A_315 = arith.constant 0.000000e+00 : f32
          %parallel_loop3A_316 = vector.broadcast %parallel_loop3A_315 : f32 to vector<16xf32>
          %parallel_loop3A_317 = arith.cmpf ogt, %parallel_loop3A_237, %parallel_loop3A_316 : vector<16xf32>
          %parallel_loop3A_318 = arith.constant 2 : i32
          %parallel_loop3A_319 = arith.constant 1 : i32
          %parallel_loop3A_320 = vector.broadcast %parallel_loop3A_318 : i32 to vector<16xi32>
          %parallel_loop3A_321 = vector.broadcast %parallel_loop3A_319 : i32 to vector<16xi32>
          %parallel_loop3A_322 = arith.select %parallel_loop3A_317, %parallel_loop3A_320, %parallel_loop3A_321 : vector<16xi1>, vector<16xi32>
          %parallel_loop3A_323 = arith.addi %parallel_loop3A_182, %parallel_loop3A_182 : vector<16xi32>
          %parallel_loop3A_324 = arith.addi %parallel_loop3A_323, %parallel_loop3A_322 : vector<16xi32>
          %parallel_loop3A_325 = arith.constant 0.000000e+00 : f32
          %parallel_loop3A_326 = vector.broadcast %parallel_loop3A_325 : f32 to vector<16xf32>
          %parallel_loop3A_327 = arith.cmpf ogt, %parallel_loop3A_238, %parallel_loop3A_326 : vector<16xf32>
          %parallel_loop3A_328 = arith.constant 2 : i32
          %parallel_loop3A_329 = arith.constant 1 : i32
          %parallel_loop3A_330 = vector.broadcast %parallel_loop3A_328 : i32 to vector<16xi32>
          %parallel_loop3A_331 = vector.broadcast %parallel_loop3A_329 : i32 to vector<16xi32>
          %parallel_loop3A_332 = arith.select %parallel_loop3A_327, %parallel_loop3A_330, %parallel_loop3A_331 : vector<16xi1>, vector<16xi32>
          %parallel_loop3A_333 = arith.addi %parallel_loop3A_190, %parallel_loop3A_190 : vector<16xi32>
          %parallel_loop3A_334 = arith.addi %parallel_loop3A_333, %parallel_loop3A_332 : vector<16xi32>
          %parallel_loop3A_335 = arith.addi %mul3A_8, %parallel_loop3A_264 : vector<16xi32>
          %parallel_loop3A_336 = arith.addi %mul3A_14, %parallel_loop3A_274 : vector<16xi32>
          %parallel_loop3A_337 = arith.addi %mul3A_20, %parallel_loop3A_284 : vector<16xi32>
          %parallel_loop3A_338 = arith.addi %mul3A_26, %parallel_loop3A_294 : vector<16xi32>
          %parallel_loop3A_339 = arith.addi %mul3A_8, %parallel_loop3A_304 : vector<16xi32>
          %parallel_loop3A_340 = arith.addi %mul3A_14, %parallel_loop3A_314 : vector<16xi32>
          %parallel_loop3A_341 = arith.addi %mul3A_20, %parallel_loop3A_324 : vector<16xi32>
          %parallel_loop3A_342 = arith.addi %mul3A_26, %parallel_loop3A_334 : vector<16xi32>
          %parallel_loop3A_343 = tpu.vector_load_idx %arg9[%parallel_loop3A_335] : memref<8192xi32, #tpu.memory_space<vmem>>[vector<16xi32>], vector<16xi32>,
          %parallel_loop3A_344 = tpu.vector_load_idx %arg9[%parallel_loop3A_336] : memref<8192xi32, #tpu.memory_space<vmem>>[vector<16xi32>], vector<16xi32>,
          %parallel_loop3A_345 = tpu.vector_load_idx %arg9[%parallel_loop3A_337] : memref<8192xi32, #tpu.memory_space<vmem>>[vector<16xi32>], vector<16xi32>,
          %parallel_loop3A_346 = tpu.vector_load_idx %arg9[%parallel_loop3A_338] : memref<8192xi32, #tpu.memory_space<vmem>>[vector<16xi32>], vector<16xi32>,
          %parallel_loop3A_347 = tpu.vector_load_idx %arg9[%parallel_loop3A_339] : memref<8192xi32, #tpu.memory_space<vmem>>[vector<16xi32>], vector<16xi32>,
          %parallel_loop3A_348 = tpu.vector_load_idx %arg9[%parallel_loop3A_340] : memref<8192xi32, #tpu.memory_space<vmem>>[vector<16xi32>], vector<16xi32>,
          %parallel_loop3A_349 = tpu.vector_load_idx %arg9[%parallel_loop3A_341] : memref<8192xi32, #tpu.memory_space<vmem>>[vector<16xi32>], vector<16xi32>,
          %parallel_loop3A_350 = tpu.vector_load_idx %arg9[%parallel_loop3A_342] : memref<8192xi32, #tpu.memory_space<vmem>>[vector<16xi32>], vector<16xi32>,
          %parallel_loop3A_351 = tpu.vector_load_idx %arg8[%parallel_loop3A_335] : memref<8192xf32, #tpu.memory_space<vmem>>[vector<16xi32>], vector<16xf32>,
          %parallel_loop3A_352 = tpu.vector_load_idx %arg8[%parallel_loop3A_336] : memref<8192xf32, #tpu.memory_space<vmem>>[vector<16xi32>], vector<16xf32>,
          %parallel_loop3A_353 = tpu.vector_load_idx %arg8[%parallel_loop3A_337] : memref<8192xf32, #tpu.memory_space<vmem>>[vector<16xi32>], vector<16xf32>,
          %parallel_loop3A_354 = tpu.vector_load_idx %arg8[%parallel_loop3A_338] : memref<8192xf32, #tpu.memory_space<vmem>>[vector<16xi32>], vector<16xf32>,
          %parallel_loop3A_355 = tpu.vector_load_idx %arg8[%parallel_loop3A_339] : memref<8192xf32, #tpu.memory_space<vmem>>[vector<16xi32>], vector<16xf32>,
          %parallel_loop3A_356 = tpu.vector_load_idx %arg8[%parallel_loop3A_340] : memref<8192xf32, #tpu.memory_space<vmem>>[vector<16xi32>], vector<16xf32>,
          %parallel_loop3A_357 = tpu.vector_load_idx %arg8[%parallel_loop3A_341] : memref<8192xf32, #tpu.memory_space<vmem>>[vector<16xi32>], vector<16xf32>,
          %parallel_loop3A_358 = tpu.vector_load_idx %arg8[%parallel_loop3A_342] : memref<8192xf32, #tpu.memory_space<vmem>>[vector<16xi32>], vector<16xf32>,
          %parallel_loop3A_359 = arith.addi %parallel_loop3A_73, %parallel_loop3A_343 : vector<16xi32>
          %parallel_loop3A_360 = tpu.vector_load_idx %arg7[%parallel_loop3A_359] : memref<32768xf32, #tpu.memory_space<vmem>>[vector<16xi32>], vector<16xf32>,
          %parallel_loop3A_361 = arith.addi %parallel_loop3A_73, %parallel_loop3A_344 : vector<16xi32>
          %parallel_loop3A_362 = tpu.vector_load_idx %arg7[%parallel_loop3A_361] : memref<32768xf32, #tpu.memory_space<vmem>>[vector<16xi32>], vector<16xf32>,
          %parallel_loop3A_363 = arith.addi %parallel_loop3A_73, %parallel_loop3A_345 : vector<16xi32>
          %parallel_loop3A_364 = tpu.vector_load_idx %arg7[%parallel_loop3A_363] : memref<32768xf32, #tpu.memory_space<vmem>>[vector<16xi32>], vector<16xf32>,
          %parallel_loop3A_365 = arith.addi %parallel_loop3A_73, %parallel_loop3A_346 : vector<16xi32>
          %parallel_loop3A_366 = tpu.vector_load_idx %arg7[%parallel_loop3A_365] : memref<32768xf32, #tpu.memory_space<vmem>>[vector<16xi32>], vector<16xf32>,
          %parallel_loop3A_367 = arith.addi %parallel_loop3A_78, %parallel_loop3A_347 : vector<16xi32>
          %parallel_loop3A_368 = tpu.vector_load_idx %arg7[%parallel_loop3A_367] : memref<32768xf32, #tpu.memory_space<vmem>>[vector<16xi32>], vector<16xf32>,
          %parallel_loop3A_369 = arith.addi %parallel_loop3A_78, %parallel_loop3A_348 : vector<16xi32>
          %parallel_loop3A_370 = tpu.vector_load_idx %arg7[%parallel_loop3A_369] : memref<32768xf32, #tpu.memory_space<vmem>>[vector<16xi32>], vector<16xf32>,
          %parallel_loop3A_371 = arith.addi %parallel_loop3A_78, %parallel_loop3A_349 : vector<16xi32>
          %parallel_loop3A_372 = tpu.vector_load_idx %arg7[%parallel_loop3A_371] : memref<32768xf32, #tpu.memory_space<vmem>>[vector<16xi32>], vector<16xf32>,
          %parallel_loop3A_373 = arith.addi %parallel_loop3A_78, %parallel_loop3A_350 : vector<16xi32>
          %parallel_loop3A_374 = tpu.vector_load_idx %arg7[%parallel_loop3A_373] : memref<32768xf32, #tpu.memory_space<vmem>>[vector<16xi32>], vector<16xf32>,
          %parallel_loop3A_375 = arith.subf %parallel_loop3A_360, %parallel_loop3A_351 : vector<16xf32>
          %parallel_loop3A_376 = arith.subf %parallel_loop3A_362, %parallel_loop3A_352 : vector<16xf32>
          %parallel_loop3A_377 = arith.subf %parallel_loop3A_364, %parallel_loop3A_353 : vector<16xf32>
          %parallel_loop3A_378 = arith.subf %parallel_loop3A_366, %parallel_loop3A_354 : vector<16xf32>
          %parallel_loop3A_379 = arith.subf %parallel_loop3A_368, %parallel_loop3A_355 : vector<16xf32>
          %parallel_loop3A_380 = arith.subf %parallel_loop3A_370, %parallel_loop3A_356 : vector<16xf32>
          %parallel_loop3A_381 = arith.subf %parallel_loop3A_372, %parallel_loop3A_357 : vector<16xf32>
          %parallel_loop3A_382 = arith.subf %parallel_loop3A_374, %parallel_loop3A_358 : vector<16xf32>
          %parallel_loop3A_383 = math.absf %parallel_loop3A_375 : vector<16xf32>
          %parallel_loop3A_384 = arith.minimumf %parallel_loop3A_240, %parallel_loop3A_383 : vector<16xf32>
          %parallel_loop3A_385 = math.absf %parallel_loop3A_376 : vector<16xf32>
          %parallel_loop3A_386 = arith.minimumf %parallel_loop3A_242, %parallel_loop3A_385 : vector<16xf32>
          %parallel_loop3A_387 = math.absf %parallel_loop3A_377 : vector<16xf32>
          %parallel_loop3A_388 = arith.minimumf %parallel_loop3A_244, %parallel_loop3A_387 : vector<16xf32>
          %parallel_loop3A_389 = math.absf %parallel_loop3A_378 : vector<16xf32>
          %parallel_loop3A_390 = arith.minimumf %parallel_loop3A_246, %parallel_loop3A_389 : vector<16xf32>
          %parallel_loop3A_391 = math.absf %parallel_loop3A_379 : vector<16xf32>
          %parallel_loop3A_392 = arith.minimumf %parallel_loop3A_248, %parallel_loop3A_391 : vector<16xf32>
          %parallel_loop3A_393 = math.absf %parallel_loop3A_380 : vector<16xf32>
          %parallel_loop3A_394 = arith.minimumf %parallel_loop3A_250, %parallel_loop3A_393 : vector<16xf32>
          %parallel_loop3A_395 = math.absf %parallel_loop3A_381 : vector<16xf32>
          %parallel_loop3A_396 = arith.minimumf %parallel_loop3A_252, %parallel_loop3A_395 : vector<16xf32>
          %parallel_loop3A_397 = math.absf %parallel_loop3A_382 : vector<16xf32>
          %parallel_loop3A_398 = arith.minimumf %parallel_loop3A_254, %parallel_loop3A_397 : vector<16xf32>
          %parallel_loop3A_399 = arith.constant 0.000000e+00 : f32
          %parallel_loop3A_400 = vector.broadcast %parallel_loop3A_399 : f32 to vector<16xf32>
          %parallel_loop3A_401 = arith.cmpf ogt, %parallel_loop3A_375, %parallel_loop3A_400 : vector<16xf32>
          %parallel_loop3A_402 = arith.constant 2 : i32
          %parallel_loop3A_403 = arith.constant 1 : i32
          %parallel_loop3A_404 = vector.broadcast %parallel_loop3A_402 : i32 to vector<16xi32>
          %parallel_loop3A_405 = vector.broadcast %parallel_loop3A_403 : i32 to vector<16xi32>
          %parallel_loop3A_406 = arith.select %parallel_loop3A_401, %parallel_loop3A_404, %parallel_loop3A_405 : vector<16xi1>, vector<16xi32>
          %parallel_loop3A_407 = arith.addi %parallel_loop3A_264, %parallel_loop3A_264 : vector<16xi32>
          %parallel_loop3A_408 = arith.addi %parallel_loop3A_407, %parallel_loop3A_406 : vector<16xi32>
          %parallel_loop3A_409 = arith.constant 0.000000e+00 : f32
          %parallel_loop3A_410 = vector.broadcast %parallel_loop3A_409 : f32 to vector<16xf32>
          %parallel_loop3A_411 = arith.cmpf ogt, %parallel_loop3A_376, %parallel_loop3A_410 : vector<16xf32>
          %parallel_loop3A_412 = arith.constant 2 : i32
          %parallel_loop3A_413 = arith.constant 1 : i32
          %parallel_loop3A_414 = vector.broadcast %parallel_loop3A_412 : i32 to vector<16xi32>
          %parallel_loop3A_415 = vector.broadcast %parallel_loop3A_413 : i32 to vector<16xi32>
          %parallel_loop3A_416 = arith.select %parallel_loop3A_411, %parallel_loop3A_414, %parallel_loop3A_415 : vector<16xi1>, vector<16xi32>
          %parallel_loop3A_417 = arith.addi %parallel_loop3A_274, %parallel_loop3A_274 : vector<16xi32>
          %parallel_loop3A_418 = arith.addi %parallel_loop3A_417, %parallel_loop3A_416 : vector<16xi32>
          %parallel_loop3A_419 = arith.constant 0.000000e+00 : f32
          %parallel_loop3A_420 = vector.broadcast %parallel_loop3A_419 : f32 to vector<16xf32>
          %parallel_loop3A_421 = arith.cmpf ogt, %parallel_loop3A_377, %parallel_loop3A_420 : vector<16xf32>
          %parallel_loop3A_422 = arith.constant 2 : i32
          %parallel_loop3A_423 = arith.constant 1 : i32
          %parallel_loop3A_424 = vector.broadcast %parallel_loop3A_422 : i32 to vector<16xi32>
          %parallel_loop3A_425 = vector.broadcast %parallel_loop3A_423 : i32 to vector<16xi32>
          %parallel_loop3A_426 = arith.select %parallel_loop3A_421, %parallel_loop3A_424, %parallel_loop3A_425 : vector<16xi1>, vector<16xi32>
          %parallel_loop3A_427 = arith.addi %parallel_loop3A_284, %parallel_loop3A_284 : vector<16xi32>
          %parallel_loop3A_428 = arith.addi %parallel_loop3A_427, %parallel_loop3A_426 : vector<16xi32>
          %parallel_loop3A_429 = arith.constant 0.000000e+00 : f32
          %parallel_loop3A_430 = vector.broadcast %parallel_loop3A_429 : f32 to vector<16xf32>
          %parallel_loop3A_431 = arith.cmpf ogt, %parallel_loop3A_378, %parallel_loop3A_430 : vector<16xf32>
          %parallel_loop3A_432 = arith.constant 2 : i32
          %parallel_loop3A_433 = arith.constant 1 : i32
          %parallel_loop3A_434 = vector.broadcast %parallel_loop3A_432 : i32 to vector<16xi32>
          %parallel_loop3A_435 = vector.broadcast %parallel_loop3A_433 : i32 to vector<16xi32>
          %parallel_loop3A_436 = arith.select %parallel_loop3A_431, %parallel_loop3A_434, %parallel_loop3A_435 : vector<16xi1>, vector<16xi32>
          %parallel_loop3A_437 = arith.addi %parallel_loop3A_294, %parallel_loop3A_294 : vector<16xi32>
          %parallel_loop3A_438 = arith.addi %parallel_loop3A_437, %parallel_loop3A_436 : vector<16xi32>
          %parallel_loop3A_439 = arith.constant 0.000000e+00 : f32
          %parallel_loop3A_440 = vector.broadcast %parallel_loop3A_439 : f32 to vector<16xf32>
          %parallel_loop3A_441 = arith.cmpf ogt, %parallel_loop3A_379, %parallel_loop3A_440 : vector<16xf32>
          %parallel_loop3A_442 = arith.constant 2 : i32
          %parallel_loop3A_443 = arith.constant 1 : i32
          %parallel_loop3A_444 = vector.broadcast %parallel_loop3A_442 : i32 to vector<16xi32>
          %parallel_loop3A_445 = vector.broadcast %parallel_loop3A_443 : i32 to vector<16xi32>
          %parallel_loop3A_446 = arith.select %parallel_loop3A_441, %parallel_loop3A_444, %parallel_loop3A_445 : vector<16xi1>, vector<16xi32>
          %parallel_loop3A_447 = arith.addi %parallel_loop3A_304, %parallel_loop3A_304 : vector<16xi32>
          %parallel_loop3A_448 = arith.addi %parallel_loop3A_447, %parallel_loop3A_446 : vector<16xi32>
          %parallel_loop3A_449 = arith.constant 0.000000e+00 : f32
          %parallel_loop3A_450 = vector.broadcast %parallel_loop3A_449 : f32 to vector<16xf32>
          %parallel_loop3A_451 = arith.cmpf ogt, %parallel_loop3A_380, %parallel_loop3A_450 : vector<16xf32>
          %parallel_loop3A_452 = arith.constant 2 : i32
          %parallel_loop3A_453 = arith.constant 1 : i32
          %parallel_loop3A_454 = vector.broadcast %parallel_loop3A_452 : i32 to vector<16xi32>
          %parallel_loop3A_455 = vector.broadcast %parallel_loop3A_453 : i32 to vector<16xi32>
          %parallel_loop3A_456 = arith.select %parallel_loop3A_451, %parallel_loop3A_454, %parallel_loop3A_455 : vector<16xi1>, vector<16xi32>
          %parallel_loop3A_457 = arith.addi %parallel_loop3A_314, %parallel_loop3A_314 : vector<16xi32>
          %parallel_loop3A_458 = arith.addi %parallel_loop3A_457, %parallel_loop3A_456 : vector<16xi32>
          %parallel_loop3A_459 = arith.constant 0.000000e+00 : f32
          %parallel_loop3A_460 = vector.broadcast %parallel_loop3A_459 : f32 to vector<16xf32>
          %parallel_loop3A_461 = arith.cmpf ogt, %parallel_loop3A_381, %parallel_loop3A_460 : vector<16xf32>
          %parallel_loop3A_462 = arith.constant 2 : i32
          %parallel_loop3A_463 = arith.constant 1 : i32
          %parallel_loop3A_464 = vector.broadcast %parallel_loop3A_462 : i32 to vector<16xi32>
          %parallel_loop3A_465 = vector.broadcast %parallel_loop3A_463 : i32 to vector<16xi32>
          %parallel_loop3A_466 = arith.select %parallel_loop3A_461, %parallel_loop3A_464, %parallel_loop3A_465 : vector<16xi1>, vector<16xi32>
          %parallel_loop3A_467 = arith.addi %parallel_loop3A_324, %parallel_loop3A_324 : vector<16xi32>
          %parallel_loop3A_468 = arith.addi %parallel_loop3A_467, %parallel_loop3A_466 : vector<16xi32>
          %parallel_loop3A_469 = arith.constant 0.000000e+00 : f32
          %parallel_loop3A_470 = vector.broadcast %parallel_loop3A_469 : f32 to vector<16xf32>
          %parallel_loop3A_471 = arith.cmpf ogt, %parallel_loop3A_382, %parallel_loop3A_470 : vector<16xf32>
          %parallel_loop3A_472 = arith.constant 2 : i32
          %parallel_loop3A_473 = arith.constant 1 : i32
          %parallel_loop3A_474 = vector.broadcast %parallel_loop3A_472 : i32 to vector<16xi32>
          %parallel_loop3A_475 = vector.broadcast %parallel_loop3A_473 : i32 to vector<16xi32>
          %parallel_loop3A_476 = arith.select %parallel_loop3A_471, %parallel_loop3A_474, %parallel_loop3A_475 : vector<16xi1>, vector<16xi32>
          %parallel_loop3A_477 = arith.addi %parallel_loop3A_334, %parallel_loop3A_334 : vector<16xi32>
          %parallel_loop3A_478 = arith.addi %parallel_loop3A_477, %parallel_loop3A_476 : vector<16xi32>
          %parallel_loop3A_479 = arith.addi %mul3A_8, %parallel_loop3A_408 : vector<16xi32>
          %parallel_loop3A_480 = arith.addi %mul3A_14, %parallel_loop3A_418 : vector<16xi32>
          %parallel_loop3A_481 = arith.addi %mul3A_20, %parallel_loop3A_428 : vector<16xi32>
          %parallel_loop3A_482 = arith.addi %mul3A_26, %parallel_loop3A_438 : vector<16xi32>
          %parallel_loop3A_483 = arith.addi %mul3A_8, %parallel_loop3A_448 : vector<16xi32>
          %parallel_loop3A_484 = arith.addi %mul3A_14, %parallel_loop3A_458 : vector<16xi32>
          %parallel_loop3A_485 = arith.addi %mul3A_20, %parallel_loop3A_468 : vector<16xi32>
          %parallel_loop3A_486 = arith.addi %mul3A_26, %parallel_loop3A_478 : vector<16xi32>
          %parallel_loop3A_487 = tpu.vector_load_idx %arg9[%parallel_loop3A_479] : memref<8192xi32, #tpu.memory_space<vmem>>[vector<16xi32>], vector<16xi32>,
          %parallel_loop3A_488 = tpu.vector_load_idx %arg9[%parallel_loop3A_480] : memref<8192xi32, #tpu.memory_space<vmem>>[vector<16xi32>], vector<16xi32>,
          %parallel_loop3A_489 = tpu.vector_load_idx %arg9[%parallel_loop3A_481] : memref<8192xi32, #tpu.memory_space<vmem>>[vector<16xi32>], vector<16xi32>,
          %parallel_loop3A_490 = tpu.vector_load_idx %arg9[%parallel_loop3A_482] : memref<8192xi32, #tpu.memory_space<vmem>>[vector<16xi32>], vector<16xi32>,
          %parallel_loop3A_491 = tpu.vector_load_idx %arg9[%parallel_loop3A_483] : memref<8192xi32, #tpu.memory_space<vmem>>[vector<16xi32>], vector<16xi32>,
          %parallel_loop3A_492 = tpu.vector_load_idx %arg9[%parallel_loop3A_484] : memref<8192xi32, #tpu.memory_space<vmem>>[vector<16xi32>], vector<16xi32>,
          %parallel_loop3A_493 = tpu.vector_load_idx %arg9[%parallel_loop3A_485] : memref<8192xi32, #tpu.memory_space<vmem>>[vector<16xi32>], vector<16xi32>,
          %parallel_loop3A_494 = tpu.vector_load_idx %arg9[%parallel_loop3A_486] : memref<8192xi32, #tpu.memory_space<vmem>>[vector<16xi32>], vector<16xi32>,
          %parallel_loop3A_495 = tpu.vector_load_idx %arg8[%parallel_loop3A_479] : memref<8192xf32, #tpu.memory_space<vmem>>[vector<16xi32>], vector<16xf32>,
          %parallel_loop3A_496 = tpu.vector_load_idx %arg8[%parallel_loop3A_480] : memref<8192xf32, #tpu.memory_space<vmem>>[vector<16xi32>], vector<16xf32>,
          %parallel_loop3A_497 = tpu.vector_load_idx %arg8[%parallel_loop3A_481] : memref<8192xf32, #tpu.memory_space<vmem>>[vector<16xi32>], vector<16xf32>,
          %parallel_loop3A_498 = tpu.vector_load_idx %arg8[%parallel_loop3A_482] : memref<8192xf32, #tpu.memory_space<vmem>>[vector<16xi32>], vector<16xf32>,
          %parallel_loop3A_499 = tpu.vector_load_idx %arg8[%parallel_loop3A_483] : memref<8192xf32, #tpu.memory_space<vmem>>[vector<16xi32>], vector<16xf32>,
          %parallel_loop3A_500 = tpu.vector_load_idx %arg8[%parallel_loop3A_484] : memref<8192xf32, #tpu.memory_space<vmem>>[vector<16xi32>], vector<16xf32>,
          %parallel_loop3A_501 = tpu.vector_load_idx %arg8[%parallel_loop3A_485] : memref<8192xf32, #tpu.memory_space<vmem>>[vector<16xi32>], vector<16xf32>,
          %parallel_loop3A_502 = tpu.vector_load_idx %arg8[%parallel_loop3A_486] : memref<8192xf32, #tpu.memory_space<vmem>>[vector<16xi32>], vector<16xf32>,
          %parallel_loop3A_503 = arith.addi %parallel_loop3A_73, %parallel_loop3A_487 : vector<16xi32>
          %parallel_loop3A_504 = tpu.vector_load_idx %arg7[%parallel_loop3A_503] : memref<32768xf32, #tpu.memory_space<vmem>>[vector<16xi32>], vector<16xf32>,
          %parallel_loop3A_505 = arith.addi %parallel_loop3A_73, %parallel_loop3A_488 : vector<16xi32>
          %parallel_loop3A_506 = tpu.vector_load_idx %arg7[%parallel_loop3A_505] : memref<32768xf32, #tpu.memory_space<vmem>>[vector<16xi32>], vector<16xf32>,
          %parallel_loop3A_507 = arith.addi %parallel_loop3A_73, %parallel_loop3A_489 : vector<16xi32>
          %parallel_loop3A_508 = tpu.vector_load_idx %arg7[%parallel_loop3A_507] : memref<32768xf32, #tpu.memory_space<vmem>>[vector<16xi32>], vector<16xf32>,
          %parallel_loop3A_509 = arith.addi %parallel_loop3A_73, %parallel_loop3A_490 : vector<16xi32>
          %parallel_loop3A_510 = tpu.vector_load_idx %arg7[%parallel_loop3A_509] : memref<32768xf32, #tpu.memory_space<vmem>>[vector<16xi32>], vector<16xf32>,
          %parallel_loop3A_511 = arith.addi %parallel_loop3A_78, %parallel_loop3A_491 : vector<16xi32>
          %parallel_loop3A_512 = tpu.vector_load_idx %arg7[%parallel_loop3A_511] : memref<32768xf32, #tpu.memory_space<vmem>>[vector<16xi32>], vector<16xf32>,
          %parallel_loop3A_513 = arith.addi %parallel_loop3A_78, %parallel_loop3A_492 : vector<16xi32>
          %parallel_loop3A_514 = tpu.vector_load_idx %arg7[%parallel_loop3A_513] : memref<32768xf32, #tpu.memory_space<vmem>>[vector<16xi32>], vector<16xf32>,
          %parallel_loop3A_515 = arith.addi %parallel_loop3A_78, %parallel_loop3A_493 : vector<16xi32>
          %parallel_loop3A_516 = tpu.vector_load_idx %arg7[%parallel_loop3A_515] : memref<32768xf32, #tpu.memory_space<vmem>>[vector<16xi32>], vector<16xf32>,
          %parallel_loop3A_517 = arith.addi %parallel_loop3A_78, %parallel_loop3A_494 : vector<16xi32>
          %parallel_loop3A_518 = tpu.vector_load_idx %arg7[%parallel_loop3A_517] : memref<32768xf32, #tpu.memory_space<vmem>>[vector<16xi32>], vector<16xf32>,
          %parallel_loop3A_519 = arith.subf %parallel_loop3A_504, %parallel_loop3A_495 : vector<16xf32>
          %parallel_loop3A_520 = arith.subf %parallel_loop3A_506, %parallel_loop3A_496 : vector<16xf32>
          %parallel_loop3A_521 = arith.subf %parallel_loop3A_508, %parallel_loop3A_497 : vector<16xf32>
          %parallel_loop3A_522 = arith.subf %parallel_loop3A_510, %parallel_loop3A_498 : vector<16xf32>
          %parallel_loop3A_523 = arith.subf %parallel_loop3A_512, %parallel_loop3A_499 : vector<16xf32>
          %parallel_loop3A_524 = arith.subf %parallel_loop3A_514, %parallel_loop3A_500 : vector<16xf32>
          %parallel_loop3A_525 = arith.subf %parallel_loop3A_516, %parallel_loop3A_501 : vector<16xf32>
          %parallel_loop3A_526 = arith.subf %parallel_loop3A_518, %parallel_loop3A_502 : vector<16xf32>
          %parallel_loop3A_527 = math.absf %parallel_loop3A_519 : vector<16xf32>
          %parallel_loop3A_528 = arith.minimumf %parallel_loop3A_384, %parallel_loop3A_527 : vector<16xf32>
          %parallel_loop3A_529 = math.absf %parallel_loop3A_520 : vector<16xf32>
          %parallel_loop3A_530 = arith.minimumf %parallel_loop3A_386, %parallel_loop3A_529 : vector<16xf32>
          %parallel_loop3A_531 = math.absf %parallel_loop3A_521 : vector<16xf32>
          %parallel_loop3A_532 = arith.minimumf %parallel_loop3A_388, %parallel_loop3A_531 : vector<16xf32>
          %parallel_loop3A_533 = math.absf %parallel_loop3A_522 : vector<16xf32>
          %parallel_loop3A_534 = arith.minimumf %parallel_loop3A_390, %parallel_loop3A_533 : vector<16xf32>
          %parallel_loop3A_535 = math.absf %parallel_loop3A_523 : vector<16xf32>
          %parallel_loop3A_536 = arith.minimumf %parallel_loop3A_392, %parallel_loop3A_535 : vector<16xf32>
          %parallel_loop3A_537 = math.absf %parallel_loop3A_524 : vector<16xf32>
          %parallel_loop3A_538 = arith.minimumf %parallel_loop3A_394, %parallel_loop3A_537 : vector<16xf32>
          %parallel_loop3A_539 = math.absf %parallel_loop3A_525 : vector<16xf32>
          %parallel_loop3A_540 = arith.minimumf %parallel_loop3A_396, %parallel_loop3A_539 : vector<16xf32>
          %parallel_loop3A_541 = math.absf %parallel_loop3A_526 : vector<16xf32>
          %parallel_loop3A_542 = arith.minimumf %parallel_loop3A_398, %parallel_loop3A_541 : vector<16xf32>
          %parallel_loop3A_543 = arith.constant 0.000000e+00 : f32
          %parallel_loop3A_544 = vector.broadcast %parallel_loop3A_543 : f32 to vector<16xf32>
          %parallel_loop3A_545 = arith.cmpf ogt, %parallel_loop3A_519, %parallel_loop3A_544 : vector<16xf32>
          %parallel_loop3A_546 = arith.constant 2 : i32
          %parallel_loop3A_547 = arith.constant 1 : i32
          %parallel_loop3A_548 = vector.broadcast %parallel_loop3A_546 : i32 to vector<16xi32>
          %parallel_loop3A_549 = vector.broadcast %parallel_loop3A_547 : i32 to vector<16xi32>
          %parallel_loop3A_550 = arith.select %parallel_loop3A_545, %parallel_loop3A_548, %parallel_loop3A_549 : vector<16xi1>, vector<16xi32>
          %parallel_loop3A_551 = arith.addi %parallel_loop3A_408, %parallel_loop3A_408 : vector<16xi32>
          %parallel_loop3A_552 = arith.addi %parallel_loop3A_551, %parallel_loop3A_550 : vector<16xi32>
          %parallel_loop3A_553 = arith.constant 0.000000e+00 : f32
          %parallel_loop3A_554 = vector.broadcast %parallel_loop3A_553 : f32 to vector<16xf32>
          %parallel_loop3A_555 = arith.cmpf ogt, %parallel_loop3A_520, %parallel_loop3A_554 : vector<16xf32>
          %parallel_loop3A_556 = arith.constant 2 : i32
          %parallel_loop3A_557 = arith.constant 1 : i32
          %parallel_loop3A_558 = vector.broadcast %parallel_loop3A_556 : i32 to vector<16xi32>
          %parallel_loop3A_559 = vector.broadcast %parallel_loop3A_557 : i32 to vector<16xi32>
          %parallel_loop3A_560 = arith.select %parallel_loop3A_555, %parallel_loop3A_558, %parallel_loop3A_559 : vector<16xi1>, vector<16xi32>
          %parallel_loop3A_561 = arith.addi %parallel_loop3A_418, %parallel_loop3A_418 : vector<16xi32>
          %parallel_loop3A_562 = arith.addi %parallel_loop3A_561, %parallel_loop3A_560 : vector<16xi32>
          %parallel_loop3A_563 = arith.constant 0.000000e+00 : f32
          %parallel_loop3A_564 = vector.broadcast %parallel_loop3A_563 : f32 to vector<16xf32>
          %parallel_loop3A_565 = arith.cmpf ogt, %parallel_loop3A_521, %parallel_loop3A_564 : vector<16xf32>
          %parallel_loop3A_566 = arith.constant 2 : i32
          %parallel_loop3A_567 = arith.constant 1 : i32
          %parallel_loop3A_568 = vector.broadcast %parallel_loop3A_566 : i32 to vector<16xi32>
          %parallel_loop3A_569 = vector.broadcast %parallel_loop3A_567 : i32 to vector<16xi32>
          %parallel_loop3A_570 = arith.select %parallel_loop3A_565, %parallel_loop3A_568, %parallel_loop3A_569 : vector<16xi1>, vector<16xi32>
          %parallel_loop3A_571 = arith.addi %parallel_loop3A_428, %parallel_loop3A_428 : vector<16xi32>
          %parallel_loop3A_572 = arith.addi %parallel_loop3A_571, %parallel_loop3A_570 : vector<16xi32>
          %parallel_loop3A_573 = arith.constant 0.000000e+00 : f32
          %parallel_loop3A_574 = vector.broadcast %parallel_loop3A_573 : f32 to vector<16xf32>
          %parallel_loop3A_575 = arith.cmpf ogt, %parallel_loop3A_522, %parallel_loop3A_574 : vector<16xf32>
          %parallel_loop3A_576 = arith.constant 2 : i32
          %parallel_loop3A_577 = arith.constant 1 : i32
          %parallel_loop3A_578 = vector.broadcast %parallel_loop3A_576 : i32 to vector<16xi32>
          %parallel_loop3A_579 = vector.broadcast %parallel_loop3A_577 : i32 to vector<16xi32>
          %parallel_loop3A_580 = arith.select %parallel_loop3A_575, %parallel_loop3A_578, %parallel_loop3A_579 : vector<16xi1>, vector<16xi32>
          %parallel_loop3A_581 = arith.addi %parallel_loop3A_438, %parallel_loop3A_438 : vector<16xi32>
          %parallel_loop3A_582 = arith.addi %parallel_loop3A_581, %parallel_loop3A_580 : vector<16xi32>
          %parallel_loop3A_583 = arith.constant 0.000000e+00 : f32
          %parallel_loop3A_584 = vector.broadcast %parallel_loop3A_583 : f32 to vector<16xf32>
          %parallel_loop3A_585 = arith.cmpf ogt, %parallel_loop3A_523, %parallel_loop3A_584 : vector<16xf32>
          %parallel_loop3A_586 = arith.constant 2 : i32
          %parallel_loop3A_587 = arith.constant 1 : i32
          %parallel_loop3A_588 = vector.broadcast %parallel_loop3A_586 : i32 to vector<16xi32>
          %parallel_loop3A_589 = vector.broadcast %parallel_loop3A_587 : i32 to vector<16xi32>
          %parallel_loop3A_590 = arith.select %parallel_loop3A_585, %parallel_loop3A_588, %parallel_loop3A_589 : vector<16xi1>, vector<16xi32>
          %parallel_loop3A_591 = arith.addi %parallel_loop3A_448, %parallel_loop3A_448 : vector<16xi32>
          %parallel_loop3A_592 = arith.addi %parallel_loop3A_591, %parallel_loop3A_590 : vector<16xi32>
          %parallel_loop3A_593 = arith.constant 0.000000e+00 : f32
          %parallel_loop3A_594 = vector.broadcast %parallel_loop3A_593 : f32 to vector<16xf32>
          %parallel_loop3A_595 = arith.cmpf ogt, %parallel_loop3A_524, %parallel_loop3A_594 : vector<16xf32>
          %parallel_loop3A_596 = arith.constant 2 : i32
          %parallel_loop3A_597 = arith.constant 1 : i32
          %parallel_loop3A_598 = vector.broadcast %parallel_loop3A_596 : i32 to vector<16xi32>
          %parallel_loop3A_599 = vector.broadcast %parallel_loop3A_597 : i32 to vector<16xi32>
          %parallel_loop3A_600 = arith.select %parallel_loop3A_595, %parallel_loop3A_598, %parallel_loop3A_599 : vector<16xi1>, vector<16xi32>
          %parallel_loop3A_601 = arith.addi %parallel_loop3A_458, %parallel_loop3A_458 : vector<16xi32>
          %parallel_loop3A_602 = arith.addi %parallel_loop3A_601, %parallel_loop3A_600 : vector<16xi32>
          %parallel_loop3A_603 = arith.constant 0.000000e+00 : f32
          %parallel_loop3A_604 = vector.broadcast %parallel_loop3A_603 : f32 to vector<16xf32>
          %parallel_loop3A_605 = arith.cmpf ogt, %parallel_loop3A_525, %parallel_loop3A_604 : vector<16xf32>
          %parallel_loop3A_606 = arith.constant 2 : i32
          %parallel_loop3A_607 = arith.constant 1 : i32
          %parallel_loop3A_608 = vector.broadcast %parallel_loop3A_606 : i32 to vector<16xi32>
          %parallel_loop3A_609 = vector.broadcast %parallel_loop3A_607 : i32 to vector<16xi32>
          %parallel_loop3A_610 = arith.select %parallel_loop3A_605, %parallel_loop3A_608, %parallel_loop3A_609 : vector<16xi1>, vector<16xi32>
          %parallel_loop3A_611 = arith.addi %parallel_loop3A_468, %parallel_loop3A_468 : vector<16xi32>
          %parallel_loop3A_612 = arith.addi %parallel_loop3A_611, %parallel_loop3A_610 : vector<16xi32>
          %parallel_loop3A_613 = arith.constant 0.000000e+00 : f32
          %parallel_loop3A_614 = vector.broadcast %parallel_loop3A_613 : f32 to vector<16xf32>
          %parallel_loop3A_615 = arith.cmpf ogt, %parallel_loop3A_526, %parallel_loop3A_614 : vector<16xf32>
          %parallel_loop3A_616 = arith.constant 2 : i32
          %parallel_loop3A_617 = arith.constant 1 : i32
          %parallel_loop3A_618 = vector.broadcast %parallel_loop3A_616 : i32 to vector<16xi32>
          %parallel_loop3A_619 = vector.broadcast %parallel_loop3A_617 : i32 to vector<16xi32>
          %parallel_loop3A_620 = arith.select %parallel_loop3A_615, %parallel_loop3A_618, %parallel_loop3A_619 : vector<16xi1>, vector<16xi32>
          %parallel_loop3A_621 = arith.addi %parallel_loop3A_478, %parallel_loop3A_478 : vector<16xi32>
          %parallel_loop3A_622 = arith.addi %parallel_loop3A_621, %parallel_loop3A_620 : vector<16xi32>
          %parallel_loop3A_623 = arith.addi %mul3A_8, %parallel_loop3A_552 : vector<16xi32>
          %parallel_loop3A_624 = arith.addi %mul3A_14, %parallel_loop3A_562 : vector<16xi32>
          %parallel_loop3A_625 = arith.addi %mul3A_20, %parallel_loop3A_572 : vector<16xi32>
          %parallel_loop3A_626 = arith.addi %mul3A_26, %parallel_loop3A_582 : vector<16xi32>
          %parallel_loop3A_627 = arith.addi %mul3A_8, %parallel_loop3A_592 : vector<16xi32>
          %parallel_loop3A_628 = arith.addi %mul3A_14, %parallel_loop3A_602 : vector<16xi32>
          %parallel_loop3A_629 = arith.addi %mul3A_20, %parallel_loop3A_612 : vector<16xi32>
          %parallel_loop3A_630 = arith.addi %mul3A_26, %parallel_loop3A_622 : vector<16xi32>
          %parallel_loop3A_631 = tpu.vector_load_idx %arg9[%parallel_loop3A_623] : memref<8192xi32, #tpu.memory_space<vmem>>[vector<16xi32>], vector<16xi32>,
          %parallel_loop3A_632 = tpu.vector_load_idx %arg9[%parallel_loop3A_624] : memref<8192xi32, #tpu.memory_space<vmem>>[vector<16xi32>], vector<16xi32>,
          %parallel_loop3A_633 = tpu.vector_load_idx %arg9[%parallel_loop3A_625] : memref<8192xi32, #tpu.memory_space<vmem>>[vector<16xi32>], vector<16xi32>,
          %parallel_loop3A_634 = tpu.vector_load_idx %arg9[%parallel_loop3A_626] : memref<8192xi32, #tpu.memory_space<vmem>>[vector<16xi32>], vector<16xi32>,
          %parallel_loop3A_635 = tpu.vector_load_idx %arg9[%parallel_loop3A_627] : memref<8192xi32, #tpu.memory_space<vmem>>[vector<16xi32>], vector<16xi32>,
          %parallel_loop3A_636 = tpu.vector_load_idx %arg9[%parallel_loop3A_628] : memref<8192xi32, #tpu.memory_space<vmem>>[vector<16xi32>], vector<16xi32>,
          %parallel_loop3A_637 = tpu.vector_load_idx %arg9[%parallel_loop3A_629] : memref<8192xi32, #tpu.memory_space<vmem>>[vector<16xi32>], vector<16xi32>,
          %parallel_loop3A_638 = tpu.vector_load_idx %arg9[%parallel_loop3A_630] : memref<8192xi32, #tpu.memory_space<vmem>>[vector<16xi32>], vector<16xi32>,
          %parallel_loop3A_639 = tpu.vector_load_idx %arg8[%parallel_loop3A_623] : memref<8192xf32, #tpu.memory_space<vmem>>[vector<16xi32>], vector<16xf32>,
          %parallel_loop3A_640 = tpu.vector_load_idx %arg8[%parallel_loop3A_624] : memref<8192xf32, #tpu.memory_space<vmem>>[vector<16xi32>], vector<16xf32>,
          %parallel_loop3A_641 = tpu.vector_load_idx %arg8[%parallel_loop3A_625] : memref<8192xf32, #tpu.memory_space<vmem>>[vector<16xi32>], vector<16xf32>,
          %parallel_loop3A_642 = tpu.vector_load_idx %arg8[%parallel_loop3A_626] : memref<8192xf32, #tpu.memory_space<vmem>>[vector<16xi32>], vector<16xf32>,
          %parallel_loop3A_643 = tpu.vector_load_idx %arg8[%parallel_loop3A_627] : memref<8192xf32, #tpu.memory_space<vmem>>[vector<16xi32>], vector<16xf32>,
          %parallel_loop3A_644 = tpu.vector_load_idx %arg8[%parallel_loop3A_628] : memref<8192xf32, #tpu.memory_space<vmem>>[vector<16xi32>], vector<16xf32>,
          %parallel_loop3A_645 = tpu.vector_load_idx %arg8[%parallel_loop3A_629] : memref<8192xf32, #tpu.memory_space<vmem>>[vector<16xi32>], vector<16xf32>,
          %parallel_loop3A_646 = tpu.vector_load_idx %arg8[%parallel_loop3A_630] : memref<8192xf32, #tpu.memory_space<vmem>>[vector<16xi32>], vector<16xf32>,
          %parallel_loop3A_647 = arith.addi %parallel_loop3A_73, %parallel_loop3A_631 : vector<16xi32>
          %parallel_loop3A_648 = tpu.vector_load_idx %arg7[%parallel_loop3A_647] : memref<32768xf32, #tpu.memory_space<vmem>>[vector<16xi32>], vector<16xf32>,
          %parallel_loop3A_649 = arith.addi %parallel_loop3A_73, %parallel_loop3A_632 : vector<16xi32>
          %parallel_loop3A_650 = tpu.vector_load_idx %arg7[%parallel_loop3A_649] : memref<32768xf32, #tpu.memory_space<vmem>>[vector<16xi32>], vector<16xf32>,
          %parallel_loop3A_651 = arith.addi %parallel_loop3A_73, %parallel_loop3A_633 : vector<16xi32>
          %parallel_loop3A_652 = tpu.vector_load_idx %arg7[%parallel_loop3A_651] : memref<32768xf32, #tpu.memory_space<vmem>>[vector<16xi32>], vector<16xf32>,
          %parallel_loop3A_653 = arith.addi %parallel_loop3A_73, %parallel_loop3A_634 : vector<16xi32>
          %parallel_loop3A_654 = tpu.vector_load_idx %arg7[%parallel_loop3A_653] : memref<32768xf32, #tpu.memory_space<vmem>>[vector<16xi32>], vector<16xf32>,
          %parallel_loop3A_655 = arith.addi %parallel_loop3A_78, %parallel_loop3A_635 : vector<16xi32>
          %parallel_loop3A_656 = tpu.vector_load_idx %arg7[%parallel_loop3A_655] : memref<32768xf32, #tpu.memory_space<vmem>>[vector<16xi32>], vector<16xf32>,
          %parallel_loop3A_657 = arith.addi %parallel_loop3A_78, %parallel_loop3A_636 : vector<16xi32>
          %parallel_loop3A_658 = tpu.vector_load_idx %arg7[%parallel_loop3A_657] : memref<32768xf32, #tpu.memory_space<vmem>>[vector<16xi32>], vector<16xf32>,
          %parallel_loop3A_659 = arith.addi %parallel_loop3A_78, %parallel_loop3A_637 : vector<16xi32>
          %parallel_loop3A_660 = tpu.vector_load_idx %arg7[%parallel_loop3A_659] : memref<32768xf32, #tpu.memory_space<vmem>>[vector<16xi32>], vector<16xf32>,
          %parallel_loop3A_661 = arith.addi %parallel_loop3A_78, %parallel_loop3A_638 : vector<16xi32>
          %parallel_loop3A_662 = tpu.vector_load_idx %arg7[%parallel_loop3A_661] : memref<32768xf32, #tpu.memory_space<vmem>>[vector<16xi32>], vector<16xf32>,
          %parallel_loop3A_663 = arith.subf %parallel_loop3A_648, %parallel_loop3A_639 : vector<16xf32>
          %parallel_loop3A_664 = arith.subf %parallel_loop3A_650, %parallel_loop3A_640 : vector<16xf32>
          %parallel_loop3A_665 = arith.subf %parallel_loop3A_652, %parallel_loop3A_641 : vector<16xf32>
          %parallel_loop3A_666 = arith.subf %parallel_loop3A_654, %parallel_loop3A_642 : vector<16xf32>
          %parallel_loop3A_667 = arith.subf %parallel_loop3A_656, %parallel_loop3A_643 : vector<16xf32>
          %parallel_loop3A_668 = arith.subf %parallel_loop3A_658, %parallel_loop3A_644 : vector<16xf32>
          %parallel_loop3A_669 = arith.subf %parallel_loop3A_660, %parallel_loop3A_645 : vector<16xf32>
          %parallel_loop3A_670 = arith.subf %parallel_loop3A_662, %parallel_loop3A_646 : vector<16xf32>
          %parallel_loop3A_671 = math.absf %parallel_loop3A_663 : vector<16xf32>
          %parallel_loop3A_672 = arith.minimumf %parallel_loop3A_528, %parallel_loop3A_671 : vector<16xf32>
          %parallel_loop3A_673 = math.absf %parallel_loop3A_664 : vector<16xf32>
          %parallel_loop3A_674 = arith.minimumf %parallel_loop3A_530, %parallel_loop3A_673 : vector<16xf32>
          %parallel_loop3A_675 = math.absf %parallel_loop3A_665 : vector<16xf32>
          %parallel_loop3A_676 = arith.minimumf %parallel_loop3A_532, %parallel_loop3A_675 : vector<16xf32>
          %parallel_loop3A_677 = math.absf %parallel_loop3A_666 : vector<16xf32>
          %parallel_loop3A_678 = arith.minimumf %parallel_loop3A_534, %parallel_loop3A_677 : vector<16xf32>
          %parallel_loop3A_679 = math.absf %parallel_loop3A_667 : vector<16xf32>
          %parallel_loop3A_680 = arith.minimumf %parallel_loop3A_536, %parallel_loop3A_679 : vector<16xf32>
          %parallel_loop3A_681 = math.absf %parallel_loop3A_668 : vector<16xf32>
          %parallel_loop3A_682 = arith.minimumf %parallel_loop3A_538, %parallel_loop3A_681 : vector<16xf32>
          %parallel_loop3A_683 = math.absf %parallel_loop3A_669 : vector<16xf32>
          %parallel_loop3A_684 = arith.minimumf %parallel_loop3A_540, %parallel_loop3A_683 : vector<16xf32>
          %parallel_loop3A_685 = math.absf %parallel_loop3A_670 : vector<16xf32>
          %parallel_loop3A_686 = arith.minimumf %parallel_loop3A_542, %parallel_loop3A_685 : vector<16xf32>
          %parallel_loop3A_687 = arith.constant 0.000000e+00 : f32
          %parallel_loop3A_688 = vector.broadcast %parallel_loop3A_687 : f32 to vector<16xf32>
          %parallel_loop3A_689 = arith.cmpf ogt, %parallel_loop3A_663, %parallel_loop3A_688 : vector<16xf32>
          %parallel_loop3A_690 = arith.constant 2 : i32
          %parallel_loop3A_691 = arith.constant 1 : i32
          %parallel_loop3A_692 = vector.broadcast %parallel_loop3A_690 : i32 to vector<16xi32>
          %parallel_loop3A_693 = vector.broadcast %parallel_loop3A_691 : i32 to vector<16xi32>
          %parallel_loop3A_694 = arith.select %parallel_loop3A_689, %parallel_loop3A_692, %parallel_loop3A_693 : vector<16xi1>, vector<16xi32>
          %parallel_loop3A_695 = arith.addi %parallel_loop3A_552, %parallel_loop3A_552 : vector<16xi32>
          %parallel_loop3A_696 = arith.addi %parallel_loop3A_695, %parallel_loop3A_694 : vector<16xi32>
          %parallel_loop3A_697 = arith.constant 0.000000e+00 : f32
          %parallel_loop3A_698 = vector.broadcast %parallel_loop3A_697 : f32 to vector<16xf32>
          %parallel_loop3A_699 = arith.cmpf ogt, %parallel_loop3A_664, %parallel_loop3A_698 : vector<16xf32>
          %parallel_loop3A_700 = arith.constant 2 : i32
          %parallel_loop3A_701 = arith.constant 1 : i32
          %parallel_loop3A_702 = vector.broadcast %parallel_loop3A_700 : i32 to vector<16xi32>
          %parallel_loop3A_703 = vector.broadcast %parallel_loop3A_701 : i32 to vector<16xi32>
          %parallel_loop3A_704 = arith.select %parallel_loop3A_699, %parallel_loop3A_702, %parallel_loop3A_703 : vector<16xi1>, vector<16xi32>
          %parallel_loop3A_705 = arith.addi %parallel_loop3A_562, %parallel_loop3A_562 : vector<16xi32>
          %parallel_loop3A_706 = arith.addi %parallel_loop3A_705, %parallel_loop3A_704 : vector<16xi32>
          %parallel_loop3A_707 = arith.constant 0.000000e+00 : f32
          %parallel_loop3A_708 = vector.broadcast %parallel_loop3A_707 : f32 to vector<16xf32>
          %parallel_loop3A_709 = arith.cmpf ogt, %parallel_loop3A_665, %parallel_loop3A_708 : vector<16xf32>
          %parallel_loop3A_710 = arith.constant 2 : i32
          %parallel_loop3A_711 = arith.constant 1 : i32
          %parallel_loop3A_712 = vector.broadcast %parallel_loop3A_710 : i32 to vector<16xi32>
          %parallel_loop3A_713 = vector.broadcast %parallel_loop3A_711 : i32 to vector<16xi32>
          %parallel_loop3A_714 = arith.select %parallel_loop3A_709, %parallel_loop3A_712, %parallel_loop3A_713 : vector<16xi1>, vector<16xi32>
          %parallel_loop3A_715 = arith.addi %parallel_loop3A_572, %parallel_loop3A_572 : vector<16xi32>
          %parallel_loop3A_716 = arith.addi %parallel_loop3A_715, %parallel_loop3A_714 : vector<16xi32>
          %parallel_loop3A_717 = arith.constant 0.000000e+00 : f32
          %parallel_loop3A_718 = vector.broadcast %parallel_loop3A_717 : f32 to vector<16xf32>
          %parallel_loop3A_719 = arith.cmpf ogt, %parallel_loop3A_666, %parallel_loop3A_718 : vector<16xf32>
          %parallel_loop3A_720 = arith.constant 2 : i32
          %parallel_loop3A_721 = arith.constant 1 : i32
          %parallel_loop3A_722 = vector.broadcast %parallel_loop3A_720 : i32 to vector<16xi32>
          %parallel_loop3A_723 = vector.broadcast %parallel_loop3A_721 : i32 to vector<16xi32>
          %parallel_loop3A_724 = arith.select %parallel_loop3A_719, %parallel_loop3A_722, %parallel_loop3A_723 : vector<16xi1>, vector<16xi32>
          %parallel_loop3A_725 = arith.addi %parallel_loop3A_582, %parallel_loop3A_582 : vector<16xi32>
          %parallel_loop3A_726 = arith.addi %parallel_loop3A_725, %parallel_loop3A_724 : vector<16xi32>
          %parallel_loop3A_727 = arith.constant 0.000000e+00 : f32
          %parallel_loop3A_728 = vector.broadcast %parallel_loop3A_727 : f32 to vector<16xf32>
          %parallel_loop3A_729 = arith.cmpf ogt, %parallel_loop3A_667, %parallel_loop3A_728 : vector<16xf32>
          %parallel_loop3A_730 = arith.constant 2 : i32
          %parallel_loop3A_731 = arith.constant 1 : i32
          %parallel_loop3A_732 = vector.broadcast %parallel_loop3A_730 : i32 to vector<16xi32>
          %parallel_loop3A_733 = vector.broadcast %parallel_loop3A_731 : i32 to vector<16xi32>
          %parallel_loop3A_734 = arith.select %parallel_loop3A_729, %parallel_loop3A_732, %parallel_loop3A_733 : vector<16xi1>, vector<16xi32>
          %parallel_loop3A_735 = arith.addi %parallel_loop3A_592, %parallel_loop3A_592 : vector<16xi32>
          %parallel_loop3A_736 = arith.addi %parallel_loop3A_735, %parallel_loop3A_734 : vector<16xi32>
          %parallel_loop3A_737 = arith.constant 0.000000e+00 : f32
          %parallel_loop3A_738 = vector.broadcast %parallel_loop3A_737 : f32 to vector<16xf32>
          %parallel_loop3A_739 = arith.cmpf ogt, %parallel_loop3A_668, %parallel_loop3A_738 : vector<16xf32>
          %parallel_loop3A_740 = arith.constant 2 : i32
          %parallel_loop3A_741 = arith.constant 1 : i32
          %parallel_loop3A_742 = vector.broadcast %parallel_loop3A_740 : i32 to vector<16xi32>
          %parallel_loop3A_743 = vector.broadcast %parallel_loop3A_741 : i32 to vector<16xi32>
          %parallel_loop3A_744 = arith.select %parallel_loop3A_739, %parallel_loop3A_742, %parallel_loop3A_743 : vector<16xi1>, vector<16xi32>
          %parallel_loop3A_745 = arith.addi %parallel_loop3A_602, %parallel_loop3A_602 : vector<16xi32>
          %parallel_loop3A_746 = arith.addi %parallel_loop3A_745, %parallel_loop3A_744 : vector<16xi32>
          %parallel_loop3A_747 = arith.constant 0.000000e+00 : f32
          %parallel_loop3A_748 = vector.broadcast %parallel_loop3A_747 : f32 to vector<16xf32>
          %parallel_loop3A_749 = arith.cmpf ogt, %parallel_loop3A_669, %parallel_loop3A_748 : vector<16xf32>
          %parallel_loop3A_750 = arith.constant 2 : i32
          %parallel_loop3A_751 = arith.constant 1 : i32
          %parallel_loop3A_752 = vector.broadcast %parallel_loop3A_750 : i32 to vector<16xi32>
          %parallel_loop3A_753 = vector.broadcast %parallel_loop3A_751 : i32 to vector<16xi32>
          %parallel_loop3A_754 = arith.select %parallel_loop3A_749, %parallel_loop3A_752, %parallel_loop3A_753 : vector<16xi1>, vector<16xi32>
          %parallel_loop3A_755 = arith.addi %parallel_loop3A_612, %parallel_loop3A_612 : vector<16xi32>
          %parallel_loop3A_756 = arith.addi %parallel_loop3A_755, %parallel_loop3A_754 : vector<16xi32>
          %parallel_loop3A_757 = arith.constant 0.000000e+00 : f32
          %parallel_loop3A_758 = vector.broadcast %parallel_loop3A_757 : f32 to vector<16xf32>
          %parallel_loop3A_759 = arith.cmpf ogt, %parallel_loop3A_670, %parallel_loop3A_758 : vector<16xf32>
          %parallel_loop3A_760 = arith.constant 2 : i32
          %parallel_loop3A_761 = arith.constant 1 : i32
          %parallel_loop3A_762 = vector.broadcast %parallel_loop3A_760 : i32 to vector<16xi32>
          %parallel_loop3A_763 = vector.broadcast %parallel_loop3A_761 : i32 to vector<16xi32>
          %parallel_loop3A_764 = arith.select %parallel_loop3A_759, %parallel_loop3A_762, %parallel_loop3A_763 : vector<16xi1>, vector<16xi32>
          %parallel_loop3A_765 = arith.addi %parallel_loop3A_622, %parallel_loop3A_622 : vector<16xi32>
          %parallel_loop3A_766 = arith.addi %parallel_loop3A_765, %parallel_loop3A_764 : vector<16xi32>
          %parallel_loop3A_767 = arith.addi %mul3A_8, %parallel_loop3A_696 : vector<16xi32>
          %parallel_loop3A_768 = arith.addi %mul3A_14, %parallel_loop3A_706 : vector<16xi32>
          %parallel_loop3A_769 = arith.addi %mul3A_20, %parallel_loop3A_716 : vector<16xi32>
          %parallel_loop3A_770 = arith.addi %mul3A_26, %parallel_loop3A_726 : vector<16xi32>
          %parallel_loop3A_771 = arith.addi %mul3A_8, %parallel_loop3A_736 : vector<16xi32>
          %parallel_loop3A_772 = arith.addi %mul3A_14, %parallel_loop3A_746 : vector<16xi32>
          %parallel_loop3A_773 = arith.addi %mul3A_20, %parallel_loop3A_756 : vector<16xi32>
          %parallel_loop3A_774 = arith.addi %mul3A_26, %parallel_loop3A_766 : vector<16xi32>
          %parallel_loop3A_775 = tpu.vector_load_idx %arg9[%parallel_loop3A_767] : memref<8192xi32, #tpu.memory_space<vmem>>[vector<16xi32>], vector<16xi32>,
          %parallel_loop3A_776 = tpu.vector_load_idx %arg9[%parallel_loop3A_768] : memref<8192xi32, #tpu.memory_space<vmem>>[vector<16xi32>], vector<16xi32>,
          %parallel_loop3A_777 = tpu.vector_load_idx %arg9[%parallel_loop3A_769] : memref<8192xi32, #tpu.memory_space<vmem>>[vector<16xi32>], vector<16xi32>,
          %parallel_loop3A_778 = tpu.vector_load_idx %arg9[%parallel_loop3A_770] : memref<8192xi32, #tpu.memory_space<vmem>>[vector<16xi32>], vector<16xi32>,
          %parallel_loop3A_779 = tpu.vector_load_idx %arg9[%parallel_loop3A_771] : memref<8192xi32, #tpu.memory_space<vmem>>[vector<16xi32>], vector<16xi32>,
          %parallel_loop3A_780 = tpu.vector_load_idx %arg9[%parallel_loop3A_772] : memref<8192xi32, #tpu.memory_space<vmem>>[vector<16xi32>], vector<16xi32>,
          %parallel_loop3A_781 = tpu.vector_load_idx %arg9[%parallel_loop3A_773] : memref<8192xi32, #tpu.memory_space<vmem>>[vector<16xi32>], vector<16xi32>,
          %parallel_loop3A_782 = tpu.vector_load_idx %arg9[%parallel_loop3A_774] : memref<8192xi32, #tpu.memory_space<vmem>>[vector<16xi32>], vector<16xi32>,
          %parallel_loop3A_783 = tpu.vector_load_idx %arg8[%parallel_loop3A_767] : memref<8192xf32, #tpu.memory_space<vmem>>[vector<16xi32>], vector<16xf32>,
          %parallel_loop3A_784 = tpu.vector_load_idx %arg8[%parallel_loop3A_768] : memref<8192xf32, #tpu.memory_space<vmem>>[vector<16xi32>], vector<16xf32>,
          %parallel_loop3A_785 = tpu.vector_load_idx %arg8[%parallel_loop3A_769] : memref<8192xf32, #tpu.memory_space<vmem>>[vector<16xi32>], vector<16xf32>,
          %parallel_loop3A_786 = tpu.vector_load_idx %arg8[%parallel_loop3A_770] : memref<8192xf32, #tpu.memory_space<vmem>>[vector<16xi32>], vector<16xf32>,
          %parallel_loop3A_787 = tpu.vector_load_idx %arg8[%parallel_loop3A_771] : memref<8192xf32, #tpu.memory_space<vmem>>[vector<16xi32>], vector<16xf32>,
          %parallel_loop3A_788 = tpu.vector_load_idx %arg8[%parallel_loop3A_772] : memref<8192xf32, #tpu.memory_space<vmem>>[vector<16xi32>], vector<16xf32>,
          %parallel_loop3A_789 = tpu.vector_load_idx %arg8[%parallel_loop3A_773] : memref<8192xf32, #tpu.memory_space<vmem>>[vector<16xi32>], vector<16xf32>,
          %parallel_loop3A_790 = tpu.vector_load_idx %arg8[%parallel_loop3A_774] : memref<8192xf32, #tpu.memory_space<vmem>>[vector<16xi32>], vector<16xf32>,
          %parallel_loop3A_791 = arith.addi %parallel_loop3A_73, %parallel_loop3A_775 : vector<16xi32>
          %parallel_loop3A_792 = tpu.vector_load_idx %arg7[%parallel_loop3A_791] : memref<32768xf32, #tpu.memory_space<vmem>>[vector<16xi32>], vector<16xf32>,
          %parallel_loop3A_793 = arith.addi %parallel_loop3A_73, %parallel_loop3A_776 : vector<16xi32>
          %parallel_loop3A_794 = tpu.vector_load_idx %arg7[%parallel_loop3A_793] : memref<32768xf32, #tpu.memory_space<vmem>>[vector<16xi32>], vector<16xf32>,
          %parallel_loop3A_795 = arith.addi %parallel_loop3A_73, %parallel_loop3A_777 : vector<16xi32>
          %parallel_loop3A_796 = tpu.vector_load_idx %arg7[%parallel_loop3A_795] : memref<32768xf32, #tpu.memory_space<vmem>>[vector<16xi32>], vector<16xf32>,
          %parallel_loop3A_797 = arith.addi %parallel_loop3A_73, %parallel_loop3A_778 : vector<16xi32>
          %parallel_loop3A_798 = tpu.vector_load_idx %arg7[%parallel_loop3A_797] : memref<32768xf32, #tpu.memory_space<vmem>>[vector<16xi32>], vector<16xf32>,
          %parallel_loop3A_799 = arith.addi %parallel_loop3A_78, %parallel_loop3A_779 : vector<16xi32>
          %parallel_loop3A_800 = tpu.vector_load_idx %arg7[%parallel_loop3A_799] : memref<32768xf32, #tpu.memory_space<vmem>>[vector<16xi32>], vector<16xf32>,
          %parallel_loop3A_801 = arith.addi %parallel_loop3A_78, %parallel_loop3A_780 : vector<16xi32>
          %parallel_loop3A_802 = tpu.vector_load_idx %arg7[%parallel_loop3A_801] : memref<32768xf32, #tpu.memory_space<vmem>>[vector<16xi32>], vector<16xf32>,
          %parallel_loop3A_803 = arith.addi %parallel_loop3A_78, %parallel_loop3A_781 : vector<16xi32>
          %parallel_loop3A_804 = tpu.vector_load_idx %arg7[%parallel_loop3A_803] : memref<32768xf32, #tpu.memory_space<vmem>>[vector<16xi32>], vector<16xf32>,
          %parallel_loop3A_805 = arith.addi %parallel_loop3A_78, %parallel_loop3A_782 : vector<16xi32>
          %parallel_loop3A_806 = tpu.vector_load_idx %arg7[%parallel_loop3A_805] : memref<32768xf32, #tpu.memory_space<vmem>>[vector<16xi32>], vector<16xf32>,
          %parallel_loop3A_807 = arith.subf %parallel_loop3A_792, %parallel_loop3A_783 : vector<16xf32>
          %parallel_loop3A_808 = arith.subf %parallel_loop3A_794, %parallel_loop3A_784 : vector<16xf32>
          %parallel_loop3A_809 = arith.subf %parallel_loop3A_796, %parallel_loop3A_785 : vector<16xf32>
          %parallel_loop3A_810 = arith.subf %parallel_loop3A_798, %parallel_loop3A_786 : vector<16xf32>
          %parallel_loop3A_811 = arith.subf %parallel_loop3A_800, %parallel_loop3A_787 : vector<16xf32>
          %parallel_loop3A_812 = arith.subf %parallel_loop3A_802, %parallel_loop3A_788 : vector<16xf32>
          %parallel_loop3A_813 = arith.subf %parallel_loop3A_804, %parallel_loop3A_789 : vector<16xf32>
          %parallel_loop3A_814 = arith.subf %parallel_loop3A_806, %parallel_loop3A_790 : vector<16xf32>
          %parallel_loop3A_815 = math.absf %parallel_loop3A_807 : vector<16xf32>
          %parallel_loop3A_816 = arith.minimumf %parallel_loop3A_672, %parallel_loop3A_815 : vector<16xf32>
          %parallel_loop3A_817 = math.absf %parallel_loop3A_808 : vector<16xf32>
          %parallel_loop3A_818 = arith.minimumf %parallel_loop3A_674, %parallel_loop3A_817 : vector<16xf32>
          %parallel_loop3A_819 = math.absf %parallel_loop3A_809 : vector<16xf32>
          %parallel_loop3A_820 = arith.minimumf %parallel_loop3A_676, %parallel_loop3A_819 : vector<16xf32>
          %parallel_loop3A_821 = math.absf %parallel_loop3A_810 : vector<16xf32>
          %parallel_loop3A_822 = arith.minimumf %parallel_loop3A_678, %parallel_loop3A_821 : vector<16xf32>
          %parallel_loop3A_823 = math.absf %parallel_loop3A_811 : vector<16xf32>
          %parallel_loop3A_824 = arith.minimumf %parallel_loop3A_680, %parallel_loop3A_823 : vector<16xf32>
          %parallel_loop3A_825 = math.absf %parallel_loop3A_812 : vector<16xf32>
          %parallel_loop3A_826 = arith.minimumf %parallel_loop3A_682, %parallel_loop3A_825 : vector<16xf32>
          %parallel_loop3A_827 = math.absf %parallel_loop3A_813 : vector<16xf32>
          %parallel_loop3A_828 = arith.minimumf %parallel_loop3A_684, %parallel_loop3A_827 : vector<16xf32>
          %parallel_loop3A_829 = math.absf %parallel_loop3A_814 : vector<16xf32>
          %parallel_loop3A_830 = arith.minimumf %parallel_loop3A_686, %parallel_loop3A_829 : vector<16xf32>
          %parallel_loop3A_831 = arith.constant 0.000000e+00 : f32
          %parallel_loop3A_832 = vector.broadcast %parallel_loop3A_831 : f32 to vector<16xf32>
          %parallel_loop3A_833 = arith.cmpf ogt, %parallel_loop3A_807, %parallel_loop3A_832 : vector<16xf32>
          %parallel_loop3A_834 = arith.constant 2 : i32
          %parallel_loop3A_835 = arith.constant 1 : i32
          %parallel_loop3A_836 = vector.broadcast %parallel_loop3A_834 : i32 to vector<16xi32>
          %parallel_loop3A_837 = vector.broadcast %parallel_loop3A_835 : i32 to vector<16xi32>
          %parallel_loop3A_838 = arith.select %parallel_loop3A_833, %parallel_loop3A_836, %parallel_loop3A_837 : vector<16xi1>, vector<16xi32>
          %parallel_loop3A_839 = arith.addi %parallel_loop3A_696, %parallel_loop3A_696 : vector<16xi32>
          %parallel_loop3A_840 = arith.addi %parallel_loop3A_839, %parallel_loop3A_838 : vector<16xi32>
          %parallel_loop3A_841 = arith.constant 0.000000e+00 : f32
          %parallel_loop3A_842 = vector.broadcast %parallel_loop3A_841 : f32 to vector<16xf32>
          %parallel_loop3A_843 = arith.cmpf ogt, %parallel_loop3A_808, %parallel_loop3A_842 : vector<16xf32>
          %parallel_loop3A_844 = arith.constant 2 : i32
          %parallel_loop3A_845 = arith.constant 1 : i32
          %parallel_loop3A_846 = vector.broadcast %parallel_loop3A_844 : i32 to vector<16xi32>
          %parallel_loop3A_847 = vector.broadcast %parallel_loop3A_845 : i32 to vector<16xi32>
          %parallel_loop3A_848 = arith.select %parallel_loop3A_843, %parallel_loop3A_846, %parallel_loop3A_847 : vector<16xi1>, vector<16xi32>
          %parallel_loop3A_849 = arith.addi %parallel_loop3A_706, %parallel_loop3A_706 : vector<16xi32>
          %parallel_loop3A_850 = arith.addi %parallel_loop3A_849, %parallel_loop3A_848 : vector<16xi32>
          %parallel_loop3A_851 = arith.constant 0.000000e+00 : f32
          %parallel_loop3A_852 = vector.broadcast %parallel_loop3A_851 : f32 to vector<16xf32>
          %parallel_loop3A_853 = arith.cmpf ogt, %parallel_loop3A_809, %parallel_loop3A_852 : vector<16xf32>
          %parallel_loop3A_854 = arith.constant 2 : i32
          %parallel_loop3A_855 = arith.constant 1 : i32
          %parallel_loop3A_856 = vector.broadcast %parallel_loop3A_854 : i32 to vector<16xi32>
          %parallel_loop3A_857 = vector.broadcast %parallel_loop3A_855 : i32 to vector<16xi32>
          %parallel_loop3A_858 = arith.select %parallel_loop3A_853, %parallel_loop3A_856, %parallel_loop3A_857 : vector<16xi1>, vector<16xi32>
          %parallel_loop3A_859 = arith.addi %parallel_loop3A_716, %parallel_loop3A_716 : vector<16xi32>
          %parallel_loop3A_860 = arith.addi %parallel_loop3A_859, %parallel_loop3A_858 : vector<16xi32>
          %parallel_loop3A_861 = arith.constant 0.000000e+00 : f32
          %parallel_loop3A_862 = vector.broadcast %parallel_loop3A_861 : f32 to vector<16xf32>
          %parallel_loop3A_863 = arith.cmpf ogt, %parallel_loop3A_810, %parallel_loop3A_862 : vector<16xf32>
          %parallel_loop3A_864 = arith.constant 2 : i32
          %parallel_loop3A_865 = arith.constant 1 : i32
          %parallel_loop3A_866 = vector.broadcast %parallel_loop3A_864 : i32 to vector<16xi32>
          %parallel_loop3A_867 = vector.broadcast %parallel_loop3A_865 : i32 to vector<16xi32>
          %parallel_loop3A_868 = arith.select %parallel_loop3A_863, %parallel_loop3A_866, %parallel_loop3A_867 : vector<16xi1>, vector<16xi32>
          %parallel_loop3A_869 = arith.addi %parallel_loop3A_726, %parallel_loop3A_726 : vector<16xi32>
          %parallel_loop3A_870 = arith.addi %parallel_loop3A_869, %parallel_loop3A_868 : vector<16xi32>
          %parallel_loop3A_871 = arith.constant 0.000000e+00 : f32
          %parallel_loop3A_872 = vector.broadcast %parallel_loop3A_871 : f32 to vector<16xf32>
          %parallel_loop3A_873 = arith.cmpf ogt, %parallel_loop3A_811, %parallel_loop3A_872 : vector<16xf32>
          %parallel_loop3A_874 = arith.constant 2 : i32
          %parallel_loop3A_875 = arith.constant 1 : i32
          %parallel_loop3A_876 = vector.broadcast %parallel_loop3A_874 : i32 to vector<16xi32>
          %parallel_loop3A_877 = vector.broadcast %parallel_loop3A_875 : i32 to vector<16xi32>
          %parallel_loop3A_878 = arith.select %parallel_loop3A_873, %parallel_loop3A_876, %parallel_loop3A_877 : vector<16xi1>, vector<16xi32>
          %parallel_loop3A_879 = arith.addi %parallel_loop3A_736, %parallel_loop3A_736 : vector<16xi32>
          %parallel_loop3A_880 = arith.addi %parallel_loop3A_879, %parallel_loop3A_878 : vector<16xi32>
          %parallel_loop3A_881 = arith.constant 0.000000e+00 : f32
          %parallel_loop3A_882 = vector.broadcast %parallel_loop3A_881 : f32 to vector<16xf32>
          %parallel_loop3A_883 = arith.cmpf ogt, %parallel_loop3A_812, %parallel_loop3A_882 : vector<16xf32>
          %parallel_loop3A_884 = arith.constant 2 : i32
          %parallel_loop3A_885 = arith.constant 1 : i32
          %parallel_loop3A_886 = vector.broadcast %parallel_loop3A_884 : i32 to vector<16xi32>
          %parallel_loop3A_887 = vector.broadcast %parallel_loop3A_885 : i32 to vector<16xi32>
          %parallel_loop3A_888 = arith.select %parallel_loop3A_883, %parallel_loop3A_886, %parallel_loop3A_887 : vector<16xi1>, vector<16xi32>
          %parallel_loop3A_889 = arith.addi %parallel_loop3A_746, %parallel_loop3A_746 : vector<16xi32>
          %parallel_loop3A_890 = arith.addi %parallel_loop3A_889, %parallel_loop3A_888 : vector<16xi32>
          %parallel_loop3A_891 = arith.constant 0.000000e+00 : f32
          %parallel_loop3A_892 = vector.broadcast %parallel_loop3A_891 : f32 to vector<16xf32>
          %parallel_loop3A_893 = arith.cmpf ogt, %parallel_loop3A_813, %parallel_loop3A_892 : vector<16xf32>
          %parallel_loop3A_894 = arith.constant 2 : i32
          %parallel_loop3A_895 = arith.constant 1 : i32
          %parallel_loop3A_896 = vector.broadcast %parallel_loop3A_894 : i32 to vector<16xi32>
          %parallel_loop3A_897 = vector.broadcast %parallel_loop3A_895 : i32 to vector<16xi32>
          %parallel_loop3A_898 = arith.select %parallel_loop3A_893, %parallel_loop3A_896, %parallel_loop3A_897 : vector<16xi1>, vector<16xi32>
          %parallel_loop3A_899 = arith.addi %parallel_loop3A_756, %parallel_loop3A_756 : vector<16xi32>
          %parallel_loop3A_900 = arith.addi %parallel_loop3A_899, %parallel_loop3A_898 : vector<16xi32>
          %parallel_loop3A_901 = arith.constant 0.000000e+00 : f32
          %parallel_loop3A_902 = vector.broadcast %parallel_loop3A_901 : f32 to vector<16xf32>
          %parallel_loop3A_903 = arith.cmpf ogt, %parallel_loop3A_814, %parallel_loop3A_902 : vector<16xf32>
          %parallel_loop3A_904 = arith.constant 2 : i32
          %parallel_loop3A_905 = arith.constant 1 : i32
          %parallel_loop3A_906 = vector.broadcast %parallel_loop3A_904 : i32 to vector<16xi32>
          %parallel_loop3A_907 = vector.broadcast %parallel_loop3A_905 : i32 to vector<16xi32>
          %parallel_loop3A_908 = arith.select %parallel_loop3A_903, %parallel_loop3A_906, %parallel_loop3A_907 : vector<16xi1>, vector<16xi32>
          %parallel_loop3A_909 = arith.addi %parallel_loop3A_766, %parallel_loop3A_766 : vector<16xi32>
          %parallel_loop3A_910 = arith.addi %parallel_loop3A_909, %parallel_loop3A_908 : vector<16xi32>
          %parallel_loop3A_911 = arith.addi %mul3A_8, %parallel_loop3A_840 : vector<16xi32>
          %parallel_loop3A_912 = arith.addi %mul3A_14, %parallel_loop3A_850 : vector<16xi32>
          %parallel_loop3A_913 = arith.addi %mul3A_20, %parallel_loop3A_860 : vector<16xi32>
          %parallel_loop3A_914 = arith.addi %mul3A_26, %parallel_loop3A_870 : vector<16xi32>
          %parallel_loop3A_915 = arith.addi %mul3A_8, %parallel_loop3A_880 : vector<16xi32>
          %parallel_loop3A_916 = arith.addi %mul3A_14, %parallel_loop3A_890 : vector<16xi32>
          %parallel_loop3A_917 = arith.addi %mul3A_20, %parallel_loop3A_900 : vector<16xi32>
          %parallel_loop3A_918 = arith.addi %mul3A_26, %parallel_loop3A_910 : vector<16xi32>
          %parallel_loop3A_919 = tpu.vector_load_idx %arg9[%parallel_loop3A_911] : memref<8192xi32, #tpu.memory_space<vmem>>[vector<16xi32>], vector<16xi32>,
          %parallel_loop3A_920 = tpu.vector_load_idx %arg9[%parallel_loop3A_912] : memref<8192xi32, #tpu.memory_space<vmem>>[vector<16xi32>], vector<16xi32>,
          %parallel_loop3A_921 = tpu.vector_load_idx %arg9[%parallel_loop3A_913] : memref<8192xi32, #tpu.memory_space<vmem>>[vector<16xi32>], vector<16xi32>,
          %parallel_loop3A_922 = tpu.vector_load_idx %arg9[%parallel_loop3A_914] : memref<8192xi32, #tpu.memory_space<vmem>>[vector<16xi32>], vector<16xi32>,
          %parallel_loop3A_923 = tpu.vector_load_idx %arg9[%parallel_loop3A_915] : memref<8192xi32, #tpu.memory_space<vmem>>[vector<16xi32>], vector<16xi32>,
          %parallel_loop3A_924 = tpu.vector_load_idx %arg9[%parallel_loop3A_916] : memref<8192xi32, #tpu.memory_space<vmem>>[vector<16xi32>], vector<16xi32>,
          %parallel_loop3A_925 = tpu.vector_load_idx %arg9[%parallel_loop3A_917] : memref<8192xi32, #tpu.memory_space<vmem>>[vector<16xi32>], vector<16xi32>,
          %parallel_loop3A_926 = tpu.vector_load_idx %arg9[%parallel_loop3A_918] : memref<8192xi32, #tpu.memory_space<vmem>>[vector<16xi32>], vector<16xi32>,
          %parallel_loop3A_927 = tpu.vector_load_idx %arg8[%parallel_loop3A_911] : memref<8192xf32, #tpu.memory_space<vmem>>[vector<16xi32>], vector<16xf32>,
          %parallel_loop3A_928 = tpu.vector_load_idx %arg8[%parallel_loop3A_912] : memref<8192xf32, #tpu.memory_space<vmem>>[vector<16xi32>], vector<16xf32>,
          %parallel_loop3A_929 = tpu.vector_load_idx %arg8[%parallel_loop3A_913] : memref<8192xf32, #tpu.memory_space<vmem>>[vector<16xi32>], vector<16xf32>,
          %parallel_loop3A_930 = tpu.vector_load_idx %arg8[%parallel_loop3A_914] : memref<8192xf32, #tpu.memory_space<vmem>>[vector<16xi32>], vector<16xf32>,
          %parallel_loop3A_931 = tpu.vector_load_idx %arg8[%parallel_loop3A_915] : memref<8192xf32, #tpu.memory_space<vmem>>[vector<16xi32>], vector<16xf32>,
          %parallel_loop3A_932 = tpu.vector_load_idx %arg8[%parallel_loop3A_916] : memref<8192xf32, #tpu.memory_space<vmem>>[vector<16xi32>], vector<16xf32>,
          %parallel_loop3A_933 = tpu.vector_load_idx %arg8[%parallel_loop3A_917] : memref<8192xf32, #tpu.memory_space<vmem>>[vector<16xi32>], vector<16xf32>,
          %parallel_loop3A_934 = tpu.vector_load_idx %arg8[%parallel_loop3A_918] : memref<8192xf32, #tpu.memory_space<vmem>>[vector<16xi32>], vector<16xf32>,
          %parallel_loop3A_935 = arith.addi %parallel_loop3A_73, %parallel_loop3A_919 : vector<16xi32>
          %parallel_loop3A_936 = tpu.vector_load_idx %arg7[%parallel_loop3A_935] : memref<32768xf32, #tpu.memory_space<vmem>>[vector<16xi32>], vector<16xf32>,
          %parallel_loop3A_937 = arith.addi %parallel_loop3A_73, %parallel_loop3A_920 : vector<16xi32>
          %parallel_loop3A_938 = tpu.vector_load_idx %arg7[%parallel_loop3A_937] : memref<32768xf32, #tpu.memory_space<vmem>>[vector<16xi32>], vector<16xf32>,
          %parallel_loop3A_939 = arith.addi %parallel_loop3A_73, %parallel_loop3A_921 : vector<16xi32>
          %parallel_loop3A_940 = tpu.vector_load_idx %arg7[%parallel_loop3A_939] : memref<32768xf32, #tpu.memory_space<vmem>>[vector<16xi32>], vector<16xf32>,
          %parallel_loop3A_941 = arith.addi %parallel_loop3A_73, %parallel_loop3A_922 : vector<16xi32>
          %parallel_loop3A_942 = tpu.vector_load_idx %arg7[%parallel_loop3A_941] : memref<32768xf32, #tpu.memory_space<vmem>>[vector<16xi32>], vector<16xf32>,
          %parallel_loop3A_943 = arith.addi %parallel_loop3A_78, %parallel_loop3A_923 : vector<16xi32>
          %parallel_loop3A_944 = tpu.vector_load_idx %arg7[%parallel_loop3A_943] : memref<32768xf32, #tpu.memory_space<vmem>>[vector<16xi32>], vector<16xf32>,
          %parallel_loop3A_945 = arith.addi %parallel_loop3A_78, %parallel_loop3A_924 : vector<16xi32>
          %parallel_loop3A_946 = tpu.vector_load_idx %arg7[%parallel_loop3A_945] : memref<32768xf32, #tpu.memory_space<vmem>>[vector<16xi32>], vector<16xf32>,
          %parallel_loop3A_947 = arith.addi %parallel_loop3A_78, %parallel_loop3A_925 : vector<16xi32>
          %parallel_loop3A_948 = tpu.vector_load_idx %arg7[%parallel_loop3A_947] : memref<32768xf32, #tpu.memory_space<vmem>>[vector<16xi32>], vector<16xf32>,
          %parallel_loop3A_949 = arith.addi %parallel_loop3A_78, %parallel_loop3A_926 : vector<16xi32>
          %parallel_loop3A_950 = tpu.vector_load_idx %arg7[%parallel_loop3A_949] : memref<32768xf32, #tpu.memory_space<vmem>>[vector<16xi32>], vector<16xf32>,
          %parallel_loop3A_951 = arith.subf %parallel_loop3A_936, %parallel_loop3A_927 : vector<16xf32>
          %parallel_loop3A_952 = arith.subf %parallel_loop3A_938, %parallel_loop3A_928 : vector<16xf32>
          %parallel_loop3A_953 = arith.subf %parallel_loop3A_940, %parallel_loop3A_929 : vector<16xf32>
          %parallel_loop3A_954 = arith.subf %parallel_loop3A_942, %parallel_loop3A_930 : vector<16xf32>
          %parallel_loop3A_955 = arith.subf %parallel_loop3A_944, %parallel_loop3A_931 : vector<16xf32>
          %parallel_loop3A_956 = arith.subf %parallel_loop3A_946, %parallel_loop3A_932 : vector<16xf32>
          %parallel_loop3A_957 = arith.subf %parallel_loop3A_948, %parallel_loop3A_933 : vector<16xf32>
          %parallel_loop3A_958 = arith.subf %parallel_loop3A_950, %parallel_loop3A_934 : vector<16xf32>
          %parallel_loop3A_959 = math.absf %parallel_loop3A_951 : vector<16xf32>
          %parallel_loop3A_960 = arith.minimumf %parallel_loop3A_816, %parallel_loop3A_959 : vector<16xf32>
          %parallel_loop3A_961 = math.absf %parallel_loop3A_952 : vector<16xf32>
          %parallel_loop3A_962 = arith.minimumf %parallel_loop3A_818, %parallel_loop3A_961 : vector<16xf32>
          %parallel_loop3A_963 = math.absf %parallel_loop3A_953 : vector<16xf32>
          %parallel_loop3A_964 = arith.minimumf %parallel_loop3A_820, %parallel_loop3A_963 : vector<16xf32>
          %parallel_loop3A_965 = math.absf %parallel_loop3A_954 : vector<16xf32>
          %parallel_loop3A_966 = arith.minimumf %parallel_loop3A_822, %parallel_loop3A_965 : vector<16xf32>
          %parallel_loop3A_967 = math.absf %parallel_loop3A_955 : vector<16xf32>
          %parallel_loop3A_968 = arith.minimumf %parallel_loop3A_824, %parallel_loop3A_967 : vector<16xf32>
          %parallel_loop3A_969 = math.absf %parallel_loop3A_956 : vector<16xf32>
          %parallel_loop3A_970 = arith.minimumf %parallel_loop3A_826, %parallel_loop3A_969 : vector<16xf32>
          %parallel_loop3A_971 = math.absf %parallel_loop3A_957 : vector<16xf32>
          %parallel_loop3A_972 = arith.minimumf %parallel_loop3A_828, %parallel_loop3A_971 : vector<16xf32>
          %parallel_loop3A_973 = math.absf %parallel_loop3A_958 : vector<16xf32>
          %parallel_loop3A_974 = arith.minimumf %parallel_loop3A_830, %parallel_loop3A_973 : vector<16xf32>
          %parallel_loop3A_975 = arith.constant 0.000000e+00 : f32
          %parallel_loop3A_976 = vector.broadcast %parallel_loop3A_975 : f32 to vector<16xf32>
          %parallel_loop3A_977 = arith.cmpf ogt, %parallel_loop3A_951, %parallel_loop3A_976 : vector<16xf32>
          %parallel_loop3A_978 = arith.constant 2 : i32
          %parallel_loop3A_979 = arith.constant 1 : i32
          %parallel_loop3A_980 = vector.broadcast %parallel_loop3A_978 : i32 to vector<16xi32>
          %parallel_loop3A_981 = vector.broadcast %parallel_loop3A_979 : i32 to vector<16xi32>
          %parallel_loop3A_982 = arith.select %parallel_loop3A_977, %parallel_loop3A_980, %parallel_loop3A_981 : vector<16xi1>, vector<16xi32>
          %parallel_loop3A_983 = arith.addi %parallel_loop3A_840, %parallel_loop3A_840 : vector<16xi32>
          %parallel_loop3A_984 = arith.addi %parallel_loop3A_983, %parallel_loop3A_982 : vector<16xi32>
          %parallel_loop3A_985 = arith.constant 0.000000e+00 : f32
          %parallel_loop3A_986 = vector.broadcast %parallel_loop3A_985 : f32 to vector<16xf32>
          %parallel_loop3A_987 = arith.cmpf ogt, %parallel_loop3A_952, %parallel_loop3A_986 : vector<16xf32>
          %parallel_loop3A_988 = arith.constant 2 : i32
          %parallel_loop3A_989 = arith.constant 1 : i32
          %parallel_loop3A_990 = vector.broadcast %parallel_loop3A_988 : i32 to vector<16xi32>
          %parallel_loop3A_991 = vector.broadcast %parallel_loop3A_989 : i32 to vector<16xi32>
          %parallel_loop3A_992 = arith.select %parallel_loop3A_987, %parallel_loop3A_990, %parallel_loop3A_991 : vector<16xi1>, vector<16xi32>
          %parallel_loop3A_993 = arith.addi %parallel_loop3A_850, %parallel_loop3A_850 : vector<16xi32>
          %parallel_loop3A_994 = arith.addi %parallel_loop3A_993, %parallel_loop3A_992 : vector<16xi32>
          %parallel_loop3A_995 = arith.constant 0.000000e+00 : f32
          %parallel_loop3A_996 = vector.broadcast %parallel_loop3A_995 : f32 to vector<16xf32>
          %parallel_loop3A_997 = arith.cmpf ogt, %parallel_loop3A_953, %parallel_loop3A_996 : vector<16xf32>
          %parallel_loop3A_998 = arith.constant 2 : i32
          %parallel_loop3A_999 = arith.constant 1 : i32
          %parallel_loop3A_1000 = vector.broadcast %parallel_loop3A_998 : i32 to vector<16xi32>
          %parallel_loop3A_1001 = vector.broadcast %parallel_loop3A_999 : i32 to vector<16xi32>
          %parallel_loop3A_1002 = arith.select %parallel_loop3A_997, %parallel_loop3A_1000, %parallel_loop3A_1001 : vector<16xi1>, vector<16xi32>
          %parallel_loop3A_1003 = arith.addi %parallel_loop3A_860, %parallel_loop3A_860 : vector<16xi32>
          %parallel_loop3A_1004 = arith.addi %parallel_loop3A_1003, %parallel_loop3A_1002 : vector<16xi32>
          %parallel_loop3A_1005 = arith.constant 0.000000e+00 : f32
          %parallel_loop3A_1006 = vector.broadcast %parallel_loop3A_1005 : f32 to vector<16xf32>
          %parallel_loop3A_1007 = arith.cmpf ogt, %parallel_loop3A_954, %parallel_loop3A_1006 : vector<16xf32>
          %parallel_loop3A_1008 = arith.constant 2 : i32
          %parallel_loop3A_1009 = arith.constant 1 : i32
          %parallel_loop3A_1010 = vector.broadcast %parallel_loop3A_1008 : i32 to vector<16xi32>
          %parallel_loop3A_1011 = vector.broadcast %parallel_loop3A_1009 : i32 to vector<16xi32>
          %parallel_loop3A_1012 = arith.select %parallel_loop3A_1007, %parallel_loop3A_1010, %parallel_loop3A_1011 : vector<16xi1>, vector<16xi32>
          %parallel_loop3A_1013 = arith.addi %parallel_loop3A_870, %parallel_loop3A_870 : vector<16xi32>
          %parallel_loop3A_1014 = arith.addi %parallel_loop3A_1013, %parallel_loop3A_1012 : vector<16xi32>
          %parallel_loop3A_1015 = arith.constant 0.000000e+00 : f32
          %parallel_loop3A_1016 = vector.broadcast %parallel_loop3A_1015 : f32 to vector<16xf32>
          %parallel_loop3A_1017 = arith.cmpf ogt, %parallel_loop3A_955, %parallel_loop3A_1016 : vector<16xf32>
          %parallel_loop3A_1018 = arith.constant 2 : i32
          %parallel_loop3A_1019 = arith.constant 1 : i32
          %parallel_loop3A_1020 = vector.broadcast %parallel_loop3A_1018 : i32 to vector<16xi32>
          %parallel_loop3A_1021 = vector.broadcast %parallel_loop3A_1019 : i32 to vector<16xi32>
          %parallel_loop3A_1022 = arith.select %parallel_loop3A_1017, %parallel_loop3A_1020, %parallel_loop3A_1021 : vector<16xi1>, vector<16xi32>
          %parallel_loop3A_1023 = arith.addi %parallel_loop3A_880, %parallel_loop3A_880 : vector<16xi32>
          %parallel_loop3A_1024 = arith.addi %parallel_loop3A_1023, %parallel_loop3A_1022 : vector<16xi32>
          %parallel_loop3A_1025 = arith.constant 0.000000e+00 : f32
          %parallel_loop3A_1026 = vector.broadcast %parallel_loop3A_1025 : f32 to vector<16xf32>
          %parallel_loop3A_1027 = arith.cmpf ogt, %parallel_loop3A_956, %parallel_loop3A_1026 : vector<16xf32>
          %parallel_loop3A_1028 = arith.constant 2 : i32
          %parallel_loop3A_1029 = arith.constant 1 : i32
          %parallel_loop3A_1030 = vector.broadcast %parallel_loop3A_1028 : i32 to vector<16xi32>
          %parallel_loop3A_1031 = vector.broadcast %parallel_loop3A_1029 : i32 to vector<16xi32>
          %parallel_loop3A_1032 = arith.select %parallel_loop3A_1027, %parallel_loop3A_1030, %parallel_loop3A_1031 : vector<16xi1>, vector<16xi32>
          %parallel_loop3A_1033 = arith.addi %parallel_loop3A_890, %parallel_loop3A_890 : vector<16xi32>
          %parallel_loop3A_1034 = arith.addi %parallel_loop3A_1033, %parallel_loop3A_1032 : vector<16xi32>
          %parallel_loop3A_1035 = arith.constant 0.000000e+00 : f32
          %parallel_loop3A_1036 = vector.broadcast %parallel_loop3A_1035 : f32 to vector<16xf32>
          %parallel_loop3A_1037 = arith.cmpf ogt, %parallel_loop3A_957, %parallel_loop3A_1036 : vector<16xf32>
          %parallel_loop3A_1038 = arith.constant 2 : i32
          %parallel_loop3A_1039 = arith.constant 1 : i32
          %parallel_loop3A_1040 = vector.broadcast %parallel_loop3A_1038 : i32 to vector<16xi32>
          %parallel_loop3A_1041 = vector.broadcast %parallel_loop3A_1039 : i32 to vector<16xi32>
          %parallel_loop3A_1042 = arith.select %parallel_loop3A_1037, %parallel_loop3A_1040, %parallel_loop3A_1041 : vector<16xi1>, vector<16xi32>
          %parallel_loop3A_1043 = arith.addi %parallel_loop3A_900, %parallel_loop3A_900 : vector<16xi32>
          %parallel_loop3A_1044 = arith.addi %parallel_loop3A_1043, %parallel_loop3A_1042 : vector<16xi32>
          %parallel_loop3A_1045 = arith.constant 0.000000e+00 : f32
          %parallel_loop3A_1046 = vector.broadcast %parallel_loop3A_1045 : f32 to vector<16xf32>
          %parallel_loop3A_1047 = arith.cmpf ogt, %parallel_loop3A_958, %parallel_loop3A_1046 : vector<16xf32>
          %parallel_loop3A_1048 = arith.constant 2 : i32
          %parallel_loop3A_1049 = arith.constant 1 : i32
          %parallel_loop3A_1050 = vector.broadcast %parallel_loop3A_1048 : i32 to vector<16xi32>
          %parallel_loop3A_1051 = vector.broadcast %parallel_loop3A_1049 : i32 to vector<16xi32>
          %parallel_loop3A_1052 = arith.select %parallel_loop3A_1047, %parallel_loop3A_1050, %parallel_loop3A_1051 : vector<16xi1>, vector<16xi32>
          %parallel_loop3A_1053 = arith.addi %parallel_loop3A_910, %parallel_loop3A_910 : vector<16xi32>
          %parallel_loop3A_1054 = arith.addi %parallel_loop3A_1053, %parallel_loop3A_1052 : vector<16xi32>
          %parallel_loop3A_1055 = arith.addi %sub3A_28, %parallel_loop3A_984 : vector<16xi32>
          %parallel_loop3A_1056 = tpu.vector_load_idx %arg10[%parallel_loop3A_1055] : memref<8192xf32, #tpu.memory_space<vmem>>[vector<16xi32>], vector<16xf32>,
          %parallel_loop3A_1057 = arith.mulf %parallel_loop3A_960, %parallel_loop3A_1056 : vector<16xf32>
          %parallel_loop3A_1058 = arith.constant 0 : i32
          %parallel_loop3A_1059 = arith.addi %parallel_loop3A_68, %parallel_loop3A_1058 : i32
          %parallel_loop3A_1060 = arith.constant 0 : i32
          %parallel_loop3A_1061 = arith.addi %mul3A_57, %parallel_loop3A_1060 : i32
          %parallel_loop3A_1062 = arith.index_cast %parallel_loop3A_1059 : i32 to index
          %parallel_loop3A_1063 = arith.index_cast %parallel_loop3A_1061 : i32 to index
          %parallel_loop3A_1064 = tpu.vector_load %arg11[%parallel_loop3A_1062, %parallel_loop3A_1063] {strides = array<i32>} : memref<32x1024xf32, #tpu.memory_space<vmem>>, vector<16xf32>,
          tpu.vector_store %arg11[%parallel_loop3A_1062, %parallel_loop3A_1063], %parallel_loop3A_1057 {strides = array<i32>} : memref<32x1024xf32, #tpu.memory_space<vmem>>, vector<16xf32>,
          %parallel_loop3A_1065 = arith.addi %sub3A_31, %parallel_loop3A_994 : vector<16xi32>
          %parallel_loop3A_1066 = tpu.vector_load_idx %arg10[%parallel_loop3A_1065] : memref<8192xf32, #tpu.memory_space<vmem>>[vector<16xi32>], vector<16xf32>,
          %parallel_loop3A_1067 = arith.mulf %parallel_loop3A_962, %parallel_loop3A_1066 : vector<16xf32>
          %parallel_loop3A_1068 = arith.constant 0 : i32
          %parallel_loop3A_1069 = arith.addi %parallel_loop3A_68, %parallel_loop3A_1068 : i32
          %parallel_loop3A_1070 = arith.constant 16 : i32
          %parallel_loop3A_1071 = arith.addi %mul3A_57, %parallel_loop3A_1070 : i32
          %parallel_loop3A_1072 = arith.index_cast %parallel_loop3A_1069 : i32 to index
          %parallel_loop3A_1073 = arith.index_cast %parallel_loop3A_1071 : i32 to index
          %parallel_loop3A_1074 = tpu.vector_load %arg11[%parallel_loop3A_1072, %parallel_loop3A_1073] {strides = array<i32>} : memref<32x1024xf32, #tpu.memory_space<vmem>>, vector<16xf32>,
          tpu.vector_store %arg11[%parallel_loop3A_1072, %parallel_loop3A_1073], %parallel_loop3A_1067 {strides = array<i32>} : memref<32x1024xf32, #tpu.memory_space<vmem>>, vector<16xf32>,
          %parallel_loop3A_1075 = arith.addi %sub3A_34, %parallel_loop3A_1004 : vector<16xi32>
          %parallel_loop3A_1076 = tpu.vector_load_idx %arg10[%parallel_loop3A_1075] : memref<8192xf32, #tpu.memory_space<vmem>>[vector<16xi32>], vector<16xf32>,
          %parallel_loop3A_1077 = arith.mulf %parallel_loop3A_964, %parallel_loop3A_1076 : vector<16xf32>
          %parallel_loop3A_1078 = arith.constant 0 : i32
          %parallel_loop3A_1079 = arith.addi %parallel_loop3A_68, %parallel_loop3A_1078 : i32
          %parallel_loop3A_1080 = arith.constant 32 : i32
          %parallel_loop3A_1081 = arith.addi %mul3A_57, %parallel_loop3A_1080 : i32
          %parallel_loop3A_1082 = arith.index_cast %parallel_loop3A_1079 : i32 to index
          %parallel_loop3A_1083 = arith.index_cast %parallel_loop3A_1081 : i32 to index
          %parallel_loop3A_1084 = tpu.vector_load %arg11[%parallel_loop3A_1082, %parallel_loop3A_1083] {strides = array<i32>} : memref<32x1024xf32, #tpu.memory_space<vmem>>, vector<16xf32>,
          tpu.vector_store %arg11[%parallel_loop3A_1082, %parallel_loop3A_1083], %parallel_loop3A_1077 {strides = array<i32>} : memref<32x1024xf32, #tpu.memory_space<vmem>>, vector<16xf32>,
          %parallel_loop3A_1085 = arith.addi %sub3A_37, %parallel_loop3A_1014 : vector<16xi32>
          %parallel_loop3A_1086 = tpu.vector_load_idx %arg10[%parallel_loop3A_1085] : memref<8192xf32, #tpu.memory_space<vmem>>[vector<16xi32>], vector<16xf32>,
          %parallel_loop3A_1087 = arith.mulf %parallel_loop3A_966, %parallel_loop3A_1086 : vector<16xf32>
          %parallel_loop3A_1088 = arith.constant 0 : i32
          %parallel_loop3A_1089 = arith.addi %parallel_loop3A_68, %parallel_loop3A_1088 : i32
          %parallel_loop3A_1090 = arith.constant 48 : i32
          %parallel_loop3A_1091 = arith.addi %mul3A_57, %parallel_loop3A_1090 : i32
          %parallel_loop3A_1092 = arith.index_cast %parallel_loop3A_1089 : i32 to index
          %parallel_loop3A_1093 = arith.index_cast %parallel_loop3A_1091 : i32 to index
          %parallel_loop3A_1094 = tpu.vector_load %arg11[%parallel_loop3A_1092, %parallel_loop3A_1093] {strides = array<i32>} : memref<32x1024xf32, #tpu.memory_space<vmem>>, vector<16xf32>,
          tpu.vector_store %arg11[%parallel_loop3A_1092, %parallel_loop3A_1093], %parallel_loop3A_1087 {strides = array<i32>} : memref<32x1024xf32, #tpu.memory_space<vmem>>, vector<16xf32>,
          %parallel_loop3A_1095 = arith.addi %sub3A_28, %parallel_loop3A_1024 : vector<16xi32>
          %parallel_loop3A_1096 = tpu.vector_load_idx %arg10[%parallel_loop3A_1095] : memref<8192xf32, #tpu.memory_space<vmem>>[vector<16xi32>], vector<16xf32>,
          %parallel_loop3A_1097 = arith.mulf %parallel_loop3A_968, %parallel_loop3A_1096 : vector<16xf32>
          %parallel_loop3A_1098 = arith.constant 1 : i32
          %parallel_loop3A_1099 = arith.addi %parallel_loop3A_68, %parallel_loop3A_1098 : i32
          %parallel_loop3A_1100 = arith.constant 0 : i32
          %parallel_loop3A_1101 = arith.addi %mul3A_57, %parallel_loop3A_1100 : i32
          %parallel_loop3A_1102 = arith.index_cast %parallel_loop3A_1099 : i32 to index
          %parallel_loop3A_1103 = arith.index_cast %parallel_loop3A_1101 : i32 to index
          %parallel_loop3A_1104 = tpu.vector_load %arg11[%parallel_loop3A_1102, %parallel_loop3A_1103] {strides = array<i32>} : memref<32x1024xf32, #tpu.memory_space<vmem>>, vector<16xf32>,
          tpu.vector_store %arg11[%parallel_loop3A_1102, %parallel_loop3A_1103], %parallel_loop3A_1097 {strides = array<i32>} : memref<32x1024xf32, #tpu.memory_space<vmem>>, vector<16xf32>,
          %parallel_loop3A_1105 = arith.addi %sub3A_31, %parallel_loop3A_1034 : vector<16xi32>
          %parallel_loop3A_1106 = tpu.vector_load_idx %arg10[%parallel_loop3A_1105] : memref<8192xf32, #tpu.memory_space<vmem>>[vector<16xi32>], vector<16xf32>,
          %parallel_loop3A_1107 = arith.mulf %parallel_loop3A_970, %parallel_loop3A_1106 : vector<16xf32>
          %parallel_loop3A_1108 = arith.constant 1 : i32
          %parallel_loop3A_1109 = arith.addi %parallel_loop3A_68, %parallel_loop3A_1108 : i32
          %parallel_loop3A_1110 = arith.constant 16 : i32
          %parallel_loop3A_1111 = arith.addi %mul3A_57, %parallel_loop3A_1110 : i32
          %parallel_loop3A_1112 = arith.index_cast %parallel_loop3A_1109 : i32 to index
          %parallel_loop3A_1113 = arith.index_cast %parallel_loop3A_1111 : i32 to index
          %parallel_loop3A_1114 = tpu.vector_load %arg11[%parallel_loop3A_1112, %parallel_loop3A_1113] {strides = array<i32>} : memref<32x1024xf32, #tpu.memory_space<vmem>>, vector<16xf32>,
          tpu.vector_store %arg11[%parallel_loop3A_1112, %parallel_loop3A_1113], %parallel_loop3A_1107 {strides = array<i32>} : memref<32x1024xf32, #tpu.memory_space<vmem>>, vector<16xf32>,
          %parallel_loop3A_1115 = arith.addi %sub3A_34, %parallel_loop3A_1044 : vector<16xi32>
          %parallel_loop3A_1116 = tpu.vector_load_idx %arg10[%parallel_loop3A_1115] : memref<8192xf32, #tpu.memory_space<vmem>>[vector<16xi32>], vector<16xf32>,
          %parallel_loop3A_1117 = arith.mulf %parallel_loop3A_972, %parallel_loop3A_1116 : vector<16xf32>
          %parallel_loop3A_1118 = arith.constant 1 : i32
          %parallel_loop3A_1119 = arith.addi %parallel_loop3A_68, %parallel_loop3A_1118 : i32
          %parallel_loop3A_1120 = arith.constant 32 : i32
          %parallel_loop3A_1121 = arith.addi %mul3A_57, %parallel_loop3A_1120 : i32
          %parallel_loop3A_1122 = arith.index_cast %parallel_loop3A_1119 : i32 to index
          %parallel_loop3A_1123 = arith.index_cast %parallel_loop3A_1121 : i32 to index
          %parallel_loop3A_1124 = tpu.vector_load %arg11[%parallel_loop3A_1122, %parallel_loop3A_1123] {strides = array<i32>} : memref<32x1024xf32, #tpu.memory_space<vmem>>, vector<16xf32>,
          tpu.vector_store %arg11[%parallel_loop3A_1122, %parallel_loop3A_1123], %parallel_loop3A_1117 {strides = array<i32>} : memref<32x1024xf32, #tpu.memory_space<vmem>>, vector<16xf32>,
          %parallel_loop3A_1125 = arith.addi %sub3A_37, %parallel_loop3A_1054 : vector<16xi32>
          %parallel_loop3A_1126 = tpu.vector_load_idx %arg10[%parallel_loop3A_1125] : memref<8192xf32, #tpu.memory_space<vmem>>[vector<16xi32>], vector<16xf32>,
          %parallel_loop3A_1127 = arith.mulf %parallel_loop3A_974, %parallel_loop3A_1126 : vector<16xf32>
          %parallel_loop3A_1128 = arith.constant 1 : i32
          %parallel_loop3A_1129 = arith.addi %parallel_loop3A_68, %parallel_loop3A_1128 : i32
          %parallel_loop3A_1130 = arith.constant 48 : i32
          %parallel_loop3A_1131 = arith.addi %mul3A_57, %parallel_loop3A_1130 : i32
          %parallel_loop3A_1132 = arith.index_cast %parallel_loop3A_1129 : i32 to index
          %parallel_loop3A_1133 = arith.index_cast %parallel_loop3A_1131 : i32 to index
          %parallel_loop3A_1134 = tpu.vector_load %arg11[%parallel_loop3A_1132, %parallel_loop3A_1133] {strides = array<i32>} : memref<32x1024xf32, #tpu.memory_space<vmem>>, vector<16xf32>,
          tpu.vector_store %arg11[%parallel_loop3A_1132, %parallel_loop3A_1133], %parallel_loop3A_1127 {strides = array<i32>} : memref<32x1024xf32, #tpu.memory_space<vmem>>, vector<16xf32>,
        } {sc.loop_unroll_factor = 2 : i64, sc.parallel_access}
      }
      %scan3A_54 = arith.constant 16 : i32
      "tpu.region"() ({
        %run_scoped3A = tpu.sem_alloc : memref<!tpu.dma_semaphore, #tpu.memory_space<semaphore_mem>>
        %dma_start3A = arith.constant 0 : i32
        %dma_start3A_55 = tpu.memref_slice %arg6[%add3A_46, %dma_start3A] : memref<16384x1024xf32, #tpu.memory_space<hbm>> -> memref<32x1024xf32, #tpu.memory_space<hbm>>
        %dma_start3A_56 = arith.constant 0 : i32
        %dma_start3A_57 = tpu.memref_slice %arg6[%add3A_46, %dma_start3A_56] : memref<16384x1024xf32, #tpu.memory_space<hbm>> -> memref<32x1024xf32, #tpu.memory_space<hbm>>
        tpu.enqueue_dma source(%arg11 : memref<32x1024xf32, #tpu.memory_space<vmem>>) target(%dma_start3A_57 : memref<32x1024xf32, #tpu.memory_space<hbm>>) target_semaphore(%run_scoped3A : memref<!tpu.dma_semaphore, #tpu.memory_space<semaphore_mem>>)
        %dma_wait3A = arith.constant 0 : i32
        %dma_wait3A_58 = tpu.memref_slice %arg6[%add3A_46, %dma_wait3A] : memref<16384x1024xf32, #tpu.memory_space<hbm>> -> memref<32x1024xf32, #tpu.memory_space<hbm>>
        %dma_wait3A_59 = arith.constant 0 : i32
        %dma_wait3A_60 = tpu.memref_slice %arg6[%add3A_46, %dma_wait3A_59] : memref<16384x1024xf32, #tpu.memory_space<hbm>> -> memref<32x1024xf32, #tpu.memory_space<hbm>>
        tpu.wait_dma2 semaphore(%run_scoped3A : memref<!tpu.dma_semaphore, #tpu.memory_space<semaphore_mem>>) src(%arg11 : memref<32x1024xf32, #tpu.memory_space<vmem>>) dst(%dma_wait3A_60 : memref<32x1024xf32, #tpu.memory_space<hbm>>)
        tpu.yield
      }) : () -> ()
    }
    %scan3A_42 = arith.constant 16 : i32
    return
  }
}

</mosaic_0001>

<sc_bundles>
// kernel: kernel.3.cloned.1.call-start
scs
__scs_entry_jumppad:
0x0: {  	(pc) =	sbr.rel $0x88, $3  }
0x1: {  	(tag) =	ssettag $0x0;
	lr =	simm.s32 $0x1  }
0x2: {  	[smem:$0x3F9D] =	sst lr;
	_ =	strace $0xD0000000  }
0x3: {  	_ = 	snop  }
0x4: {  	_ = 	snop  }
0x5: {  	_ = 	snop  }
0x6: {  	_ = 	snop  }
0x7: {  	_ = 	snop  }
__scs_overlays_trampoline_lowered:
0x8: {  	[smem:$0x3FAC] =	sst s0  }
0x9: {  	[smem:$0x3FAD] =	sst s1  }
0xa: {  	[smem:$0x3FAE] =	sst s2  }
0xb: {  	[smem:$0x3FAF] =	sst s3  }
0xc: {  	[smem:$0x3FB0] =	sst s4  }
0xd: {  	[smem:$0x3FB1] =	sst s5  }
0xe: {  	[smem:$0x3FB2] =	sst s6  }
0xf: {  	[smem:$0x3FB3] =	sst s7  }
0x10: {  	[smem:$0x3FB4] =	sst s8  }
0x11: {  	[smem:$0x3FB5] =	sst s9;
	s0 =	simm.s32 @!p0 $0x0  }
0x12: {  	s1 =	sld [smem:$0x3F9B];
	s0 =	simm.s32 @p0 $0x1  }
0x13: {  	[smem:$0x3FB6] =	sst s0;
	s0 =	simm.s32 @!p1 $0x0  }
0x14: {  	s2 =	sld [smem:$0x3F9A];
	s0 =	simm.s32 @p1 $0x1  }
0x15: {  	[smem:$0x3FB7] =	sst s0;
	s0 =	simm.s32 @!p2 $0x0  }
0x16: {  	s3 =	sld [smem:$0x3FDB];
	s0 =	simm.s32 @p2 $0x1  }
0x17: {  	s4 =	simm.s32 $0x1BF5;
	[smem:$0x3FB9] =	sst s0  }
0x18: {  	s0 =	sld [smem:$0x3F9C];
	_ =	swait.ge [sflag:s4], $0x0  }
0x19: {  	s7 =	sld [smem:$0x3F9D]  }
0x1a: {  	s8 =	sadd.s32 $0xFFFFE003, lr  }
0x1b: {  	s9 =	sadd.s32 $0xFFFFFEF7, lr;
	s5 =	simm.s32 $0xFFFFFFFF;
	p2 =	slt.u32 s8, $0xFFFFF086  }
0x1c: {  	p1 =	slt.u32 s9, $0xF7A;
	s5 =	simm.s32 @!p2 $0x0  }
0x1d: {  	s5 =	simm.s32 @p1 $0x1;
	p0 =	seq.s32 s7, s2  }
0x1e: {  	s7 =	smul.u32 @!p0 $0xF7A, s2;
	p2 =	seq.s32 @!p0 s5, $0x0  }
0x1f: {  	s9 =	smul.u32 $0xF7A, s1;
	s8 =	simm.s32 @!p0 $0x1BF5;
	p2 =	por !p2, p0  }
0x20: {  	[sflag:s8] =	ssyncset.s32 @!p0 $0xFFFFF086;
	s6 =	sadd.s32 @!p0 s3, s7;
	s7 =	simm.s32 @!p0 $0x108  }
0x21: {  	s3 =	sadd.s32 s3, s9;
	s6 =	sadd.s32 @!p0 $0x88, s6;
	s7 =	simm.s32 @p2 $0x1082  }
0x22: {  	[simem:s7], [sflag:s8] =	dma.local @!p0 [hbm:s6], $0xF7A  }
0x23: {  	s9 =	sor.u32 $0xD0000000, s2;
	s6 =	simm.s32 $0x108;
	_ =	swait.ge @!p0 [sflag:s8], $0x0  }
0x24: {  	s3 =	sadd.s32 $0x88, s3;
	s6 =	simm.s32 @!p1 $0x1082;
	[sflag:s4] =	ssyncset.s32 $0xFFFFF086  }
0x25: {  	[simem:s6], [sflag:s4] =	dma.local [hbm:s3], $0xF7A  }
0x26: {  	[smem:$0x3F9D] =	sst s1;
	(tag) =	ssettag s2;
	_ =	strace s9  }
0x27: {  	s1 =	sld [smem:$0x3FAD]  }
0x28: {  	s2 =	sld [smem:$0x3FAE]  }
0x29: {  	s4 =	sld [smem:$0x3FB0]  }
0x2a: {  	p0 =	seq.s32 s5, $0x0;
	s5 =	sld [smem:$0x3FB1]  }
0x2b: {  	s6 =	sld [smem:$0x3FB2]  }
0x2c: {  	s7 =	sld [smem:$0x3FB3]  }
0x2d: {  	s3 =	simm.s32 $0x108;
	s8 =	sld [smem:$0x3FB4]  }
0x2e: {  	s3 =	simm.s32 @!p0 $0x1082;
	s9 =	sld [smem:$0x3FB5]  }
0x2f: {  	lr =	sadd.s32 s0, s3;
	s0 =	sld [smem:$0x3FAC]  }
0x30: {  	s3 =	sld [smem:$0x3FAF]  }
0x31: {  	[smem:$0x3FB8] =	sst s10  }
0x32: {  	s10 =	sld [smem:$0x3FB6];
	_ =	sdelay $0x3  }
0x33: {  	p0 =	seq.s32 s10, $0x1;
	s10 =	sld [smem:$0x3FB8];
	_ =	sdelay $0x3  }
0x34: {  	[smem:$0x3FB8] =	sst s10  }
0x35: {  	s10 =	sld [smem:$0x3FB7];
	_ =	sdelay $0x3  }
0x36: {  	p1 =	seq.s32 s10, $0x1;
	s10 =	sld [smem:$0x3FB8];
	_ =	sdelay $0x3  }
0x37: {  	[smem:$0x3FB8] =	sst s10  }
0x38: {  	s10 =	sld [smem:$0x3FB9]  }
0x39: {  	_ = 	snop;
	(pc) =	sbr.ind lr, $3  }
0x3a: {  	_ = 	snop  }
0x3b: {  	_ = 	snop  }
0x3c: {  	p2 =	seq.s32 s10, $0x1;
	s10 =	sld [smem:$0x3FB8]  }
0x3d: {  	_ =	shalt  }
0x3e: {  	_ =	shalt  }
0x3f: {  	_ =	shalt  }
0x40: {  	_ =	shalt  }
0x41: {  	_ =	shalt  }
0x42: {  	_ =	shalt  }
0x43: {  	_ =	shalt  }
0x44: {  	_ =	shalt  }
0x45: {  	_ =	shalt  }
0x46: {  	_ =	shalt  }
0x47: {  	_ =	shalt  }
0x48: {  	_ =	shalt  }
0x49: {  	_ =	shalt  }
0x4a: {  	_ =	shalt  }
0x4b: {  	_ =	shalt  }
0x4c: {  	_ =	shalt  }
0x4d: {  	_ =	shalt  }
0x4e: {  	_ =	shalt  }
0x4f: {  	_ =	shalt  }
0x50: {  	_ =	shalt  }
0x51: {  	_ =	shalt  }
0x52: {  	_ =	shalt  }
0x53: {  	_ =	shalt  }
0x54: {  	_ =	shalt  }
0x55: {  	_ =	shalt  }
0x56: {  	_ =	shalt  }
0x57: {  	_ =	shalt  }
0x58: {  	_ =	shalt  }
0x59: {  	_ =	shalt  }
0x5a: {  	_ =	shalt  }
0x5b: {  	_ =	shalt  }
0x5c: {  	_ =	shalt  }
0x5d: {  	_ =	shalt  }
0x5e: {  	_ =	shalt  }
0x5f: {  	_ =	shalt  }
0x60: {  	_ =	shalt  }
0x61: {  	_ =	shalt  }
0x62: {  	_ =	shalt  }
0x63: {  	_ =	shalt  }
0x64: {  	_ =	shalt  }
0x65: {  	_ =	shalt  }
0x66: {  	_ =	shalt  }
0x67: {  	_ =	shalt  }
0x68: {  	_ =	shalt  }
0x69: {  	_ =	shalt  }
0x6a: {  	_ =	shalt  }
0x6b: {  	_ =	shalt  }
0x6c: {  	_ =	shalt  }
0x6d: {  	_ =	shalt  }
0x6e: {  	_ =	shalt  }
0x6f: {  	_ =	shalt  }
0x70: {  	_ =	shalt  }
0x71: {  	_ =	shalt  }
0x72: {  	_ =	shalt  }
0x73: {  	_ =	shalt  }
0x74: {  	_ =	shalt  }
0x75: {  	_ =	shalt  }
0x76: {  	_ =	shalt  }
0x77: {  	_ =	shalt  }
0x78: {  	_ =	shalt  }
0x79: {  	_ =	shalt  }
0x7a: {  	_ =	shalt  }
0x7b: {  	_ =	shalt  }
0x7c: {  	_ =	shalt  }
0x7d: {  	_ =	shalt  }
0x7e: {  	_ =	shalt  }
0x7f: {  	_ =	shalt  }
0x80: {  	_ =	shalt  }
0x81: {  	_ =	shalt  }
0x82: {  	_ =	shalt  }
0x83: {  	_ =	shalt  }
0x84: {  	_ =	shalt  }
0x85: {  	_ =	shalt  }
0x86: {  	_ =	shalt  }
0x87: {  	_ =	shalt  }
.Lfunc_end0:
.L_simem_size_0:
called_computation.1_lowered:
.L_overlay_start_0:
0x88: {  	s2 =	sld [smem:$0x3FD9]  }
0x89: {  	s3 =	sld [smem:$0x3FFE];
	_ =	sdelay $0x1  }
0x8a: {  	s1 =	srdreg.scid  }
0x8b: {  	s0 =	sand.u32 $0x1, s1  }
0x8c: {  	s17 =	sshll.u32 s0, $0xA;
	s2 =	sadd.s32 s3, s2  }
0x8d: {  	s2 =	sadd.s32 s2, s17  }
0x8e: {  	[smem:$0x3FC4] =	sst s2  }
0x8f: {  	_ = 	snop  }
0x90: {  	s2 =	sld [smem:$0x3FC6]  }
0x91: {  	s18 =	sld [smem:$0x3FD0];
	(tm) =	ssettm $0x1  }
0x92: {  	s4 =	sld [smem:$0x3FFB];
	_ =	sdelay $0x3  }
0x93: {  	_ =	strace s4  }
0x94: {  	s4 =	sld [smem:$0x3FFC];
	_ =	sdelay $0x3  }
0x95: {  	_ =	strace s4  }
0x96: {  	s4 =	sld [smem:$0x3FFD];
	_ =	sdelay $0x3  }
0x97: {  	_ =	strace s4  }
0x98: {  	_ =	strace $0x8FFFFFFF  }
0x99: {  	s19 =	sld [smem:$0x3FDB];
	_ =	sdelay $0x1  }
0x9a: {  	s5 =	simm.s32 $_scs_section_size  }
0x9b: {  	s6 =	simm.s32 $_size__tile_overlayer_lowered;
	s7 =	simm.s32 $_tile_overlayer_lowered  }
0x9c: {  	s22 =	simm.s32 $0x1BFF;
	s21 =	sshll.u32 s7, $0x1;
	s4 =	sadd.s32 s5, s19  }
0x9d: {  	s8 =	simm.s32 $0x0;
	s20 =	sshll.u32 s6, $0x1;
	s6 =	sadd.s32 s21, s4  }
0x9e: {  	[timem:s8], [sflag:s22] =	dma.local [hbm:s6], s20  }
0x9f: {  	_ =	swait.ge [sflag:s22], s20  }
0xa0: {  	s5 =	ssub.s32 $0x0, s20;
	[sflag:s22] =	ssyncset.done $0x0  }
0xa1: {  	[sflag:s22] =	ssyncadd.s32 s5;
	_ =	sdelay $0x1  }
0xa2: {  	s23 =	simm.s32 $0x1B8B  }
0xa3: {  	_ =	swait.ge [sflag:s23], $0x1  }
0xa4: {  	[sflag:s23] =	ssyncset.done $0x0  }
0xa5: {  	s25 =	simm.s32 $0x1B8E;
	s24 =	sld [smem:$0x3FFE];
	[sflag:s23] =	ssyncadd.s32 $0xFFFFFFFF  }
0xa6: {  	s26 =	simm.s32 $execute0_lowered;
	[smem:$0x3FD2] =	sst s25  }
0xa7: {  	s6 =	sshll.u32 s26, $0x1;
	_ =	strace $0x80000049;
	[dreg:$0x1] =	wrdreg $0xFFFFFFFF  }
0xa8: {  	s28 =	simm.s32 $_size_execute0_lowered;
	s4 =	sadd.s32 s4, s6;
	[dreg:$0x0] =	wrdreg $0x0  }
0xa9: {  	s6 =	sshll.u32 s28, $0x1;
	[dreg:$0x2] =	wrdreg s4  }
0xaa: {  	[dreg:$0x3] =	wrdreg s6  }
0xab: {  	[dreg:$0x4] =	wrdreg $0xC0  }
0xac: {  	_ =	task [dreg:s8], $0x5FFFF  }
0xad: {  	[dreg:$0x1] =	wrdreg $0xFFFFFFFF  }
0xae: {  	[dreg:$0x0] =	wrdreg $0x60  }
0xaf: {  	[dreg:$0x2] =	wrdreg s24  }
0xb0: {  	[dreg:$0x3] =	wrdreg s2  }
0xb1: {  	[dreg:$0x4] =	wrdreg s18  }
0xb2: {  	[dreg:$0x5] =	wrdreg $0x9  }
0xb3: {  	_ =	task.clear_ibuf [dreg:s8], $0x6FFFF;
	_ =	strace $0x90000049  }
0xb4: {  	s29 =	simm.s32 $0x9;
	_ =	strace $0x8000004B  }
0xb5: {  	_ =	swait.ge [sflag:s29], $0x1  }
0xb6: {  	[sflag:s29] =	ssyncadd.s32 $0xFFFFFFFF  }
0xb7: {  	_ =	strace $0x9000004B  }
0xb8: {  	_ =	sfence  }
0xb9: {  	s30 =	sld [smem:$0x0];
	_ =	sdelay $0x2  }
0xba: {  	s31 =	sshll.u32 s1, $0xD;
	s1 =	sshrl.u32 s1, $0x2  }
0xbb: {  	s3 =	sand.u32 $0x4000, s31;
	s1 =	sadd.s32 s1, s30  }
0xbc: {  	s0 =	sor.u32 s3, s0;
	s1 =	sshll.u32 s1, $0x11  }
0xbd: {  	s0 =	sor.u32 s1, s0  }
0xbe: {  	s0 =	sadd.s32 $0x8F2B, s0  }
0xbf: {  	[sflag:s0] =	ssyncadd.remote.s32 $0x1  }
0xc0: {  	_ =	sfence.sel $0xFFFF  }
0xc1: {  	[dreg:$0x0] =	wrdreg $0xFFFFFFFF;
	(pc) =	sbr.abs _section_cstart, $3  }
0xc2: {  	[dreg:$0x1] =	wrdreg $0xFFFFFFFF  }
0xc3: {  	_ =	task.clear_ibuf [dreg:s8], $0x2FFFF;
	_ =	strace $0x9FFFFFFF  }
0xc4: {  	(tm) =	ssettm $0x7FFFFFFF  }
0xc5: {  	_ =	shalt  }
tec
execute0_lowered:
.L_overlay_start_1:
0x0: {  	(tag) =	ssettag $0x1  }
0x1: {  	s7 =	rddreg [dreg:$0x0];
	v0 =	vlaneseq.u32  }
0x2: {  	s1 =	rddreg [dreg:$0x1];
	v57 =	vmul.u32 $0x80, v0  }
0x3: {  	s2 =	rddreg [dreg:$0x2];
	s3 =	simm.s32 $0x0  }
0x4: {  	[smem:$0x7FF] =	sst s3;
	v58 =	vor.u32 $0x800, v57  }
0x5: {  	s0 =	rddreg [dreg:$0x3];
	_ =	strace $0x8000004A;
	v59 =	vor.u32 $0x1000, v57;
	[tilespmem:$0x1FF10] =	vst v58  }
0x6: {  	v38 =	vor.u32 $0x1800, v57;
	[tilespmem:$0x1FF20] =	vst v59  }
0x7: {  	v2 =	vor.u32 $0x1, v57;
	[tilespmem:$0x1FF30] =	vst v38  }
0x8: {  	v3 =	vor.u32 $0x2, v57;
	[tilespmem:$0x1FF40] =	vst v2  }
0x9: {  	v12 =	vor.u32 $0x801, v57;
	[tilespmem:$0x1FF50] =	vst v3  }
0xa: {  	v16 =	vor.u32 $0x802, v57;
	[tilespmem:$0x1FF60] =	vst v12  }
0xb: {  	v56 =	vor.u32 $0x1001, v57;
	[tilespmem:$0x1FF70] =	vst v16  }
0xc: {  	v60 =	vor.u32 $0x1002, v57;
	[tilespmem:$0x1FF80] =	vst v56  }
0xd: {  	s4 =	srdreg.scid;
	v61 =	vor.u32 $0x1801, v57;
	[tilespmem:$0x1FF90] =	vst v60  }
0xe: {  	s5 =	stileid.u32;
	s11 =	simm.s32 $0x8000;
	s12 =	simm.s32 $0xA000;
	v63 =	vor.u32 $0x1802, v57;
	[tilespmem:$0x1FFA0] =	vst v61  }
0xf: {  	s13 =	simm.s32 $0xC000;
	s14 =	simm.s32 $0xE000;
	s8 =	sand.u32 $0x1, s4;
	v17 =	vadd.s32 $0xFFFFFF81, v57;
	[tilespmem:$0x1FFB0] =	vst v63  }
0x10: {  	s15 =	simm.s32 $0x0;
	s4 =	sadd.s32 $0xC00, s7;
	s9 =	ssub.s32 $0x2, s8;
	v14 =	vadd.s32 $0x781, v57;
	[tilespmem:$0x1FFC0] =	vst v17  }
0x11: {  	s6 =	sadd.s32 $0x200C00, s7;
	s31 =	sshll.u32 s5, $0x11;
	s10 =	sshrl.u32 s9, $0x1;
	v13 =	vadd.s32 $0xF81, v57;
	[tilespmem:$0x1FFD0] =	vst v14  }
0x12: {  	s7 =	sadd.s32 $0x204C00, s7;
	s8 =	sshll.u32 s8, $0x10;
	v10 =	vadd.s32 $0x1781, v57;
	s9 =	ssub.s32 s9, s10;
	[tilespmem:$0x1FFE0] =	vst v13  }
0x13: {  	v27 =	vimm.s32 $0x1;
	v1 =	vimm.s32 $0x2;
	s8 =	sor.u32 s8, s31;
	s10 =	simm.s32 $0x1;
	[tilespmem:$0x1FFF0] =	vst v10;
	s9 =	smax.u32 s9, $0x1  }
.LBB2_1:
0x14: {  	s16 =	simm.s32 $0x0  }
.LBB2_2:
0x15: {  	s17 =	sshll.u32 s16, $0xC  }
0x16: {  	s17 =	sadd.s32 s8, s17  }
0x17: {  	s18 =	simm.s32 $0x0;
	s19 =	sadd.s32 s4, s17  }
0x18: {  	[tilespmem:s18], [sflag:$0x1] =	stream.linear.gather [hbm4b:s19+s18], $0x8000, $0x38;
	[tilespmem:$0x16000] =	vst v63  }
0x19: {  	_ =	swait.ge [sflag:s10], $0x8000  }
0x1a: {  	[sflag:s10] =	ssyncset.done $0x0  }
0x1b: {  	[sflag:s10] =	ssyncadd.s32 $0xFFFF8000  }
.LBB2_3:
0x1c: {  	s19 =	sshll.u32 s18, $0xA  }
0x1d: {  	s20 =	sadd.s32 s6, s19  }
0x1e: {  	[tilespmem:s11], [sflag:$0x1] =	stream.linear.gather [hbm4b:s20+s3], $0x2000, $0x38;
	[tilespmem:$0x16000] =	vst v63  }
0x1f: {  	_ =	swait.ge [sflag:s10], $0x2000  }
0x20: {  	[sflag:s10] =	ssyncset.done $0x0  }
0x21: {  	s29 =	sadd.s32 s7, s19;
	[sflag:s10] =	ssyncadd.s32 $0xFFFFE000  }
0x22: {  	[tilespmem:s12], [sflag:$0x1] =	stream.linear.gather [hbm4b:s29+s3], $0x2000, $0x38;
	[tilespmem:$0x16000] =	vst v63  }
0x23: {  	_ =	swait.ge [sflag:s10], $0x2000  }
0x24: {  	s31 =	sshll.u32 s18, $0x6;
	[sflag:s10] =	ssyncset.done $0x0  }
0x25: {  	s19 =	sadd.s32 s1, s19;
	s20 =	sand.u32 $0x40, s31;
	[sflag:s10] =	ssyncadd.s32 $0xFFFFE000  }
0x26: {  	[tilespmem:s13], [sflag:$0x1] =	stream.linear.gather [hbm4b:s19+s3], $0x2000, $0x38;
	[tilespmem:$0x16000] =	vst v63  }
0x27: {  	s23 =	sor.u32 $0x10, s20;
	v0 =	vmov s20;
	_ =	swait.ge [sflag:s10], $0x2000  }
0x28: {  	s24 =	sor.u32 $0x20, s20;
	[tilespmem:$0x1FED0] =	vst v0;
	v0 =	vmov s23  }
0x29: {  	s30 =	sshll.u32 s18, $0x9;
	s21 =	simm.s32 $0x100;
	s25 =	sor.u32 $0x30, s20;
	[tilespmem:$0x1FEE0] =	vst v0;
	v0 =	vmov s24  }
0x2a: {  	s22 =	simm.s32 $0x800;
	s19 =	sand.u32 $0x1C00, s30;
	[sflag:s10] =	ssyncset.done $0x0;
	[tilespmem:$0x1FEF0] =	vst v0;
	v0 =	vmov s25  }
0x2b: {  	s20 =	simm.s32 $0xFFFFFFFE;
	s19 =	sor.u32 $0xE000, s19;
	[sflag:s10] =	ssyncadd.s32 $0xFFFFE000;
	[tilespmem:$0x1FF00] =	vst v0  }
.LBB2_4:
0x2c: {  	v26 =	vld.idx.msk [tilespmem:v57+s12+$0x0], $0xffff  }
0x2d: {  	v18 =	vld.idx.msk [tilespmem:v58+s12+$0x0], $0xffff  }
0x2e: {  	v0 =	vld.idx.msk [tilespmem:v59+s12+$0x0], $0xffff;
	_ =	sdelay $0x1  }
0x2f: {  	v17 =	vld.idx.msk [tilespmem:v38+s12+$0x0], $0xffff;
	s23 =	sadd.s32 $0xFFFFF800, s22  }
0x30: {  	v4 =	vadd.s32 s23, v26  }
0x31: {  	v5 =	vadd.s32 s23, v18  }
0x32: {  	v15 =	vld.idx.msk [tilespmem:v57+s11+$0x0], $0xffff;
	v6 =	vadd.s32 s23, v0  }
0x33: {  	v25 =	vld.idx.msk [tilespmem:v58+s11+$0x0], $0xffff  }
0x34: {  	s24 =	sadd.s32 $0xFFFFFC00, s22;
	v31 =	vld.idx.msk [tilespmem:v59+s11+$0x0], $0xffff;
	v7 =	vadd.s32 s23, v17  }
0x35: {  	v9 =	vadd.s32 s24, v18;
	v4 =	vld.idx.msk [tilespmem:v4+s3+$0x0], $0xffff  }
0x36: {  	v10 =	vadd.s32 s24, v0;
	v5 =	vld.idx.msk [tilespmem:v5+s3+$0x0], $0xffff  }
0x37: {  	v8 =	vadd.s32 s24, v26;
	v6 =	vld.idx.msk [tilespmem:v6+s3+$0x0], $0xffff  }
0x38: {  	v24 =	vld.idx.msk [tilespmem:v38+s11+$0x0], $0xffff  }
0x39: {  	v7 =	vld.idx.msk [tilespmem:v7+s3+$0x0], $0xffff  }
0x3a: {  	v13 =	vadd.s32 s24, v17;
	v9 =	vld.idx.msk [tilespmem:v9+s3+$0x0], $0xffff;
	v11 =	vsub.f32 v4, v15  }
0x3b: {  	v4 =	vld.idx.msk [tilespmem:v10+s3+$0x0], $0xffff;
	v10 =	vsub.f32 v5, v25  }
0x3c: {  	v8 =	vld.idx.msk [tilespmem:v8+s3+$0x0], $0xffff;
	v44 =	vsub.f32 v6, v31;
	vm7 =	vgt.f32 v11, $0.0e+00  }
0x3d: {  	vm5 =	vgt.f32 v10, $0.0e+00;
	v49 =	vsel vm7, v3, v2  }
0x3e: {  	vm6 =	vgt.f32 v44, $0.0e+00;
	v51 =	vsel vm5, v16, v12  }
0x3f: {  	v5 =	vld.idx.msk [tilespmem:v13+s3+$0x0], $0xffff;
	v52 =	vsel vm6, v60, v56  }
0x40: {  	v45 =	vsub.f32 v7, v24;
	v13 =	vsub.f32 v9, v25  }
0x41: {  	v50 =	vsub.f32 v8, v15  }
0x42: {  	[tilespmem:$0x1FAD0] =	vst v13;
	vm4 =	vgt.f32 v45, $0.0e+00;
	vm2 =	vgt.f32 v13, $0.0e+00;
	v13 =	vld.idx.msk [tilespmem:v49+s12+$0x0], $0xffff  }
0x43: {  	vm3 =	vgt.f32 v50, $0.0e+00;
	v14 =	vsub.f32 v4, v31;
	v4 =	vsel vm4, v63, v61;
	v19 =	vld.idx.msk [tilespmem:v51+s12+$0x0], $0xffff  }
0x44: {  	v53 =	vsub.f32 v5, v24;
	v5 =	vsel vm3, v3, v2;
	v21 =	vld.idx.msk [tilespmem:v52+s12+$0x0], $0xffff  }
0x45: {  	v6 =	vld.idx.msk [tilespmem:v49+s11+$0x0], $0xffff  }
0x46: {  	[tilespmem:$0x1FAE0] =	vst v14;
	vm1 =	vgt.f32 v14, $0.0e+00;
	v14 =	vsel vm2, v16, v12;
	v8 =	vld.idx.msk [tilespmem:v51+s11+$0x0], $0xffff  }
0x47: {  	v20 =	vsel vm1, v60, v56;
	v9 =	vld.idx.msk [tilespmem:v52+s11+$0x0], $0xffff  }
0x48: {  	v23 =	vld.idx.msk [tilespmem:v4+s12+$0x0], $0xffff  }
0x49: {  	vm0 =	vgt.f32 v53, $0.0e+00;
	v29 =	vld.idx.msk [tilespmem:v5+s12+$0x0], $0xffff  }
0x4a: {  	v22 =	vsel vm0, v63, v61;
	v4 =	vld.idx.msk [tilespmem:v4+s11+$0x0], $0xffff  }
0x4b: {  	v30 =	vld.idx.msk [tilespmem:v14+s12+$0x0], $0xffff;
	v13 =	vadd.s32 s23, v13  }
0x4c: {  	v32 =	vld.idx.msk [tilespmem:v20+s12+$0x0], $0xffff;
	v19 =	vadd.s32 s23, v19  }
0x4d: {  	v34 =	vld.idx.msk [tilespmem:v14+s11+$0x0], $0xffff;
	v14 =	vadd.s32 s23, v21  }
0x4e: {  	v5 =	vld.idx.msk [tilespmem:v5+s11+$0x0], $0xffff;
	v54 =	vadd.s32 s23, v23  }
0x4f: {  	v33 =	vld.idx.msk [tilespmem:v22+s12+$0x0], $0xffff;
	v62 =	vadd.s32 s24, v29  }
0x50: {  	v13 =	vld.idx.msk [tilespmem:v13+s3+$0x0], $0xffff  }
0x51: {  	v7 =	vld.idx.msk [tilespmem:v19+s3+$0x0], $0xffff;
	v19 =	vadd.s32 s24, v32  }
0x52: {  	v14 =	vld.idx.msk [tilespmem:v14+s3+$0x0], $0xffff  }
0x53: {  	v29 =	vadd.s32 s24, v30;
	v21 =	vld.idx.msk [tilespmem:v54+s3+$0x0], $0xffff  }
0x54: {  	v40 =	vld.idx.msk [tilespmem:v62+s3+$0x0], $0xffff  }
0x55: {  	v39 =	vadd.s32 s24, v33  }
0x56: {  	v46 =	vsel vm6, $0x4, v1;
	v48 =	vsel vm4, $0x4, v1;
	v35 =	vld.idx.msk [tilespmem:v19+s3+$0x0], $0xffff;
	v19 =	vsub.f32 v13, v6  }
0x57: {  	[tilespmem:$0x1FAC0] =	vst v50;
	v50 =	vsel vm3, $0x4, v1;
	v51 =	vsel vm2, $0x4, v1;
	v55 =	vld.idx.msk [tilespmem:v22+s11+$0x0], $0xffff;
	v32 =	vsub.f32 v7, v8  }
0x58: {  	v29 =	vld.idx.msk [tilespmem:v29+s3+$0x0], $0xffff;
	v14 =	vsub.f32 v14, v9;
	v22 =	vsub.f32 v21, v4;
	vm8 =	vgt.f32 v19, $0.0e+00  }
0x59: {  	[tilespmem:$0x1FB00] =	vst v53;
	v20 =	vld.idx.msk [tilespmem:v20+s11+$0x0], $0xffff;
	v8 =	vsub.f32 v40, v5;
	v5 =	vsel vm7, $0x4, v1;
	v4 =	vsel vm8, $0x2, v27  }
0x5a: {  	v36 =	vld.idx.msk [tilespmem:v39+s3+$0x0], $0xffff;
	v13 =	vsel vm5, $0x4, v1;
	vm13 =	vgt.f32 v32, $0.0e+00;
	v4 =	vadd.s32 v5, v4  }
0x5b: {  	vm14 =	vgt.f32 v14, $0.0e+00;
	v5 =	vsel vm13, $0x2, v27;
	v23 =	vor.u32 v57, v4  }
0x5c: {  	v53 =	vsel vm1, $0x4, v1;
	v43 =	vsel vm14, $0x2, v27;
	v5 =	vadd.s32 v13, v5  }
0x5d: {  	v9 =	vsub.f32 v29, v34;
	v13 =	vadd.s32 v46, v43;
	v33 =	vor.u32 v58, v5  }
0x5e: {  	vm15 =	vgt.f32 v22, $0.0e+00;
	vm8 =	vgt.f32 v8, $0.0e+00;
	v30 =	vor.u32 v59, v13  }
0x5f: {  	v42 =	vsub.f32 v36, v55;
	v47 =	vsel vm15, $0x2, v27;
	v55 =	vsel vm0, $0x4, v1;
	v1 =	vld [tilespmem:$0x1FF30]  }
0x60: {  	v41 =	vsub.f32 v35, v20;
	v49 =	vsel vm8, $0x2, v27;
	v20 =	vadd.s32 v48, v47;
	v39 =	vld.idx.msk [tilespmem:v23+s12+$0x0], $0xffff  }
0x61: {  	v21 =	vadd.s32 v50, v49;
	vm9 =	vgt.f32 v9, $0.0e+00;
	v36 =	vor.u32 v38, v20;
	v23 =	vld.idx.msk [tilespmem:v23+s11+$0x0], $0xffff  }
0x62: {  	v29 =	vsel vm9, $0x2, v27;
	v54 =	vor.u32 v57, v21;
	v62 =	vld.idx.msk [tilespmem:v33+s12+$0x0], $0xffff  }
0x63: {  	[tilespmem:$0x1FB10] =	vst v42;
	vm10 =	vgt.f32 v41, $0.0e+00;
	vm11 =	vgt.f32 v42, $0.0e+00;
	v29 =	vadd.s32 v51, v29;
	v42 =	vld.idx.msk [tilespmem:v30+s12+$0x0], $0xffff  }
0x64: {  	v52 =	vsel vm10, $0x2, v27;
	v40 =	vor.u32 v58, v29;
	v33 =	vld.idx.msk [tilespmem:v33+s11+$0x0], $0xffff  }
0x65: {  	v37 =	vsel vm11, $0x2, v27;
	v34 =	vadd.s32 v53, v52;
	v30 =	vld.idx.msk [tilespmem:v30+s11+$0x0], $0xffff  }
0x66: {  	[tilespmem:$0x1FAF0] =	vst v41;
	v37 =	vadd.s32 v55, v37;
	v41 =	vor.u32 v59, v34;
	v46 =	vld.idx.msk [tilespmem:v36+s12+$0x0], $0xffff  }
0x67: {  	v43 =	vor.u32 v1, v37;
	v48 =	vld.idx.msk [tilespmem:v54+s12+$0x0], $0xffff  }
0x68: {  	v36 =	vld.idx.msk [tilespmem:v36+s11+$0x0], $0xffff;
	v39 =	vadd.s32 s23, v39  }
0x69: {  	v49 =	vld.idx.msk [tilespmem:v40+s12+$0x0], $0xffff;
	v38 =	vadd.s32 s23, v62  }
0x6a: {  	v35 =	vld.idx.msk [tilespmem:v54+s11+$0x0], $0xffff;
	v42 =	vadd.s32 s23, v42  }
0x6b: {  	v50 =	vld.idx.msk [tilespmem:v41+s12+$0x0], $0xffff;
	v46 =	vadd.s32 s23, v46  }
0x6c: {  	v51 =	vld.idx.msk [tilespmem:v43+s12+$0x0], $0xffff;
	v48 =	vadd.s32 s24, v48  }
0x6d: {  	v39 =	vld.idx.msk [tilespmem:v39+s3+$0x0], $0xffff  }
0x6e: {  	v49 =	vadd.s32 s24, v49;
	v38 =	vld.idx.msk [tilespmem:v38+s3+$0x0], $0xffff  }
0x6f: {  	v42 =	vld.idx.msk [tilespmem:v42+s3+$0x0], $0xffff  }
0x70: {  	v46 =	vld.idx.msk [tilespmem:v46+s3+$0x0], $0xffff  }
0x71: {  	v50 =	vadd.s32 s24, v50;
	v48 =	vld.idx.msk [tilespmem:v48+s3+$0x0], $0xffff  }
0x72: {  	v4 =	vshll.u32 v4, $0x1;
	v5 =	vshll.u32 v5, $0x1;
	v40 =	vld.idx.msk [tilespmem:v40+s11+$0x0], $0xffff;
	v23 =	vsub.f32 v39, v23  }
0x73: {  	v13 =	vshll.u32 v13, $0x1;
	v20 =	vshll.u32 v20, $0x1;
	v51 =	vadd.s32 s24, v51;
	v49 =	vld.idx.msk [tilespmem:v49+s3+$0x0], $0xffff  }
0x74: {  	v21 =	vshll.u32 v21, $0x1;
	v38 =	vsub.f32 v38, v33;
	vm12 =	vgt.f32 v23, $0.0e+00  }
0x75: {  	v41 =	vld.idx.msk [tilespmem:v41+s11+$0x0], $0xffff;
	v54 =	vsub.f32 v42, v30;
	v36 =	vsub.f32 v46, v36;
	v62 =	vsel vm12, $0x2, v27  }
0x76: {  	v50 =	vld.idx.msk [tilespmem:v50+s3+$0x0], $0xffff;
	v35 =	vsub.f32 v48, v35;
	vm13 =	vgt.f32 v38, $0.0e+00;
	v4 =	vadd.s32 v4, v62  }
0x77: {  	v43 =	vld.idx.msk [tilespmem:v43+s11+$0x0], $0xffff;
	vm14 =	vgt.f32 v54, $0.0e+00;
	v39 =	vsel vm13, $0x2, v27;
	v30 =	vor.u32 v57, v4  }
0x78: {  	v51 =	vld.idx.msk [tilespmem:v51+s3+$0x0], $0xffff;
	v1 =	vsub.f32 v49, v40;
	v33 =	vsel vm14, $0x2, v27;
	v5 =	vadd.s32 v5, v39  }
0x79: {  	[tilespmem:$0x1FB90] =	vst v35;
	vm4 =	vgt.f32 v35, $0.0e+00;
	v13 =	vadd.s32 v13, v33;
	v35 =	vor.u32 v58, v5  }
0x7a: {  	v29 =	vshll.u32 v29, $0x1;
	vm15 =	vgt.f32 v36, $0.0e+00;
	v33 =	vor.u32 v59, v13  }
0x7b: {  	v28 =	vsub.f32 v50, v41;
	v40 =	vsel vm15, $0x2, v27;
	[tilespmem:$0x1FBA0] =	vst v1;
	vm5 =	vgt.f32 v1, $0.0e+00;
	v1 =	vld [tilespmem:$0x1FF30]  }
0x7c: {  	v34 =	vshll.u32 v34, $0x1;
	v41 =	vsel vm4, $0x2, v27;
	v20 =	vadd.s32 v20, v40;
	v40 =	vld.idx.msk [tilespmem:v30+s12+$0x0], $0xffff  }
0x7d: {  	v55 =	vsub.f32 v51, v43;
	v21 =	vadd.s32 v21, v41;
	vm6 =	vgt.f32 v28, $0.0e+00;
	v30 =	vld.idx.msk [tilespmem:v30+s11+$0x0], $0xffff  }
0x7e: {  	[tilespmem:$0x1FB80] =	vst v36;
	v42 =	vsel vm5, $0x2, v27;
	v36 =	vor.u32 v57, v21;
	v43 =	vsel vm6, $0x2, v27;
	v39 =	vld.idx.msk [tilespmem:v35+s12+$0x0], $0xffff  }
0x7f: {  	v29 =	vadd.s32 v29, v42;
	v34 =	vadd.s32 v34, v43;
	v43 =	vld.idx.msk [tilespmem:v33+s12+$0x0], $0xffff  }
0x80: {  	[tilespmem:$0x1FB20] =	vst v38;
	v41 =	vor.u32 v58, v29;
	v38 =	vor.u32 v1, v20;
	v1 =	vld [tilespmem:$0x1FF30]  }
0x81: {  	v35 =	vld.idx.msk [tilespmem:v35+s11+$0x0], $0xffff  }
0x82: {  	vm7 =	vgt.f32 v55, $0.0e+00;
	v42 =	vor.u32 v59, v34;
	v33 =	vld.idx.msk [tilespmem:v33+s11+$0x0], $0xffff  }
0x83: {  	v37 =	vshll.u32 v37, $0x1;
	v46 =	vsel vm7, $0x2, v27;
	v49 =	vld.idx.msk [tilespmem:v36+s12+$0x0], $0xffff  }
0x84: {  	v37 =	vadd.s32 v37, v46;
	v36 =	vld.idx.msk [tilespmem:v36+s11+$0x0], $0xffff  }
0x85: {  	v62 =	vld.idx.msk [tilespmem:v41+s12+$0x0], $0xffff;
	v46 =	vor.u32 v1, v37  }
0x86: {  	v41 =	vld.idx.msk [tilespmem:v41+s11+$0x0], $0xffff  }
0x87: {  	v7 =	vld.idx.msk [tilespmem:v42+s12+$0x0], $0xffff;
	v40 =	vadd.s32 s23, v40  }
0x88: {  	v42 =	vld.idx.msk [tilespmem:v42+s11+$0x0], $0xffff;
	v39 =	vadd.s32 s23, v39  }
0x89: {  	v47 =	vld.idx.msk [tilespmem:v38+s12+$0x0], $0xffff;
	v43 =	vadd.s32 s23, v43  }
0x8a: {  	v49 =	vadd.s32 s24, v49;
	v52 =	vld.idx.msk [tilespmem:v46+s12+$0x0], $0xffff  }
0x8b: {  	v38 =	vld.idx.msk [tilespmem:v38+s11+$0x0], $0xffff;
	v50 =	vadd.s32 s24, v62  }
0x8c: {  	v40 =	vld.idx.msk [tilespmem:v40+s3+$0x0], $0xffff;
	v51 =	vadd.s32 s24, v7  }
0x8d: {  	v39 =	vld.idx.msk [tilespmem:v39+s3+$0x0], $0xffff  }
0x8e: {  	v48 =	vadd.s32 s23, v47;
	v43 =	vld.idx.msk [tilespmem:v43+s3+$0x0], $0xffff  }
0x8f: {  	v49 =	vld.idx.msk [tilespmem:v49+s3+$0x0], $0xffff;
	v52 =	vadd.s32 s24, v52  }
0x90: {  	v4 =	vshll.u32 v4, $0x1;
	v50 =	vld.idx.msk [tilespmem:v50+s3+$0x0], $0xffff  }
0x91: {  	v5 =	vshll.u32 v5, $0x1;
	v13 =	vshll.u32 v13, $0x1;
	v21 =	vshll.u32 v21, $0x1;
	v51 =	vld.idx.msk [tilespmem:v51+s3+$0x0], $0xffff  }
0x92: {  	v29 =	vshll.u32 v29, $0x1;
	v46 =	vld.idx.msk [tilespmem:v46+s11+$0x0], $0xffff;
	v1 =	vsub.f32 v40, v30;
	v39 =	vsub.f32 v39, v35  }
0x93: {  	[tilespmem:$0x1FB30] =	vst v54;
	v34 =	vshll.u32 v34, $0x1;
	v20 =	vshll.u32 v20, $0x1;
	v48 =	vld.idx.msk [tilespmem:v48+s3+$0x0], $0xffff;
	v54 =	vsub.f32 v43, v33  }
0x94: {  	[tilespmem:$0x1FBB0] =	vst v28;
	v62 =	vsub.f32 v49, v36;
	vm8 =	vgt.f32 v1, $0.0e+00;
	vm9 =	vgt.f32 v39, $0.0e+00;
	v52 =	vld.idx.msk [tilespmem:v52+s3+$0x0], $0xffff  }
0x95: {  	[tilespmem:$0x1FBD0] =	vst v39;
	vm10 =	vgt.f32 v54, $0.0e+00;
	v28 =	vsub.f32 v50, v41;
	v39 =	vsel vm9, $0x2, v27  }
0x96: {  	v41 =	vsel vm10, $0x2, v27;
	vm12 =	vgt.f32 v62, $0.0e+00;
	v36 =	vsub.f32 v51, v42  }
0x97: {  	v5 =	vadd.s32 v5, v39;
	v13 =	vadd.s32 v13, v41;
	v42 =	vsel vm12, $0x2, v27  }
0x98: {  	[tilespmem:$0x1FBC0] =	vst v55;
	v55 =	vsub.f32 v48, v38;
	v38 =	vsel vm8, $0x2, v27;
	vm13 =	vgt.f32 v28, $0.0e+00  }
0x99: {  	[tilespmem:$0x1FB40] =	vst v1;
	v21 =	vadd.s32 v21, v42;
	v49 =	vadd.s32 v58, v5;
	v1 =	vsub.f32 v52, v46  }
0x9a: {  	v4 =	vadd.s32 v4, v38;
	v43 =	vsel vm13, $0x2, v27;
	vm11 =	vgt.f32 v55, $0.0e+00  }
0x9b: {  	v35 =	vadd.s32 v29, v43;
	v33 =	vsel vm11, $0x2, v27;
	[tilespmem:$0x1FE60] =	vst v1;
	vm15 =	vgt.f32 v1, $0.0e+00;
	v1 =	vld [tilespmem:$0x1FF30]  }
0x9c: {  	v53 =	vadd.s32 v58, v35;
	v30 =	vadd.s32 v20, v33;
	v20 =	vand.u32 $0x7FFFFF80, v49  }
0x9d: {  	v29 =	vshll.u32 v37, $0x1;
	v39 =	vand.u32 $0x7FFFFF80, v53;
	v20 =	vor.u32 v5, v20  }
0x9e: {  	v48 =	vadd.s32 v57, v4;
	v39 =	vor.u32 v35, v39;
	v47 =	vsel vm15, $0x2, v27  }
0x9f: {  	[tilespmem:$0x1FC40] =	vst v36;
	vm14 =	vgt.f32 v36, $0.0e+00;
	v36 =	vadd.s32 v29, v47;
	v29 =	vand.u32 $0x7FFFFF80, v48  }
0xa0: {  	v50 =	vadd.s32 v59, v13;
	v29 =	vor.u32 v4, v29;
	v51 =	vadd.s32 v1, v30  }
0xa1: {  	v46 =	vsel vm14, $0x2, v27;
	v52 =	vadd.s32 v57, v21;
	v37 =	vand.u32 $0x7FFFFF80, v51  }
0xa2: {  	[tilespmem:$0x1FC00] =	vst v62;
	v33 =	vadd.s32 v34, v46;
	v34 =	vand.u32 $0x7FFFFF80, v50;
	v62 =	vld.idx.msk [tilespmem:v20+s12+$0x0], $0xffff;
	v37 =	vor.u32 v30, v37  }
0xa3: {  	v38 =	vand.u32 $0x7FFFFF80, v52;
	v34 =	vor.u32 v13, v34;
	v50 =	vld.idx.msk [tilespmem:v39+s12+$0x0], $0xffff  }
0xa4: {  	[tilespmem:$0x1FBE0] =	vst v54;
	v54 =	vadd.s32 v59, v33;
	v38 =	vor.u32 v21, v38;
	v1 =	vld [tilespmem:$0x1FF30]  }
0xa5: {  	v40 =	vand.u32 $0x7FFFFF80, v54;
	v42 =	vld.idx.msk [tilespmem:v29+s12+$0x0], $0xffff  }
0xa6: {  	v40 =	vor.u32 v33, v40;
	v53 =	vld.idx.msk [tilespmem:v20+s11+$0x0], $0xffff  }
0xa7: {  	v47 =	vld.idx.msk [tilespmem:v37+s12+$0x0], $0xffff  }
0xa8: {  	v7 =	vld.idx.msk [tilespmem:v34+s12+$0x0], $0xffff  }
0xa9: {  	[tilespmem:$0x1FBF0] =	vst v55;
	v49 =	vld.idx.msk [tilespmem:v38+s12+$0x0], $0xffff;
	v43 =	vadd.s32 s23, v62;
	v55 =	vadd.s32 v1, v36  }
0xaa: {  	v34 =	vld.idx.msk [tilespmem:v34+s11+$0x0], $0xffff;
	v41 =	vand.u32 $0x7FFFFF80, v55;
	v42 =	vadd.s32 s23, v42  }
0xab: {  	v51 =	vld.idx.msk [tilespmem:v40+s12+$0x0], $0xffff;
	v48 =	vor.u32 v36, v41  }
0xac: {  	v29 =	vld.idx.msk [tilespmem:v29+s11+$0x0], $0xffff;
	v41 =	vadd.s32 s23, v47  }
0xad: {  	v55 =	vadd.s32 s23, v7;
	v46 =	vld.idx.msk [tilespmem:v37+s11+$0x0], $0xffff  }
0xae: {  	v7 =	vld.idx.msk [tilespmem:v43+s3+$0x0], $0xffff  }
0xaf: {  	v62 =	vld.idx.msk [tilespmem:v42+s3+$0x0], $0xffff  }
0xb0: {  	v49 =	vadd.s32 s24, v49;
	v52 =	vld.idx.msk [tilespmem:v48+s12+$0x0], $0xffff  }
0xb1: {  	v41 =	vld.idx.msk [tilespmem:v41+s3+$0x0], $0xffff  }
0xb2: {  	v47 =	vld.idx.msk [tilespmem:v55+s3+$0x0], $0xffff;
	_ =	sdelay $0x1  }
0xb3: {  	v5 =	vshll.u32 v5, $0x1;
	v38 =	vld.idx.msk [tilespmem:v38+s11+$0x0], $0xffff;
	v37 =	vsub.f32 v62, v29;
	v29 =	vadd.s32 s24, v51  }
0xb4: {  	v4 =	vshll.u32 v4, $0x1;
	v54 =	vsub.f32 v7, v53;
	v51 =	vadd.s32 s24, v52;
	v62 =	vld.idx.msk [tilespmem:v49+s3+$0x0], $0xffff  }
0xb5: {  	v40 =	vld.idx.msk [tilespmem:v40+s11+$0x0], $0xffff;
	v50 =	vadd.s32 s24, v50;
	vm4 =	vgt.f32 v37, $0.0e+00;
	v1 =	vsub.f32 v41, v46  }
0xb6: {  	vm5 =	vgt.f32 v54, $0.0e+00;
	v55 =	vsub.f32 v47, v34;
	v52 =	vld.idx.msk [tilespmem:v39+s11+$0x0], $0xffff;
	v49 =	vsel vm4, $0x2, v27  }
0xb7: {  	v43 =	vadd.s32 v4, v49;
	v4 =	vsel vm5, $0x2, v27;
	[tilespmem:$0x1FC60] =	vst v1;
	vm7 =	vgt.f32 v1, $0.0e+00;
	v1 =	vld [tilespmem:$0x1FF30]  }
0xb8: {  	v13 =	vshll.u32 v13, $0x1;
	vm6 =	vgt.f32 v55, $0.0e+00;
	v41 =	vadd.s32 v5, v4;
	v29 =	vld.idx.msk [tilespmem:v29+s3+$0x0], $0xffff  }
0xb9: {  	[tilespmem:$0x1FC20] =	vst v54;
	v5 =	vadd.s32 v57, v43;
	v4 =	vsel vm6, $0x2, v27;
	v54 =	vsub.f32 v62, v38;
	v38 =	vld.idx.msk [tilespmem:v51+s3+$0x0], $0xffff  }
0xba: {  	v30 =	vshll.u32 v30, $0x1;
	v39 =	vadd.s32 v13, v4;
	v13 =	vld.idx.msk [tilespmem:v48+s11+$0x0], $0xffff;
	v4 =	vsel vm7, $0x2, v27  }
0xbb: {  	v53 =	vld.idx.msk [tilespmem:v50+s3+$0x0], $0xffff;
	v49 =	vadd.s32 v58, v41;
	v20 =	vadd.s32 v30, v4  }
0xbc: {  	v62 =	vadd.s32 v1, v20  }
0xbd: {  	v34 =	vadd.s32 v59, v39;
	vm8 =	vgt.f32 v54, $0.0e+00  }
0xbe: {  	v21 =	vshll.u32 v21, $0x1;
	[tilespmem:$0x1FC50] =	vst v55;
	v55 =	vsel vm8, $0x2, v27;
	v42 =	vld.idx.msk [tilespmem:v5+s12+$0x0], $0xffff;
	v4 =	vsub.f32 v29, v40  }
0xbf: {  	[tilespmem:$0x1FC10] =	vst v28;
	v29 =	vadd.s32 v21, v55;
	v50 =	vld.idx.msk [tilespmem:v5+s11+$0x0], $0xffff;
	v21 =	vadd.s32 s22, v26;
	v1 =	vsub.f32 v38, v13  }
0xc0: {  	v28 =	vsub.f32 v53, v52;
	[tilespmem:$0x1FC70] =	vst v54;
	v48 =	vld.idx.msk [tilespmem:v49+s12+$0x0], $0xffff  }
0xc1: {  	v54 =	vshll.u32 v35, $0x1;
	vm10 =	vgt.f32 v4, $0.0e+00;
	[tilespmem:$0x1FE70] =	vst v1;
	vm11 =	vgt.f32 v1, $0.0e+00;
	v1 =	vld.idx.msk [tilespmem:v62+s11+$0x0], $0xffff  }
0xc2: {  	v35 =	vadd.s32 v57, v29;
	v13 =	vshll.u32 v33, $0x1;
	v51 =	vld.idx.msk [tilespmem:v34+s12+$0x0], $0xffff;
	v55 =	vsel vm10, $0x2, v27  }
0xc3: {  	vm9 =	vgt.f32 v28, $0.0e+00;
	v40 =	vld.idx.msk [tilespmem:v34+s11+$0x0], $0xffff;
	v13 =	vadd.s32 v13, v55  }
0xc4: {  	v5 =	vsel vm9, $0x2, v27;
	v30 =	vadd.s32 v59, v13;
	v21 =	vld.idx.msk [tilespmem:v21+s3+$0x0], $0xffff  }
0xc5: {  	v7 =	vadd.s32 v54, v5;
	v52 =	vld.idx.msk [tilespmem:v62+s12+$0x0], $0xffff  }
0xc6: {  	v34 =	vadd.s32 v58, v7;
	[tilespmem:$0x1FB50] =	vst v1;
	v1 =	vld [tilespmem:$0x1FF30]  }
0xc7: {  	v46 =	vld.idx.msk [tilespmem:v35+s12+$0x0], $0xffff  }
0xc8: {  	v62 =	vsel vm11, $0x2, v27;
	v53 =	vld.idx.msk [tilespmem:v35+s11+$0x0], $0xffff;
	v27 =	vadd.s32 s22, v0  }
0xc9: {  	v58 =	vshll.u32 v36, $0x1;
	v35 =	vadd.s32 s22, v17;
	v55 =	vld.idx.msk [tilespmem:v30+s12+$0x0], $0xffff  }
0xca: {  	[tilespmem:$0x1FC90] =	vst v4;
	v4 =	vadd.s32 v58, v62;
	v36 =	vld.idx.msk [tilespmem:v30+s11+$0x0], $0xffff;
	v30 =	vadd.s32 s22, v18  }
0xcb: {  	v54 =	vld.idx.msk [tilespmem:v34+s12+$0x0], $0xffff;
	v47 =	vadd.s32 v1, v4  }
0xcc: {  	v1 =	vld.idx.msk [tilespmem:v34+s11+$0x0], $0xffff  }
0xcd: {  	v42 =	vadd.s32 s23, v42;
	v27 =	vld.idx.msk [tilespmem:v27+s3+$0x0], $0xffff  }
0xce: {  	s25 =	sadd.s32 $0x400, s22;
	v35 =	vld.idx.msk [tilespmem:v35+s3+$0x0], $0xffff  }
0xcf: {  	v26 =	vadd.s32 s25, v26;
	v30 =	vld.idx.msk [tilespmem:v30+s3+$0x0], $0xffff  }
0xd0: {  	v18 =	vadd.s32 s25, v18;
	v62 =	vld.idx.msk [tilespmem:v47+s12+$0x0], $0xffff  }
0xd1: {  	v46 =	vadd.s32 s24, v46;
	[tilespmem:$0x1FB60] =	vst v1;
	v38 =	vld.idx.msk [tilespmem:v47+s11+$0x0], $0xffff;
	v1 =	vsub.f32 v21, v15  }
0xd2: {  	v47 =	vld.idx.msk [tilespmem:v42+s3+$0x0], $0xffff;
	v42 =	vadd.s32 s23, v48  }
0xd3: {  	v49 =	vld.idx.msk [tilespmem:v49+s11+$0x0], $0xffff;
	v54 =	vadd.s32 s24, v54;
	vm12 =	vgt.f32 v1, $0.0e+00  }
0xd4: {  	v26 =	vld.idx.msk [tilespmem:v26+s3+$0x0], $0xffff;
	[tilespmem:$0x1FB70] =	vst v4;
	v4 =	vsub.f32 v27, v31;
	v27 =	vsel vm12, v3, v2  }
0xd5: {  	v51 =	vadd.s32 s23, v51;
	v18 =	vld.idx.msk [tilespmem:v18+s3+$0x0], $0xffff;
	[tilespmem:$0x1FCB0] =	vst v1;
	v1 =	vsub.f32 v35, v24  }
0xd6: {  	v58 =	vadd.s32 s25, v17;
	v34 =	vld.idx.msk [tilespmem:v46+s3+$0x0], $0xffff  }
0xd7: {  	v21 =	vadd.s32 s25, v0;
	v0 =	vsub.f32 v30, v25;
	vm4 =	vgt.f32 v1, $0.0e+00;
	v59 =	vld.idx.msk [tilespmem:v42+s3+$0x0], $0xffff  }
0xd8: {  	vm5 =	vgt.f32 v4, $0.0e+00;
	v42 =	vld.idx.msk [tilespmem:v54+s3+$0x0], $0xffff;
	v46 =	vsel vm4, v63, v61  }
0xd9: {  	[tilespmem:$0x1FCE0] =	vst v0;
	vm6 =	vgt.f32 v0, $0.0e+00;
	v0 =	vsub.f32 v26, v15;
	v26 =	vsel vm5, v60, v56;
	v54 =	vld.idx.msk [tilespmem:v27+s12+$0x0], $0xffff  }
0xda: {  	v48 =	vld.idx.msk [tilespmem:v51+s3+$0x0], $0xffff;
	v15 =	vsel vm6, v16, v12  }
0xdb: {  	v52 =	vadd.s32 s23, v52;
	v51 =	vld.idx.msk [tilespmem:v58+s3+$0x0], $0xffff  }
0xdc: {  	v35 =	vld.idx.msk [tilespmem:v21+s3+$0x0], $0xffff  }
0xdd: {  	v21 =	vld.idx.msk [tilespmem:v46+s12+$0x0], $0xffff  }
0xde: {  	[tilespmem:$0x1FD80] =	vst v0;
	vm0 =	vgt.f32 v0, $0.0e+00;
	v0 =	vld.idx.msk [tilespmem:v26+s12+$0x0], $0xffff;
	v54 =	vadd.s32 s22, v54  }
0xdf: {  	v58 =	vld.idx.msk [tilespmem:v15+s12+$0x0], $0xffff  }
0xe0: {  	v30 =	vld.idx.msk [tilespmem:v52+s3+$0x0], $0xffff;
	v52 =	vsel vm0, v3, v2  }
0xe1: {  	v3 =	vsub.f32 v18, v25;
	v25 =	vld.idx.msk [tilespmem:v26+s11+$0x0], $0xffff  }
0xe2: {  	v27 =	vld.idx.msk [tilespmem:v27+s11+$0x0], $0xffff;
	v2 =	vsub.f32 v35, v31;
	v18 =	vadd.s32 s22, v21  }
0xe3: {  	v11 =	vand.u32 $0x7FFFFFFF, v11;
	[tilespmem:$0x1FD40] =	vst v1;
	v1 =	vsub.f32 v51, v24;
	v0 =	vadd.s32 s22, v0;
	v31 =	vld.idx.msk [tilespmem:v54+s3+$0x0], $0xffff  }
0xe4: {  	v15 =	vld.idx.msk [tilespmem:v15+s11+$0x0], $0xffff;
	v35 =	vsub.f32 v47, v50;
	vm2 =	vgt.f32 v2, $0.0e+00;
	v58 =	vadd.s32 s22, v58  }
0xe5: {  	v10 =	vand.u32 $0x7FFFFFFF, v10;
	v6 =	vimm.s32 $0x2;
	[tilespmem:$0x1FC80] =	vst v28;
	v28 =	vld.idx.msk [tilespmem:v52+s12+$0x0], $0xffff;
	v51 =	vsel vm2, v60, v56  }
0xe6: {  	[tilespmem:$0x1FE80] =	vst v1;
	vm1 =	vgt.f32 v1, $0.0e+00;
	v1 =	vimm.s32 $0x1;
	v24 =	vld.idx.msk [tilespmem:v52+s11+$0x0], $0xffff;
	vm13 =	vgt.f32 v35, $0.0e+00  }
0xe7: {  	v54 =	vadd.s32 s24, v55;
	v55 =	vld.idx.msk [tilespmem:v18+s3+$0x0], $0xffff;
	v18 =	vsel vm13, $0x2, v1;
	v1 =	vsub.f32 v59, v49  }
0xe8: {  	v19 =	vand.u32 $0x7FFFFFFF, v19;
	v32 =	vand.u32 $0x7FFFFFFF, v32;
	[tilespmem:$0x1FE20] =	vst v2;
	v0 =	vld.idx.msk [tilespmem:v0+s3+$0x0], $0xffff;
	v2 =	vsub.f32 v31, v27  }
0xe9: {  	v10 =	vmin.f32 v10, v32;
	v50 =	vld.idx.msk [tilespmem:v58+s3+$0x0], $0xffff;
	[tilespmem:$0x1FC30] =	vst v1;
	vm14 =	vgt.f32 v1, $0.0e+00;
	v1 =	vimm.s32 $0x1  }
0xea: {  	v21 =	vld.idx.msk [tilespmem:v51+s12+$0x0], $0xffff;
	v27 =	vsel vm14, $0x2, v1;
	v1 =	vimm.s32 $0x1;
	vm15 =	vgt.f32 v2, $0.0e+00  }
0xeb: {  	vm3 =	vgt.f32 v3, $0.0e+00;
	v52 =	vsel vm1, v63, v61;
	v63 =	vsel vm15, $0x2, v1;
	v1 =	vld [tilespmem:$0x1FF10]  }
0xec: {  	v26 =	vshll.u32 v43, $0x1;
	v47 =	vsel vm3, v16, v12;
	v61 =	vshll.u32 v41, $0x1  }
0xed: {  	v33 =	vmovc v57;
	v28 =	vadd.s32 s25, v28;
	v59 =	vmin.f32 v11, v19;
	v26 =	vadd.s32 v26, v18  }
0xee: {  	[tilespmem:$0x1FD10] =	vst v4;
	v49 =	vadd.s32 v33, v26;
	v4 =	vsub.f32 v0, v25;
	v5 =	vsub.f32 v50, v15  }
0xef: {  	v11 =	vadd.s32 v61, v27;
	v27 =	vadd.s32 s25, v21;
	v21 =	vsel vm12, $0x4, v6  }
0xf0: {  	v46 =	vld.idx.msk [tilespmem:v46+s11+$0x0], $0xffff;
	vm12 =	vgt.f32 v5, $0.0e+00;
	v32 =	vadd.s32 v1, v11;
	v1 =	vimm.s32 $0x1  }
0xf1: {  	v57 =	vld.idx.msk [tilespmem:v47+s12+$0x0], $0xffff;
	vm13 =	vgt.f32 v4, $0.0e+00;
	v60 =	vsel vm12, $0x2, v1;
	v1 =	vimm.s32 $0x1  }
0xf2: {  	v43 =	vadd.s32 s24, v62;
	v62 =	vsel vm13, $0x2, v1;
	v1 =	vld [tilespmem:$0x1FF10]  }
0xf3: {  	v15 =	vld.idx.msk [tilespmem:v49+s12+$0x0], $0xffff  }
0xf4: {  	v28 =	vld.idx.msk [tilespmem:v28+s3+$0x0], $0xffff  }
0xf5: {  	[tilespmem:$0x1FDD0] =	vst v3;
	v61 =	vsel vm6, $0x4, v6;
	v3 =	vsub.f32 v55, v46  }
0xf6: {  	v56 =	vld.idx.msk [tilespmem:v52+s12+$0x0], $0xffff;
	v0 =	vadd.s32 s25, v57;
	v50 =	vadd.s32 v61, v60  }
0xf7: {  	v19 =	vld.idx.msk [tilespmem:v54+s3+$0x0], $0xffff;
	vm14 =	vgt.f32 v3, $0.0e+00;
	v54 =	vor.u32 v1, v50;
	v1 =	vimm.s32 $0x1  }
0xf8: {  	v55 =	vadd.s32 s23, v15;
	v15 =	vsel vm14, $0x2, v1;
	v1 =	vld [tilespmem:$0x1FF20]  }
0xf9: {  	[tilespmem:$0x1FCC0] =	vst v2;
	v2 =	vsub.f32 v28, v24;
	v24 =	vld.idx.msk [tilespmem:v47+s11+$0x0], $0xffff  }
0xfa: {  	v46 =	vld.idx.msk [tilespmem:v51+s11+$0x0], $0xffff  }
0xfb: {  	v28 =	vadd.s32 v21, v63;
	v0 =	vld.idx.msk [tilespmem:v0+s3+$0x0], $0xffff;
	v63 =	vsel vm5, $0x4, v6  }
0xfc: {  	v27 =	vld.idx.msk [tilespmem:v27+s3+$0x0], $0xffff;
	v51 =	vadd.s32 v63, v62  }
0xfd: {  	v62 =	vor.u32 v1, v51;
	v1 =	vld [tilespmem:$0x1FF30]  }
0xfe: {  	v45 =	vand.u32 $0x7FFFFFFF, v45;
	v22 =	vand.u32 $0x7FFFFFFF, v22;
	v31 =	vadd.s32 s25, v56  }
0xff: {  	v57 =	vmin.f32 v45, v22;
	[tilespmem:$0x1FD20] =	vst v4;
	v25 =	vld.idx.msk [tilespmem:v49+s11+$0x0], $0xffff  }
0x100: {  	[tilespmem:$0x1FD50] =	vst v3;
	v49 =	vld.idx.msk [tilespmem:v52+s11+$0x0], $0xffff;
	v21 =	vsel vm4, $0x4, v6;
	vm15 =	vgt.f32 v2, $0.0e+00;
	v52 =	vor.u32 v33, v28  }
0x101: {  	v4 =	vsub.f32 v0, v24;
	v3 =	vsub.f32 v27, v46;
	v22 =	vld.idx.msk [tilespmem:v32+s11+$0x0], $0xffff;
	v58 =	vadd.s32 v21, v15  }
0x102: {  	v15 =	vand.u32 $0x7FFFFFFF, v44;
	v44 =	vld.idx.msk [tilespmem:v32+s12+$0x0], $0xffff;
	v32 =	vor.u32 v1, v58;
	v1 =	vimm.s32 $0x1  }
0x103: {  	v41 =	vld.idx.msk [tilespmem:v31+s3+$0x0], $0xffff;
	vm7 =	vgt.f32 v4, $0.0e+00;
	v24 =	vsel vm15, $0x2, v1;
	v1 =	vimm.s32 $0x1  }
0x104: {  	vm8 =	vgt.f32 v3, $0.0e+00;
	v27 =	vld.idx.msk [tilespmem:v55+s3+$0x0], $0xffff;
	v61 =	vsel vm7, $0x2, v1;
	v1 =	vimm.s32 $0x1  }
0x105: {  	v56 =	vsel vm0, $0x4, v6;
	v60 =	vsel vm8, $0x2, v1;
	v1 =	vld [tilespmem:$0x1FF10]  }
0x106: {  	v55 =	vadd.s32 v56, v24;
	v24 =	vld.idx.msk [tilespmem:v62+s12+$0x0], $0xffff;
	_ =	sdelay $0x1  }
0x107: {  	[tilespmem:$0x1FD90] =	vst v2;
	v31 =	vld.idx.msk [tilespmem:v52+s12+$0x0], $0xffff;
	v2 =	vsub.f32 v41, v49;
	v63 =	vsel vm3, $0x4, v6  }
0x108: {  	v46 =	vld.idx.msk [tilespmem:v52+s11+$0x0], $0xffff;
	v52 =	vadd.s32 v63, v61  }
0x109: {  	vm9 =	vgt.f32 v2, $0.0e+00;
	v49 =	vld.idx.msk [tilespmem:v62+s11+$0x0], $0xffff;
	v62 =	vor.u32 v1, v52;
	v1 =	vimm.s32 $0x1  }
0x10a: {  	v45 =	vadd.s32 s22, v24;
	v24 =	vsel vm9, $0x2, v1;
	v1 =	vld [tilespmem:$0x1FF20];
	_ =	sdelay $0x1  }
0x10b: {  	[tilespmem:$0x1FCF0] =	vst v5;
	v5 =	vsub.f32 v48, v40;
	v0 =	vld.idx.msk [tilespmem:v54+s12+$0x0], $0xffff  }
0x10c: {  	v48 =	vld.idx.msk [tilespmem:v54+s11+$0x0], $0xffff;
	v61 =	vsel vm2, $0x4, v6  }
0x10d: {  	vm10 =	vgt.f32 v5, $0.0e+00;
	v63 =	vsel vm1, $0x4, v6;
	v54 =	vadd.s32 v61, v60;
	v21 =	vld.idx.msk [tilespmem:v32+s12+$0x0], $0xffff  }
0x10e: {  	v60 =	vld.idx.msk [tilespmem:v32+s11+$0x0], $0xffff;
	v32 =	vadd.s32 v63, v24;
	v63 =	vor.u32 v1, v54;
	v1 =	vimm.s32 $0x1  }
0x10f: {  	v6 =	vsel vm10, $0x2, v1;
	v1 =	vld [tilespmem:$0x1FAC0];
	_ =	sdelay $0x4  }
0x110: {  	v41 =	vadd.s32 s22, v21;
	v21 =	vand.u32 $0x7FFFFFFF, v1;
	v1 =	vld [tilespmem:$0x1FF30];
	_ =	sdelay $0x4  }
0x111: {  	v17 =	vor.u32 v1, v32;
	v1 =	vld [tilespmem:$0x1FAD0];
	_ =	sdelay $0x3  }
0x112: {  	v14 =	vand.u32 $0x7FFFFFFF, v14;
	[tilespmem:$0x1FDE0] =	vst v4;
	v4 =	vld [tilespmem:$0x1FB00]  }
0x113: {  	v14 =	vmin.f32 v15, v14;
	v15 =	vand.u32 $0x7FFFFFFF, v1;
	v1 =	vld [tilespmem:$0x1FAE0]  }
0x114: {  	v40 =	vadd.s32 s22, v31;
	_ =	sdelay $0x2  }
0x115: {  	v31 =	vand.u32 $0x7FFFFFFF, v4;
	v4 =	vld [tilespmem:$0x1FB10]  }
0x116: {  	v16 =	vand.u32 $0x7FFFFFFF, v1;
	v1 =	vld [tilespmem:$0x1FF20]  }
0x117: {  	v61 =	vld.idx.msk [tilespmem:v40+s3+$0x0], $0xffff  }
0x118: {  	[tilespmem:$0x1FE30] =	vst v3;
	v3 =	vld [tilespmem:$0x1FAF0]  }
0x119: {  	v9 =	vand.u32 $0x7FFFFFFF, v9;
	[tilespmem:$0x1FE90] =	vst v2;
	v47 =	vor.u32 v33, v55;
	v24 =	vshll.u32 v39, $0x1;
	v2 =	vld.idx.msk [tilespmem:v62+s12+$0x0], $0xffff  }
0x11a: {  	v24 =	vadd.s32 v24, v6;
	v18 =	vmin.f32 v15, v9;
	v15 =	vand.u32 $0x7FFFFFFF, v4;
	v4 =	vld [tilespmem:$0x1FB20]  }
0x11b: {  	v1 =	vadd.s32 v1, v24  }
0x11c: {  	v23 =	vand.u32 $0x7FFFFFFF, v23;
	v61 =	vsub.f32 v61, v46  }
0x11d: {  	v23 =	vmin.f32 v59, v23;
	v3 =	vand.u32 $0x7FFFFFFF, v3  }
0x11e: {  	v0 =	vadd.s32 s22, v0;
	v56 =	vld.idx.msk [tilespmem:v47+s12+$0x0], $0xffff;
	vm12 =	vgt.f32 v61, $0.0e+00;
	v9 =	vsub.f32 v27, v25  }
0x11f: {  	v59 =	vadd.s32 s25, v2;
	v39 =	vmin.f32 v16, v3;
	v16 =	vld.idx.msk [tilespmem:v41+s3+$0x0], $0xffff;
	v25 =	vand.u32 $0x7FFFFFFF, v4  }
0x120: {  	v2 =	vimm.s32 $0x1;
	vm11 =	vgt.f32 v9, $0.0e+00;
	v41 =	vmin.f32 v10, v25;
	v6 =	vld.idx.msk [tilespmem:v1+s12+$0x0], $0xffff  }
0x121: {  	v25 =	vld.idx.msk [tilespmem:v1+s11+$0x0], $0xffff;
	v1 =	vshll.u32 v26, $0x1;
	v26 =	vsel vm11, $0x2, v2;
	v2 =	vimm.s32 $0x1  }
0x122: {  	[tilespmem:$0x1FCD0] =	vst v61;
	v61 =	vsel vm12, $0x2, v2;
	v2 =	vld [tilespmem:$0x1FFC0];
	_ =	sdelay $0x1  }
0x123: {  	v45 =	vld.idx.msk [tilespmem:v45+s3+$0x0], $0xffff  }
0x124: {  	v0 =	vld.idx.msk [tilespmem:v0+s3+$0x0], $0xffff;
	v56 =	vadd.s32 s25, v56  }
0x125: {  	v27 =	vld.idx.msk [tilespmem:v17+s12+$0x0], $0xffff;
	v1 =	vadd.s32 v26, v1  }
0x126: {  	v3 =	vld.idx.msk [tilespmem:v63+s12+$0x0], $0xffff;
	v1 =	vadd.s32 v2, v1  }
0x127: {  	v8 =	vand.u32 $0x7FFFFFFF, v8;
	v46 =	vld.idx.msk [tilespmem:v47+s11+$0x0], $0xffff  }
0x128: {  	v40 =	vmin.f32 v21, v8;
	v21 =	vsub.f32 v45, v49;
	v49 =	vld.idx.msk [tilespmem:v63+s11+$0x0], $0xffff  }
0x129: {  	[tilespmem:$0x1FCA0] =	vst v5;
	v4 =	vsub.f32 v0, v48;
	v0 =	vld.idx.msk [tilespmem:v56+s3+$0x0], $0xffff;
	v5 =	vsub.f32 v16, v60  }
0x12a: {  	v28 =	vshll.u32 v28, $0x1;
	v27 =	vadd.s32 s25, v27;
	v16 =	vld.idx.msk [tilespmem:v62+s11+$0x0], $0xffff  }
0x12b: {  	v3 =	vadd.s32 s25, v3;
	[tilespmem:$0x1FD70] =	vst v5;
	vm15 =	vgt.f32 v5, $0.0e+00;
	v5 =	vld.idx.msk [tilespmem:v1+s13+$0x0], $0xffff;
	v1 =	vimm.s32 $0x1  }
0x12c: {  	v45 =	vadd.s32 s23, v44;
	v44 =	vadd.s32 v28, v61;
	v61 =	vsel vm15, $0x2, v1;
	v1 =	vld [tilespmem:$0x1FF20]  }
0x12d: {  	vm14 =	vgt.f32 v21, $0.0e+00;
	vm13 =	vgt.f32 v4, $0.0e+00;
	v60 =	vld.idx.msk [tilespmem:v59+s3+$0x0], $0xffff;
	v2 =	vimm.s32 $0x1  }
0x12e: {  	[tilespmem:$0x1FD00] =	vst v4;
	v4 =	vsub.f32 v0, v46;
	v0 =	vld.idx.msk [tilespmem:v17+s11+$0x0], $0xffff;
	v62 =	vsel vm13, $0x2, v2;
	v2 =	vimm.s32 $0x1  }
0x12f: {  	v17 =	vld.idx.msk [tilespmem:v27+s3+$0x0], $0xffff;
	v27 =	vshll.u32 v51, $0x1;
	v63 =	vsel vm14, $0x2, v2  }
0x130: {  	v3 =	vld.idx.msk [tilespmem:v3+s3+$0x0], $0xffff;
	v48 =	vadd.s32 v27, v63  }
0x131: {  	vm4 =	vgt.f32 v4, $0.0e+00;
	v2 =	vld [tilespmem:$0x1FF10];
	v56 =	vor.u32 v1, v48;
	v1 =	vimm.s32 $0x1  }
0x132: {  	v63 =	vsel vm4, $0x2, v1;
	v1 =	vld [tilespmem:$0x1FF30];
	_ =	sdelay $0x1  }
0x133: {  	v50 =	vshll.u32 v50, $0x1  }
0x134: {  	[tilespmem:$0x1FD30] =	vst v21;
	v21 =	vsub.f32 v60, v16;
	v60 =	vshll.u32 v58, $0x1;
	v46 =	vadd.s32 v50, v62  }
0x135: {  	v51 =	vor.u32 v2, v46;
	v2 =	vsub.f32 v3, v49;
	v49 =	vadd.s32 v60, v61  }
0x136: {  	v10 =	vor.u32 v1, v49;
	v1 =	vsub.f32 v17, v0;
	_ =	sdelay $0x1  }
0x137: {  	[tilespmem:$0x1FEA0] =	vst v1;
	vm7 =	vgt.f32 v1, $0.0e+00;
	v1 =	vimm.s32 $0x1  }
0x138: {  	vm5 =	vgt.f32 v21, $0.0e+00;
	v60 =	vsel vm7, $0x2, v1;
	v1 =	vld [tilespmem:$0x1FB30]  }
0x139: {  	v62 =	vshll.u32 v55, $0x1;
	vm6 =	vgt.f32 v2, $0.0e+00;
	v0 =	vimm.s32 $0x1  }
0x13a: {  	[tilespmem:$0x1FDF0] =	vst v21;
	v17 =	vshll.u32 v52, $0x1;
	v21 =	vsel vm5, $0x2, v0;
	v0 =	vimm.s32 $0x1  }
0x13b: {  	v52 =	vadd.s32 v17, v21;
	v17 =	vshll.u32 v54, $0x1;
	v55 =	vsel vm6, $0x2, v0  }
0x13c: {  	v54 =	vadd.s32 v17, v55;
	v17 =	vshll.u32 v32, $0x1  }
0x13d: {  	v55 =	vadd.s32 v17, v60;
	v17 =	vand.u32 $0x7FFFFFFF, v1;
	v1 =	vld [tilespmem:$0x1FF20];
	_ =	sdelay $0x2  }
0x13e: {  	v59 =	vor.u32 v33, v44;
	_ =	sdelay $0x1  }
0x13f: {  	v58 =	vadd.s32 v62, v63;
	v63 =	vor.u32 v1, v54;
	v1 =	vld [tilespmem:$0x1FB40]  }
0x140: {  	v16 =	vld.idx.msk [tilespmem:v45+s3+$0x0], $0xffff  }
0x141: {  	v0 =	vld [tilespmem:$0x1FF10]  }
0x142: {  	[tilespmem:$0x1FDA0] =	vst v4;
	v4 =	vld.idx.msk [tilespmem:v59+s12+$0x0], $0xffff  }
0x143: {  	v3 =	vld.idx.msk [tilespmem:v51+s12+$0x0], $0xffff  }
0x144: {  	v45 =	vld.idx.msk [tilespmem:v51+s11+$0x0], $0xffff;
	v51 =	vmin.f32 v14, v17;
	v14 =	vand.u32 $0x7FFFFFFF, v1  }
0x145: {  	v14 =	vmin.f32 v23, v14;
	v23 =	vld [tilespmem:$0x1FB50]  }
0x146: {  	v53 =	vsub.f32 v34, v53;
	v34 =	vld [tilespmem:$0x1FB60];
	v0 =	vor.u32 v0, v52;
	_ =	sdelay $0x2  }
0x147: {  	v4 =	vadd.s32 s22, v4;
	v1 =	vld [tilespmem:$0x1FF30]  }
0x148: {  	v21 =	vsub.f32 v30, v23;
	v30 =	vand.u32 $0x7FFFFFFF, v37;
	v23 =	vsub.f32 v19, v36  }
0x149: {  	v19 =	vand.u32 $0x7FFFFFFF, v35;
	v14 =	vmin.f32 v14, v30;
	v30 =	vsub.f32 v42, v34;
	v34 =	vld.idx.msk [tilespmem:v0+s12+$0x0], $0xffff  }
0x14a: {  	v62 =	vor.u32 v33, v58;
	v19 =	vmin.f32 v14, v19;
	v14 =	vld.idx.msk [tilespmem:v63+s12+$0x0], $0xffff  }
0x14b: {  	v61 =	vimm.s32 $0x1;
	v60 =	vshll.u32 v29, $0x1  }
0x14c: {  	v1 =	vor.u32 v1, v55;
	v35 =	vld.idx.msk [tilespmem:v0+s11+$0x0], $0xffff;
	v0 =	vshll.u32 v20, $0x1;
	vm8 =	vgt.f32 v21, $0.0e+00  }
0x14d: {  	v47 =	vld.idx.msk [tilespmem:v56+s12+$0x0], $0xffff;
	vm11 =	vgt.f32 v23, $0.0e+00;
	v29 =	vsel vm8, $0x2, v61;
	vm10 =	vgt.f32 v30, $0.0e+00  }
0x14e: {  	v42 =	vld.idx.msk [tilespmem:v4+s3+$0x0], $0xffff;
	v29 =	vadd.s32 v0, v29;
	v0 =	vimm.s32 $0x1;
	v4 =	vadd.s32 s25, v34  }
0x14f: {  	v12 =	vld.idx.msk [tilespmem:v62+s12+$0x0], $0xffff;
	v34 =	vadd.s32 s25, v14;
	v14 =	vsel vm10, $0x2, v0;
	v0 =	vimm.s32 $0x1  }
0x150: {  	v8 =	vsel vm11, $0x2, v0;
	v0 =	vld [tilespmem:$0x1FF30]  }
0x151: {  	v43 =	vld.idx.msk [tilespmem:v43+s3+$0x0], $0xffff  }
0x152: {  	v50 =	vld.idx.msk [tilespmem:v59+s11+$0x0], $0xffff  }
0x153: {  	[tilespmem:$0x1FE40] =	vst v2;
	v2 =	vld.idx.msk [tilespmem:v10+s12+$0x0], $0xffff;
	v20 =	vadd.s32 s22, v47  }
0x154: {  	v12 =	vadd.s32 s25, v12;
	v47 =	vld.idx.msk [tilespmem:v1+s12+$0x0], $0xffff  }
0x155: {  	v61 =	vadd.s32 v0, v29;
	v0 =	vld [tilespmem:$0x1FB70]  }
0x156: {  	v59 =	vld.idx.msk [tilespmem:v10+s11+$0x0], $0xffff  }
0x157: {  	v10 =	vsub.f32 v43, v38;
	v37 =	vld.idx.msk [tilespmem:v62+s11+$0x0], $0xffff  }
0x158: {  	v7 =	vshll.u32 v7, $0x1;
	v13 =	vshll.u32 v13, $0x1;
	v3 =	vadd.s32 s22, v3;
	v43 =	vld.idx.msk [tilespmem:v20+s3+$0x0], $0xffff  }
0x159: {  	vm12 =	vgt.f32 v10, $0.0e+00;
	v14 =	vadd.s32 v7, v14;
	v7 =	vld.idx.msk [tilespmem:v12+s3+$0x0], $0xffff;
	v20 =	vadd.s32 s25, v47  }
0x15a: {  	v47 =	vadd.s32 v13, v8;
	v13 =	vld.idx.msk [tilespmem:v4+s3+$0x0], $0xffff;
	v12 =	vshll.u32 v0, $0x1;
	v0 =	vimm.s32 $0x1  }
0x15b: {  	vm9 =	vgt.f32 v53, $0.0e+00;
	v62 =	vimm.s32 $0x1;
	v4 =	vsel vm12, $0x2, v0;
	v0 =	vld [tilespmem:$0x1FF10]  }
0x15c: {  	v32 =	vld.idx.msk [tilespmem:v63+s11+$0x0], $0xffff;
	v63 =	vsel vm9, $0x2, v62  }
0x15d: {  	v2 =	vadd.s32 s22, v2;
	v27 =	vadd.s32 v60, v63  }
0x15e: {  	v3 =	vld.idx.msk [tilespmem:v3+s3+$0x0], $0xffff;
	v36 =	vadd.s32 v33, v27;
	_ =	sdelay $0x1  }
0x15f: {  	v62 =	vadd.s32 v0, v14;
	v0 =	vld [tilespmem:$0x1FF20]  }
0x160: {  	v56 =	vld.idx.msk [tilespmem:v56+s11+$0x0], $0xffff  }
0x161: {  	v2 =	vld.idx.msk [tilespmem:v2+s3+$0x0], $0xffff  }
0x162: {  	v60 =	vsub.f32 v3, v45;
	v3 =	vld.idx.msk [tilespmem:v36+s12+$0x0], $0xffff  }
0x163: {  	v31 =	vmin.f32 v31, v15;
	v15 =	vsub.f32 v16, v22;
	v4 =	vadd.s32 v12, v4;
	v12 =	vld.idx.msk [tilespmem:v34+s3+$0x0], $0xffff  }
0x164: {  	v34 =	vadd.s32 v0, v47;
	v0 =	vld [tilespmem:$0x1FF30]  }
0x165: {  	v9 =	vand.u32 $0x7FFFFFFF, v9;
	vm13 =	vgt.f32 v15, $0.0e+00  }
0x166: {  	v9 =	vmin.f32 v19, v9;
	v63 =	vsub.f32 v2, v59;
	v56 =	vsub.f32 v43, v56;
	v38 =	vld.idx.msk [tilespmem:v61+s12+$0x0], $0xffff  }
0x167: {  	v2 =	vshll.u32 v11, $0x1;
	v9 =	vmul.f32 v5, v9;
	vm15 =	vgt.f32 v60, $0.0e+00  }
0x168: {  	vm5 =	vgt.f32 v63, $0.0e+00;
	vm4 =	vgt.f32 v56, $0.0e+00;
	v16 =	vld.idx.msk [tilespmem:v20+s3+$0x0], $0xffff;
	v20 =	vsub.f32 v42, v50  }
0x169: {  	v3 =	vadd.s32 s24, v3;
	v5 =	vadd.s32 v0, v4;
	v0 =	vimm.s32 $0x1  }
0x16a: {  	[tilespmem:$0x1FDC0] =	vst v47;
	vm14 =	vgt.f32 v20, $0.0e+00;
	v47 =	vsel vm13, $0x2, v0;
	v0 =	vimm.s32 $0x1  }
0x16b: {  	[tilespmem:$0x1FEB0] =	vst v10;
	v11 =	vadd.s32 s23, v38;
	v10 =	vsel vm14, $0x2, v0;
	v0 =	vimm.s32 $0x1  }
0x16c: {  	v42 =	vld.idx.msk [tilespmem:v61+s11+$0x0], $0xffff;
	v61 =	vadd.s32 v47, v2;
	v38 =	vsel vm15, $0x2, v0;
	v0 =	vimm.s32 $0x1  }
0x16d: {  	v59 =	vld.idx.msk [tilespmem:v62+s12+$0x0], $0xffff;
	v47 =	vshll.u32 v48, $0x1;
	v48 =	vsel vm4, $0x2, v0;
	v0 =	vimm.s32 $0x1  }
0x16e: {  	v50 =	vsel vm5, $0x2, v0;
	v0 =	vld [tilespmem:$0x1FFD0];
	_ =	sdelay $0x2  }
0x16f: {  	v2 =	vsub.f32 v12, v32;
	v12 =	vld.idx.msk [tilespmem:v34+s12+$0x0], $0xffff  }
0x170: {  	v8 =	vsub.f32 v7, v37;
	v7 =	vadd.s32 s24, v59;
	v59 =	vadd.s32 v47, v48;
	v48 =	vld.idx.msk [tilespmem:v3+s3+$0x0], $0xffff  }
0x171: {  	v3 =	vadd.s32 v0, v61;
	v0 =	vld [tilespmem:$0x1FF10];
	_ =	sdelay $0x2  }
0x172: {  	v22 =	vshll.u32 v46, $0x1;
	v1 =	vld.idx.msk [tilespmem:v1+s11+$0x0], $0xffff  }
0x173: {  	v43 =	vld.idx.msk [tilespmem:v62+s11+$0x0], $0xffff;
	v62 =	vadd.s32 v22, v38;
	v12 =	vadd.s32 s24, v12  }
0x174: {  	vm6 =	vgt.f32 v8, $0.0e+00;
	v46 =	vld.idx.msk [tilespmem:v11+s3+$0x0], $0xffff;
	v11 =	vadd.s32 v0, v62;
	v0 =	vimm.s32 $0x1  }
0x175: {  	v22 =	vsel vm6, $0x2, v0;
	v0 =	vld [tilespmem:$0x1FF20]  }
0x176: {  	v6 =	vadd.s32 s23, v6  }
0x177: {  	v49 =	vshll.u32 v49, $0x1;
	v1 =	vsub.f32 v16, v1;
	v16 =	vshll.u32 v44, $0x1;
	v32 =	vld.idx.msk [tilespmem:v5+s12+$0x0], $0xffff  }
0x178: {  	[tilespmem:$0x1FE10] =	vst v4;
	v4 =	vsub.f32 v13, v35;
	v44 =	vadd.s32 v49, v50;
	v50 =	vld.idx.msk [tilespmem:v12+s3+$0x0], $0xffff;
	v12 =	vshll.u32 v58, $0x1  }
0x179: {  	v58 =	vadd.s32 v12, v22;
	v22 =	vld [tilespmem:$0x1FED0]  }
0x17a: {  	vm7 =	vgt.f32 v4, $0.0e+00;
	v47 =	vadd.s32 v0, v59;
	v0 =	vimm.s32 $0x1  }
0x17b: {  	v61 =	vsel vm7, $0x2, v0;
	v0 =	vld [tilespmem:$0x1FF30]  }
0x17c: {  	v17 =	vld.idx.msk [tilespmem:v6+s3+$0x0], $0xffff;
	v32 =	vadd.s32 s24, v32  }
0x17d: {  	v35 =	vld.idx.msk [tilespmem:v36+s11+$0x0], $0xffff  }
0x17e: {  	s28 =	sadd.s32 $0xFFFFFF00, s21;
	s23 =	sand.u32 $0x6000, s23;
	v45 =	vld.idx.msk [tilespmem:v34+s11+$0x0], $0xffff;
	v16 =	vadd.s32 v16, v10  }
0x17f: {  	s23 =	sadd.s32 s23, s19;
	v6 =	vadd.s32 v33, v16;
	vm8 =	vgt.f32 v2, $0.0e+00;
	v38 =	vld.idx.msk [tilespmem:v5+s11+$0x0], $0xffff;
	s24 =	sand.u32 $0x200, s28  }
0x180: {  	v10 =	vand.u32 $0x7FFFFF80, v6;
	v49 =	vld.idx.msk [tilespmem:v7+s3+$0x0], $0xffff;
	s24 =	sadd.s32 s24, s23;
	v6 =	vadd.s32 v0, v44;
	v0 =	vimm.s32 $0x1  }
0x181: {  	v36 =	vld.idx.msk [tilespmem:v32+s3+$0x0], $0xffff;
	[tilespmem:v22+s24+$0x0 ss:$0x1] =	vst.idx.msk $0xffff, v9;
	v9 =	vshll.u32 v54, $0x1;
	v0 =	vsel vm8, $0x2, v0  }
0x182: {  	v9 =	vadd.s32 v9, v0;
	v0 =	vld [tilespmem:$0x1FF10];
	_ =	sdelay $0x1  }
0x183: {  	[tilespmem:$0x1FEC0] =	vst v1;
	vm9 =	vgt.f32 v1, $0.0e+00;
	v1 =	vimm.s32 $0x1  }
0x184: {  	v52 =	vshll.u32 v52, $0x1;
	v1 =	vsel vm9, $0x2, v1;
	v34 =	vand.u32 $0x7FFFFF80, v11  }
0x185: {  	v11 =	vadd.s32 v52, v61;
	v37 =	vand.u32 $0x7FFFFF80, v6;
	v6 =	vshll.u32 v55, $0x1  }
0x186: {  	v7 =	vor.u32 v16, v10;
	v52 =	vadd.s32 v6, v1;
	v1 =	vadd.s32 v0, v11;
	v0 =	vld [tilespmem:$0x1FF20];
	_ =	sdelay $0x4  }
0x187: {  	v32 =	vand.u32 $0x7FFFFF80, v47;
	v47 =	vld.idx.msk [tilespmem:v7+s12+$0x0], $0xffff;
	v0 =	vadd.s32 v0, v9  }
0x188: {  	[tilespmem:$0x1FD60] =	vst v14;
	v14 =	vld.idx.msk [tilespmem:v3+s13+$0x0], $0xffff;
	v0 =	vand.u32 $0x7FFFFF80, v0  }
0x189: {  	v3 =	vor.u32 v9, v0;
	v0 =	vld [tilespmem:$0x1FB90];
	_ =	sdelay $0x4  }
0x18a: {  	v54 =	vadd.s32 s22, v47;
	v47 =	vand.u32 $0x7FFFFFFF, v0;
	v0 =	vld [tilespmem:$0x1FBA0];
	_ =	sdelay $0x3  }
0x18b: {  	v10 =	vadd.s32 v33, v58  }
0x18c: {  	v55 =	vand.u32 $0x7FFFFF80, v10;
	v10 =	vand.u32 $0x7FFFFFFF, v0;
	v0 =	vld [tilespmem:$0x1FBB0];
	_ =	sdelay $0x3  }
0x18d: {  	v12 =	vor.u32 v62, v34  }
0x18e: {  	v19 =	vld [tilespmem:$0x1FBF0];
	v0 =	vand.u32 $0x7FFFFFFF, v0  }
0x18f: {  	v18 =	vmin.f32 v18, v10;
	v10 =	vmin.f32 v39, v0;
	v0 =	vld [tilespmem:$0x1FBC0]  }
0x190: {  	[tilespmem:$0x1FE50] =	vst v2;
	v2 =	vld [tilespmem:$0x1FB80]  }
0x191: {  	v13 =	vld.idx.msk [tilespmem:v7+s11+$0x0], $0xffff  }
0x192: {  	v32 =	vor.u32 v59, v32;
	v61 =	vld.idx.msk [tilespmem:v12+s12+$0x0], $0xffff;
	v1 =	vand.u32 $0x7FFFFF80, v1  }
0x193: {  	[tilespmem:$0x1FE00] =	vst v4;
	v37 =	vor.u32 v44, v37;
	v4 =	vor.u32 v11, v1;
	v1 =	vld [tilespmem:$0x1FF30]  }
0x194: {  	v39 =	vand.u32 $0x7FFFFFFF, v0;
	v0 =	vld [tilespmem:$0x1FBD0]  }
0x195: {  	v12 =	vld.idx.msk [tilespmem:v12+s11+$0x0], $0xffff  }
0x196: {  	v54 =	vld.idx.msk [tilespmem:v54+s3+$0x0], $0xffff  }
0x197: {  	v2 =	vand.u32 $0x7FFFFFFF, v2;
	v34 =	vld.idx.msk [tilespmem:v32+s12+$0x0], $0xffff;
	v55 =	vor.u32 v58, v55  }
0x198: {  	[tilespmem:$0x1FDB0] =	vst v8;
	v6 =	vmin.f32 v57, v2;
	v2 =	vadd.s32 s22, v61;
	v8 =	vld.idx.msk [tilespmem:v37+s12+$0x0], $0xffff;
	v1 =	vadd.s32 v1, v52  }
0x199: {  	v1 =	vand.u32 $0x7FFFFF80, v1;
	v40 =	vmin.f32 v40, v47;
	v47 =	vand.u32 $0x7FFFFFFF, v0;
	v0 =	vld [tilespmem:$0x1FBE0]  }
0x19a: {  	v1 =	vor.u32 v52, v1;
	v61 =	vmin.f32 v31, v39;
	v39 =	vand.u32 $0x7FFFFFFF, v19;
	v19 =	vld [tilespmem:$0x1FC00]  }
0x19b: {  	v6 =	vmin.f32 v6, v39;
	v39 =	vsub.f32 v54, v13;
	v13 =	vld [tilespmem:$0x1FC10]  }
0x19c: {  	v7 =	vld.idx.msk [tilespmem:v55+s12+$0x0], $0xffff  }
0x19d: {  	v5 =	vld.idx.msk [tilespmem:v4+s12+$0x0], $0xffff  }
0x19e: {  	v31 =	vmin.f32 v41, v47;
	v41 =	vld.idx.msk [tilespmem:v3+s12+$0x0], $0xffff;
	v0 =	vand.u32 $0x7FFFFFFF, v0  }
0x19f: {  	v47 =	vld.idx.msk [tilespmem:v1+s12+$0x0], $0xffff;
	v0 =	vmin.f32 v51, v0;
	v51 =	vand.u32 $0x7FFFFFFF, v19  }
0x1a0: {  	vm10 =	vgt.f32 v39, $0.0e+00;
	v13 =	vand.u32 $0x7FFFFFFF, v13;
	v40 =	vmin.f32 v40, v51;
	v51 =	vld.idx.msk [tilespmem:v3+s11+$0x0], $0xffff  }
0x1a1: {  	v19 =	vimm.s32 $0x1;
	v3 =	vadd.s32 s25, v7;
	v7 =	vmin.f32 v18, v13;
	v13 =	vld [tilespmem:$0x1FC20]  }
0x1a2: {  	v54 =	vsel vm10, $0x2, v19;
	v19 =	vld [tilespmem:$0x1FC30]  }
0x1a3: {  	v2 =	vld.idx.msk [tilespmem:v2+s3+$0x0], $0xffff  }
0x1a4: {  	v18 =	vld.idx.msk [tilespmem:v1+s11+$0x0], $0xffff;
	v1 =	vadd.s32 s25, v41  }
0x1a5: {  	v17 =	vsub.f32 v17, v25;
	v32 =	vld.idx.msk [tilespmem:v32+s11+$0x0], $0xffff;
	v5 =	vadd.s32 s25, v5  }
0x1a6: {  	v15 =	vand.u32 $0x7FFFFFFF, v15;
	v55 =	vld.idx.msk [tilespmem:v55+s11+$0x0], $0xffff;
	v47 =	vadd.s32 s25, v47;
	v13 =	vand.u32 $0x7FFFFFFF, v13  }
0x1a7: {  	vm11 =	vgt.f32 v17, $0.0e+00;
	v4 =	vld.idx.msk [tilespmem:v4+s11+$0x0], $0xffff;
	v25 =	vand.u32 $0x7FFFFFFF, v19;
	v13 =	vmin.f32 v31, v13  }
0x1a8: {  	v34 =	vadd.s32 s22, v34;
	v8 =	vadd.s32 s22, v8;
	v3 =	vld.idx.msk [tilespmem:v3+s3+$0x0], $0xffff;
	v13 =	vmin.f32 v13, v25  }
0x1a9: {  	v25 =	vsub.f32 v2, v12;
	v13 =	vmin.f32 v13, v15;
	v15 =	vld.idx.msk [tilespmem:v1+s3+$0x0], $0xffff;
	v1 =	vimm.s32 $0x1  }
0x1aa: {  	v2 =	vld.idx.msk [tilespmem:v5+s3+$0x0], $0xffff;
	v12 =	vshll.u32 v24, $0x1;
	v1 =	vsel vm11, $0x2, v1;
	v57 =	vmul.f32 v14, v13  }
0x1ab: {  	v13 =	vld.idx.msk [tilespmem:v47+s3+$0x0], $0xffff;
	vm12 =	vgt.f32 v25, $0.0e+00;
	v12 =	vadd.s32 v1, v12;
	v1 =	vimm.s32 $0x1  }
0x1ac: {  	v14 =	vsel vm12, $0x2, v1;
	v1 =	vld [tilespmem:$0x1FFE0]  }
0x1ad: {  	v37 =	vld.idx.msk [tilespmem:v37+s11+$0x0], $0xffff  }
0x1ae: {  	v8 =	vld.idx.msk [tilespmem:v8+s3+$0x0], $0xffff  }
0x1af: {  	v31 =	vld.idx.msk [tilespmem:v34+s3+$0x0], $0xffff;
	v47 =	vshll.u32 v62, $0x1  }
0x1b0: {  	v28 =	vsub.f32 v2, v4;
	v4 =	vadd.s32 v47, v14;
	v47 =	vsub.f32 v13, v18;
	v18 =	vld [tilespmem:$0x1FEE0]  }
0x1b1: {  	v3 =	vsub.f32 v3, v55;
	v55 =	vadd.s32 v1, v12;
	v1 =	vld [tilespmem:$0x1FF10];
	_ =	sdelay $0x1  }
0x1b2: {  	v26 =	vsub.f32 v8, v37  }
0x1b3: {  	v19 =	vsub.f32 v31, v32  }
0x1b4: {  	vm14 =	vgt.f32 v26, $0.0e+00  }
0x1b5: {  	vm13 =	vgt.f32 v19, $0.0e+00;
	v12 =	vadd.s32 v1, v4;
	v1 =	vimm.s32 $0x1  }
0x1b6: {  	vm15 =	vgt.f32 v3, $0.0e+00;
	v14 =	vsel vm13, $0x2, v1;
	v1 =	vimm.s32 $0x1  }
0x1b7: {  	v5 =	vld [tilespmem:$0x1FC40];
	[tilespmem:v18+s24+$0x0 ss:$0x1] =	vst.idx.msk $0xffff, v57;
	v57 =	vshll.u32 v58, $0x1;
	v58 =	vsel vm14, $0x2, v1;
	v1 =	vimm.s32 $0x1  }
0x1b8: {  	v13 =	vshll.u32 v59, $0x1;
	v59 =	vsel vm15, $0x2, v1;
	v1 =	vld [tilespmem:$0x1FF20];
	_ =	sdelay $0x3  }
0x1b9: {  	v5 =	vand.u32 $0x7FFFFFFF, v5;
	v13 =	vadd.s32 v13, v14  }
0x1ba: {  	vm4 =	vgt.f32 v28, $0.0e+00;
	v34 =	vadd.s32 v1, v13;
	v1 =	vimm.s32 $0x1  }
0x1bb: {  	v5 =	vmin.f32 v10, v5;
	v10 =	vadd.s32 v57, v59;
	v57 =	vsel vm4, $0x2, v1;
	v1 =	vld [tilespmem:$0x1FF30];
	_ =	sdelay $0x2  }
0x1bc: {  	v14 =	vshll.u32 v44, $0x1  }
0x1bd: {  	v14 =	vadd.s32 v14, v58  }
0x1be: {  	v44 =	vadd.s32 v1, v14;
	v1 =	vld [tilespmem:$0x1FC50];
	_ =	sdelay $0x1  }
0x1bf: {  	v16 =	vshll.u32 v16, $0x1  }
0x1c0: {  	v16 =	vadd.s32 v16, v54  }
0x1c1: {  	v41 =	vadd.s32 v33, v16  }
0x1c2: {  	v58 =	vand.u32 $0x7FFFFFFF, v1  }
0x1c3: {  	v2 =	vmin.f32 v0, v58;
	v0 =	vld [tilespmem:$0x1FF10];
	_ =	sdelay $0x2  }
0x1c4: {  	v11 =	vshll.u32 v11, $0x1;
	v54 =	vld.idx.msk [tilespmem:v41+s12+$0x0], $0xffff  }
0x1c5: {  	v32 =	vld.idx.msk [tilespmem:v41+s11+$0x0], $0xffff;
	v11 =	vadd.s32 v11, v57  }
0x1c6: {  	v41 =	vadd.s32 v0, v11;
	v0 =	vld [tilespmem:$0x1FC60]  }
0x1c7: {  	v62 =	vld.idx.msk [tilespmem:v12+s12+$0x0], $0xffff;
	_ =	sdelay $0x3  }
0x1c8: {  	vm6 =	vgt.f32 v47, $0.0e+00;
	v8 =	vld.idx.msk [tilespmem:v55+s13+$0x0], $0xffff;
	v55 =	vand.u32 $0x7FFFFFFF, v0;
	v0 =	vimm.s32 $0x1  }
0x1c9: {  	v37 =	vsub.f32 v15, v51;
	v31 =	vadd.s32 s22, v62;
	v62 =	vsel vm6, $0x2, v0;
	v0 =	vld [tilespmem:$0x1FF20];
	_ =	sdelay $0x1  }
0x1ca: {  	vm5 =	vgt.f32 v37, $0.0e+00;
	v1 =	vimm.s32 $0x1  }
0x1cb: {  	v9 =	vshll.u32 v9, $0x1;
	v59 =	vsel vm5, $0x2, v1  }
0x1cc: {  	v15 =	vadd.s32 s22, v54;
	v9 =	vadd.s32 v9, v59  }
0x1cd: {  	v58 =	vadd.s32 v0, v9;
	v0 =	vld [tilespmem:$0x1FC70];
	_ =	sdelay $0x3  }
0x1ce: {  	v15 =	vld.idx.msk [tilespmem:v15+s3+$0x0], $0xffff  }
0x1cf: {  	v57 =	vand.u32 $0x7FFFFFFF, v0;
	v0 =	vld [tilespmem:$0x1FF30];
	_ =	sdelay $0x2  }
0x1d0: {  	v52 =	vshll.u32 v52, $0x1  }
0x1d1: {  	v6 =	vmin.f32 v6, v55;
	v55 =	vadd.s32 v52, v62  }
0x1d2: {  	v52 =	vsub.f32 v15, v32;
	v15 =	vadd.s32 v0, v55;
	v0 =	vld [tilespmem:$0x1FC80];
	_ =	sdelay $0x4  }
0x1d3: {  	v40 =	vmin.f32 v40, v57;
	v57 =	vand.u32 $0x7FFFFFFF, v0;
	v0 =	vld [tilespmem:$0x1FC90];
	_ =	sdelay $0x2  }
0x1d4: {  	v12 =	vld.idx.msk [tilespmem:v12+s11+$0x0], $0xffff;
	v54 =	vadd.s32 v33, v10  }
0x1d5: {  	v51 =	vld.idx.msk [tilespmem:v34+s12+$0x0], $0xffff  }
0x1d6: {  	v62 =	vand.u32 $0x7FFFFFFF, v0;
	v0 =	vld [tilespmem:$0x1FCA0]  }
0x1d7: {  	v59 =	vld.idx.msk [tilespmem:v44+s12+$0x0], $0xffff  }
0x1d8: {  	v1 =	vld.idx.msk [tilespmem:v41+s12+$0x0], $0xffff  }
0x1d9: {  	v32 =	vld.idx.msk [tilespmem:v54+s12+$0x0], $0xffff  }
0x1da: {  	v53 =	vand.u32 $0x7FFFFFFF, v53;
	v21 =	vand.u32 $0x7FFFFFFF, v21;
	v34 =	vld.idx.msk [tilespmem:v34+s11+$0x0], $0xffff  }
0x1db: {  	v30 =	vand.u32 $0x7FFFFFFF, v30;
	v17 =	vand.u32 $0x7FFFFFFF, v17;
	v44 =	vld.idx.msk [tilespmem:v44+s11+$0x0], $0xffff;
	v0 =	vand.u32 $0x7FFFFFFF, v0  }
0x1dc: {  	v29 =	vshll.u32 v29, $0x1;
	v0 =	vmin.f32 v2, v0;
	v2 =	vld.idx.msk [tilespmem:v31+s3+$0x0], $0xffff;
	v31 =	vadd.s32 s22, v51  }
0x1dd: {  	v16 =	vshll.u32 v16, $0x1;
	v59 =	vadd.s32 s22, v59;
	v41 =	vld.idx.msk [tilespmem:v41+s11+$0x0], $0xffff;
	v6 =	vmin.f32 v6, v21  }
0x1de: {  	vm7 =	vgt.f32 v52, $0.0e+00;
	v1 =	vadd.s32 s25, v1;
	v21 =	vadd.s32 s25, v32;
	v51 =	vld.idx.msk [tilespmem:v58+s12+$0x0], $0xffff  }
0x1df: {  	v32 =	vld.idx.msk [tilespmem:v15+s12+$0x0], $0xffff;
	v7 =	vmin.f32 v7, v57;
	v5 =	vmin.f32 v5, v62;
	v62 =	vimm.s32 $0x1  }
0x1e0: {  	v57 =	vld.idx.msk [tilespmem:v54+s11+$0x0], $0xffff;
	v7 =	vmin.f32 v7, v30;
	v54 =	vsel vm7, $0x2, v62;
	v62 =	vmin.f32 v40, v53  }
0x1e1: {  	v16 =	vadd.s32 v16, v54;
	v54 =	vsub.f32 v48, v35;
	v53 =	vsub.f32 v2, v12;
	v12 =	vld.idx.msk [tilespmem:v31+s3+$0x0], $0xffff  }
0x1e2: {  	v30 =	vld.idx.msk [tilespmem:v58+s11+$0x0], $0xffff;
	v35 =	vsub.f32 v50, v45;
	v58 =	vadd.s32 v33, v16;
	v2 =	vand.u32 $0x7FFFFFFF, v23  }
0x1e3: {  	v1 =	vld.idx.msk [tilespmem:v1+s3+$0x0], $0xffff;
	v23 =	vadd.s32 s25, v51;
	v51 =	vmin.f32 v5, v2;
	v2 =	vsub.f32 v46, v42  }
0x1e4: {  	v31 =	vadd.s32 s25, v32;
	v5 =	vld.idx.msk [tilespmem:v59+s3+$0x0], $0xffff;
	v42 =	vsub.f32 v49, v43;
	v46 =	vimm.s32 $0x1  }
0x1e5: {  	v21 =	vld.idx.msk [tilespmem:v21+s3+$0x0], $0xffff;
	v49 =	vimm.s32 $0x1;
	vm8 =	vgt.f32 v53, $0.0e+00;
	vm9 =	vgt.f32 v2, $0.0e+00  }
0x1e6: {  	v50 =	vld [tilespmem:$0x1FF10];
	v32 =	vsel vm8, $0x2, v46;
	v40 =	vsel vm9, $0x2, v49;
	v46 =	vsub.f32 v12, v34  }
0x1e7: {  	v0 =	vmin.f32 v0, v17;
	v59 =	vld [tilespmem:$0x1FF20];
	v17 =	vadd.s32 v40, v29  }
0x1e8: {  	v12 =	vld.idx.msk [tilespmem:v15+s11+$0x0], $0xffff;
	v29 =	vsub.f32 v1, v41;
	v15 =	vimm.s32 $0x1;
	vm10 =	vgt.f32 v46, $0.0e+00  }
0x1e9: {  	v1 =	vshll.u32 v13, $0x1;
	v43 =	vsub.f32 v5, v44;
	v5 =	vld [tilespmem:$0x1FFF0];
	v15 =	vsel vm10, $0x2, v15  }
0x1ea: {  	v4 =	vshll.u32 v4, $0x1;
	v1 =	vadd.s32 v1, v15;
	v15 =	vld [tilespmem:$0x1FEF0]  }
0x1eb: {  	v48 =	vld.idx.msk [tilespmem:v58+s12+$0x0], $0xffff;
	v4 =	vadd.s32 v4, v32  }
0x1ec: {  	v45 =	vadd.s32 v50, v4  }
0x1ed: {  	v23 =	vld.idx.msk [tilespmem:v23+s3+$0x0], $0xffff;
	v40 =	vsub.f32 v21, v57;
	v21 =	vadd.s32 v59, v1  }
0x1ee: {  	v44 =	vld.idx.msk [tilespmem:v31+s3+$0x0], $0xffff  }
0x1ef: {  	v0 =	vmul.f32 v8, v0;
	v8 =	vld.idx.msk [tilespmem:v58+s11+$0x0], $0xffff;
	v5 =	vadd.s32 v5, v17  }
0x1f0: {  	v58 =	vld [tilespmem:$0x1FF10];
	v13 =	vadd.s32 s22, v48  }
0x1f1: {  	v48 =	vimm.s32 $0x1;
	vm12 =	vgt.f32 v40, $0.0e+00;
	vm13 =	vgt.f32 v29, $0.0e+00;
	v17 =	vld.idx.msk [tilespmem:v45+s12+$0x0], $0xffff  }
0x1f2: {  	vm11 =	vgt.f32 v43, $0.0e+00;
	v50 =	vld.idx.msk [tilespmem:v21+s12+$0x0], $0xffff;
	[tilespmem:v15+s24+$0x0 ss:$0x1] =	vst.idx.msk $0xffff, v0;
	v0 =	vshll.u32 v14, $0x1;
	v14 =	vimm.s32 $0x1  }
0x1f3: {  	v34 =	vld [tilespmem:$0x1FCB0];
	v23 =	vsub.f32 v23, v30;
	v24 =	vsub.f32 v44, v12;
	v14 =	vsel vm11, $0x2, v14  }
0x1f4: {  	v44 =	vadd.s32 v0, v14;
	v0 =	vld.idx.msk [tilespmem:v5+s13+$0x0], $0xffff;
	v5 =	vshll.u32 v10, $0x1;
	v10 =	vsel vm12, $0x2, v48  }
0x1f5: {  	v12 =	vld [tilespmem:$0x1FF30];
	vm15 =	vgt.f32 v24, $0.0e+00;
	v14 =	vimm.s32 $0x1;
	v48 =	vadd.s32 v5, v10  }
0x1f6: {  	v5 =	vshll.u32 v11, $0x1;
	v10 =	vld.idx.msk [tilespmem:v13+s3+$0x0], $0xffff;
	v13 =	vadd.s32 s22, v17;
	v14 =	vsel vm13, $0x2, v14  }
0x1f7: {  	v11 =	vld.idx.msk [tilespmem:v45+s11+$0x0], $0xffff;
	v32 =	vadd.s32 s22, v50;
	v45 =	vadd.s32 v5, v14;
	v14 =	vimm.s32 $0x1  }
0x1f8: {  	v50 =	vld [tilespmem:$0x1FCD0];
	v49 =	vadd.s32 v33, v48;
	v5 =	vshll.u32 v55, $0x1;
	v14 =	vsel vm15, $0x2, v14  }
0x1f9: {  	v30 =	vadd.s32 v5, v14;
	v5 =	vsub.f32 v36, v38;
	v36 =	vld [tilespmem:$0x1FCC0]  }
0x1fa: {  	v9 =	vshll.u32 v9, $0x1;
	vm14 =	vgt.f32 v23, $0.0e+00;
	v17 =	vimm.s32 $0x1;
	v55 =	vld [tilespmem:$0x1FFC0]  }
0x1fb: {  	v2 =	vand.u32 $0x7FFFFFFF, v2;
	v12 =	vadd.s32 v12, v44;
	v17 =	vsel vm14, $0x2, v17;
	v38 =	vld [tilespmem:$0x1FF30]  }
0x1fc: {  	v41 =	vadd.s32 v9, v17;
	v17 =	vadd.s32 v58, v45;
	v8 =	vsub.f32 v10, v8;
	v13 =	vld.idx.msk [tilespmem:v13+s3+$0x0], $0xffff  }
0x1fd: {  	v2 =	vmin.f32 v6, v2;
	v57 =	vmovc v33;
	v6 =	vand.u32 $0x7FFFFFFF, v34;
	v10 =	vadd.s32 v59, v41;
	v33 =	vld.idx.msk [tilespmem:v49+s12+$0x0], $0xffff  }
0x1fe: {  	vm4 =	vgt.f32 v8, $0.0e+00;
	v34 =	vand.u32 $0x7FFFFFFF, v36;
	v36 =	vld.idx.msk [tilespmem:v49+s11+$0x0], $0xffff;
	v49 =	vimm.s32 $0x1  }
0x1ff: {  	v16 =	vshll.u32 v16, $0x1;
	v9 =	vld.idx.msk [tilespmem:v21+s11+$0x0], $0xffff;
	v31 =	vsel vm4, $0x2, v49  }
0x200: {  	v21 =	vld.idx.msk [tilespmem:v12+s12+$0x0], $0xffff;
	v14 =	vadd.s32 v38, v30;
	v16 =	vadd.s32 v31, v16  }
0x201: {  	v6 =	vmin.f32 v6, v34;
	v34 =	vld.idx.msk [tilespmem:v17+s12+$0x0], $0xffff;
	v16 =	vadd.s32 v55, v16  }
0x202: {  	v31 =	vand.u32 $0x7FFFFFFF, v50;
	v50 =	vld.idx.msk [tilespmem:v10+s12+$0x0], $0xffff  }
0x203: {  	v20 =	vand.u32 $0x7FFFFFFF, v20;
	v11 =	vsub.f32 v13, v11;
	v13 =	vld.idx.msk [tilespmem:v17+s11+$0x0], $0xffff;
	v6 =	vmin.f32 v6, v31  }
0x204: {  	v55 =	vand.u32 $0x7FFFFFFF, v54;
	v6 =	vmin.f32 v6, v20;
	v20 =	vld.idx.msk [tilespmem:v10+s11+$0x0], $0xffff  }
0x205: {  	v49 =	vmin.f32 v62, v55;
	v55 =	vld.idx.msk [tilespmem:v14+s12+$0x0], $0xffff  }
0x206: {  	v62 =	vand.u32 $0x7FFFFFFF, v39;
	v39 =	vand.u32 $0x7FFFFFFF, v42;
	v16 =	vld.idx.msk [tilespmem:v16+s13+$0x0], $0xffff  }
0x207: {  	v31 =	vmin.f32 v7, v39;
	v7 =	vld.idx.msk [tilespmem:v32+s3+$0x0], $0xffff  }
0x208: {  	v2 =	vmul.f32 v0, v2;
	v6 =	vmin.f32 v6, v62;
	v62 =	vand.u32 $0x7FFFFFFF, v52;
	v10 =	vld.idx.msk [tilespmem:v14+s11+$0x0], $0xffff  }
0x209: {  	v8 =	vand.u32 $0x7FFFFFFF, v8;
	v17 =	vadd.s32 s22, v21;
	v52 =	vld [tilespmem:$0x1FCE0];
	v6 =	vmin.f32 v6, v62  }
0x20a: {  	v33 =	vadd.s32 s25, v33;
	v0 =	vmin.f32 v6, v8;
	v14 =	vadd.s32 s25, v55;
	v55 =	vld [tilespmem:$0x1FCF0]  }
0x20b: {  	vm5 =	vgt.f32 v11, $0.0e+00;
	v8 =	vmul.f32 v16, v0;
	v0 =	vld [tilespmem:$0x1FD00]  }
0x20c: {  	v12 =	vld.idx.msk [tilespmem:v12+s11+$0x0], $0xffff;
	v21 =	vadd.s32 s25, v34;
	v34 =	vadd.s32 s25, v50;
	v50 =	vimm.s32 $0x1  }
0x20d: {  	vm6 =	vgt.f32 v54, $0.0e+00;
	v4 =	vshll.u32 v4, $0x1;
	v62 =	vld [tilespmem:$0x1FFD0];
	v39 =	vsel vm5, $0x2, v50  }
0x20e: {  	v17 =	vld.idx.msk [tilespmem:v17+s3+$0x0], $0xffff;
	v4 =	vadd.s32 v39, v4;
	v32 =	vand.u32 $0x7FFFFFFF, v52;
	v7 =	vsub.f32 v7, v9  }
0x20f: {  	v33 =	vld.idx.msk [tilespmem:v33+s3+$0x0], $0xffff;
	v16 =	vshll.u32 v27, $0x1;
	v27 =	vimm.s32 $0x1;
	v39 =	vand.u32 $0x7FFFFFFF, v55  }
0x210: {  	s29 =	sand.u32 $0x300, s21;
	v32 =	vmin.f32 v32, v39;
	v55 =	vand.u32 $0x7FFFFFFF, v0;
	v0 =	vld.idx.msk [tilespmem:v14+s3+$0x0], $0xffff;
	v14 =	vsel vm6, $0x2, v27  }
0x211: {  	v60 =	vand.u32 $0x7FFFFFFF, v60;
	s25 =	sadd.s32 s29, s23;
	v52 =	vld.idx.msk [tilespmem:v21+s3+$0x0], $0xffff;
	v14 =	vadd.s32 v14, v16;
	v16 =	vmin.f32 v32, v55  }
0x212: {  	v9 =	vld.idx.msk [tilespmem:v34+s3+$0x0], $0xffff;
	vm7 =	vgt.f32 v7, $0.0e+00;
	[tilespmem:v22+s25+$0x0 ss:$0x1] =	vst.idx.msk $0xffff, v8;
	v8 =	vmin.f32 v16, v60;
	v16 =	vand.u32 $0x7FFFFFFF, v25  }
0x213: {  	v1 =	vshll.u32 v1, $0x1;
	v8 =	vmin.f32 v8, v16;
	v16 =	vsel vm7, $0x2, v27  }
0x214: {  	v4 =	vadd.s32 v62, v4;
	v1 =	vadd.s32 v16, v1;
	v16 =	vld [tilespmem:$0x1FFC0];
	_ =	sdelay $0x3  }
0x215: {  	v21 =	vld [tilespmem:$0x1FD30]  }
0x216: {  	v4 =	vld.idx.msk [tilespmem:v4+s13+$0x0], $0xffff;
	v14 =	vadd.s32 v16, v14;
	v16 =	vand.u32 $0x7FFFFFFF, v53  }
0x217: {  	v8 =	vmin.f32 v8, v16;
	v16 =	vld [tilespmem:$0x1FFE0];
	_ =	sdelay $0x1  }
0x218: {  	v11 =	vand.u32 $0x7FFFFFFF, v11  }
0x219: {  	v62 =	vld [tilespmem:$0x1FD10];
	v8 =	vmin.f32 v8, v11  }
0x21a: {  	v4 =	vmul.f32 v4, v8;
	v8 =	vand.u32 $0x7FFFFFFF, v21;
	v21 =	vld [tilespmem:$0x1FF00]  }
0x21b: {  	v1 =	vadd.s32 v16, v1;
	v16 =	vld [tilespmem:$0x1FD20];
	_ =	sdelay $0x4  }
0x21c: {  	v32 =	vsub.f32 v17, v12;
	v11 =	vand.u32 $0x7FFFFFFF, v62;
	v16 =	vand.u32 $0x7FFFFFFF, v16  }
0x21d: {  	v11 =	vmin.f32 v11, v16  }
0x21e: {  	v34 =	vand.u32 $0x7FFFFFFF, v56;
	vm8 =	vgt.f32 v32, $0.0e+00;
	[tilespmem:v21+s24+$0x0 ss:$0x1] =	vst.idx.msk $0xffff, v2;
	v2 =	vmin.f32 v11, v8  }
0x21f: {  	v12 =	vand.u32 $0x7FFFFFFF, v19;
	v39 =	vld.idx.msk [tilespmem:v14+s13+$0x0], $0xffff;
	v14 =	vsel vm8, $0x2, v27;
	v2 =	vmin.f32 v2, v34  }
0x220: {  	v17 =	vld [tilespmem:$0x1FFF0];
	v16 =	vshll.u32 v44, $0x1;
	v2 =	vmin.f32 v2, v12;
	v12 =	vand.u32 $0x7FFFFFFF, v46  }
0x221: {  	v2 =	vmin.f32 v2, v12;
	v12 =	vadd.s32 v14, v16;
	v14 =	vld [tilespmem:$0x1FD40]  }
0x222: {  	v16 =	vld [tilespmem:$0x1FD50]  }
0x223: {  	[tilespmem:v18+s25+$0x0 ss:$0x1] =	vst.idx.msk $0xffff, v4  }
0x224: {  	v1 =	vld.idx.msk [tilespmem:v1+s13+$0x0], $0xffff  }
0x225: {  	v12 =	vadd.s32 v17, v12;
	v17 =	vld [tilespmem:$0x1FD70];
	_ =	sdelay $0x1  }
0x226: {  	v7 =	vand.u32 $0x7FFFFFFF, v7;
	v14 =	vand.u32 $0x7FFFFFFF, v14;
	v16 =	vand.u32 $0x7FFFFFFF, v16  }
0x227: {  	v2 =	vmin.f32 v2, v7;
	v14 =	vmin.f32 v14, v16;
	v16 =	vld [tilespmem:$0x1FD60]  }
0x228: {  	v1 =	vmul.f32 v1, v2  }
0x229: {  	vm9 =	vgt.f32 v42, $0.0e+00;
	v11 =	vmul.f32 v39, v49;
	v17 =	vand.u32 $0x7FFFFFFF, v17  }
0x22a: {  	v49 =	vsub.f32 v33, v36;
	[tilespmem:v15+s25+$0x0 ss:$0x1] =	vst.idx.msk $0xffff, v1;
	v1 =	vand.u32 $0x7FFFFFFF, v63;
	v14 =	vmin.f32 v14, v17  }
0x22b: {  	v2 =	vsel vm9, $0x2, v27;
	v1 =	vmin.f32 v14, v1;
	v14 =	vand.u32 $0x7FFFFFFF, v26  }
0x22c: {  	vm10 =	vgt.f32 v49, $0.0e+00;
	v1 =	vmin.f32 v1, v14;
	v16 =	vshll.u32 v16, $0x1  }
0x22d: {  	v14 =	vsel vm10, $0x2, v27;
	v2 =	vadd.s32 v2, v16;
	v16 =	vshll.u32 v48, $0x1  }
0x22e: {  	v14 =	vadd.s32 v14, v16;
	v16 =	vld [tilespmem:$0x1FFD0];
	_ =	sdelay $0x1  }
0x22f: {  	v17 =	vld [tilespmem:$0x1FFC0]  }
0x230: {  	v12 =	vld.idx.msk [tilespmem:v12+s13+$0x0], $0xffff;
	_ =	sdelay $0x1  }
0x231: {  	v50 =	vld [tilespmem:$0x1FD80];
	v2 =	vadd.s32 v16, v2;
	v16 =	vand.u32 $0x7FFFFFFF, v43  }
0x232: {  	v6 =	vsub.f32 v52, v13;
	v13 =	vld [tilespmem:$0x1FDE0];
	v8 =	vand.u32 $0x7FFFFFFF, v32;
	v1 =	vmin.f32 v1, v16  }
0x233: {  	s30 =	sadd.s32 $0xFFFFFF80, s21;
	v14 =	vadd.s32 v17, v14;
	v16 =	vld [tilespmem:$0x1FD90];
	v1 =	vmin.f32 v1, v8  }
0x234: {  	v4 =	vand.u32 $0x7FFFFFFF, v35;
	s24 =	sand.u32 $0x280, s30;
	v1 =	vmul.f32 v12, v1;
	v12 =	vld [tilespmem:$0x1FDA0]  }
0x235: {  	v4 =	vmin.f32 v51, v4;
	v51 =	vld [tilespmem:$0x1FDB0];
	s24 =	sadd.s32 s24, s23  }
0x236: {  	v62 =	vld [tilespmem:$0x1FDD0];
	[tilespmem:v22+s24+$0x0 ss:$0x1] =	vst.idx.msk $0xffff, v11  }
0x237: {  	[tilespmem:v21+s25+$0x0 ss:$0x1] =	vst.idx.msk $0xffff, v1;
	v1 =	vld.idx.msk [tilespmem:v2+s13+$0x0], $0xffff  }
0x238: {  	v8 =	vand.u32 $0x7FFFFFFF, v50;
	v2 =	vand.u32 $0x7FFFFFFF, v3;
	v16 =	vand.u32 $0x7FFFFFFF, v16;
	v3 =	vld.idx.msk [tilespmem:v14+s13+$0x0], $0xffff  }
0x239: {  	v52 =	vand.u32 $0x7FFFFFFF, v40;
	v14 =	vld [tilespmem:$0x1FFD0];
	v8 =	vmin.f32 v8, v16;
	v12 =	vand.u32 $0x7FFFFFFF, v12  }
0x23a: {  	v9 =	vsub.f32 v9, v20;
	v11 =	vand.u32 $0x7FFFFFFF, v51;
	v8 =	vmin.f32 v8, v12  }
0x23b: {  	vm12 =	vgt.f32 v6, $0.0e+00;
	v13 =	vand.u32 $0x7FFFFFFF, v13;
	v8 =	vmin.f32 v8, v11  }
0x23c: {  	v53 =	vsel vm12, $0x2, v27;
	v63 =	vld [tilespmem:$0x1FDF0];
	v12 =	vshll.u32 v45, $0x1;
	v2 =	vmin.f32 v8, v2  }
0x23d: {  	v7 =	vand.u32 $0x7FFFFFFF, v49;
	v54 =	vadd.s32 v53, v12;
	v12 =	vld [tilespmem:$0x1FDC0];
	v2 =	vmin.f32 v2, v52  }
0x23e: {  	v20 =	vld [tilespmem:$0x1FE00];
	v8 =	vadd.s32 v14, v54;
	v2 =	vmin.f32 v2, v7;
	v7 =	vand.u32 $0x7FFFFFFF, v62  }
0x23f: {  	s31 =	sadd.s32 $0x80, s21;
	v2 =	vmul.f32 v3, v2;
	v3 =	vmin.f32 v7, v13;
	v13 =	vld [tilespmem:$0x1FFE0]  }
0x240: {  	vm11 =	vgt.f32 v35, $0.0e+00;
	vm14 =	vgt.f32 v9, $0.0e+00;
	s25 =	sand.u32 $0x380, s31  }
0x241: {  	v55 =	vsel vm11, $0x2, v27;
	v32 =	vand.u32 $0x7FFFFFFF, v28;
	v33 =	vsel vm14, $0x2, v27;
	s23 =	sadd.s32 s25, s23  }
0x242: {  	v39 =	vld [tilespmem:$0x1FE30];
	v1 =	vmul.f32 v1, v31;
	v7 =	vand.u32 $0x7FFFFFFF, v63;
	v12 =	vshll.u32 v12, $0x1;
	[tilespmem:v22+s23+$0x0 ss:$0x1] =	vst.idx.msk $0xffff, v2  }
0x243: {  	v3 =	vmin.f32 v3, v7;
	v7 =	vand.u32 $0x7FFFFFFF, v20;
	v11 =	vadd.s32 v55, v12;
	v31 =	vld.idx.msk [tilespmem:v8+s13+$0x0], $0xffff  }
0x244: {  	[tilespmem:v18+s24+$0x0 ss:$0x1] =	vst.idx.msk $0xffff, v1;
	v1 =	vld [tilespmem:$0x1FE20];
	v3 =	vmin.f32 v3, v7;
	v12 =	vshll.u32 v41, $0x1;
	v2 =	vadd.s32 v13, v11  }
0x245: {  	v40 =	vld [tilespmem:$0x1FE40];
	v34 =	vand.u32 $0x7FFFFFFF, v29;
	v3 =	vmin.f32 v3, v32;
	v11 =	vadd.s32 v33, v12  }
0x246: {  	v42 =	vld [tilespmem:$0x1FE50];
	v6 =	vand.u32 $0x7FFFFFFF, v6;
	v3 =	vmin.f32 v3, v34;
	v35 =	vadd.s32 v13, v11  }
0x247: {  	v49 =	vld [tilespmem:$0x1FFF0];
	v3 =	vmin.f32 v3, v6  }
0x248: {  	v51 =	vld [tilespmem:$0x1FE60];
	v3 =	vmul.f32 v31, v3  }
0x249: {  	v1 =	vand.u32 $0x7FFFFFFF, v1;
	v6 =	vand.u32 $0x7FFFFFFF, v39;
	v2 =	vld.idx.msk [tilespmem:v2+s13+$0x0], $0xffff  }
0x24a: {  	v0 =	vsub.f32 v0, v10;
	v12 =	vld [tilespmem:$0x1FE10];
	v1 =	vmin.f32 v1, v6;
	v6 =	vand.u32 $0x7FFFFFFF, v40;
	[tilespmem:v18+s23+$0x0 ss:$0x1] =	vst.idx.msk $0xffff, v3  }
0x24b: {  	vm13 =	vgt.f32 v5, $0.0e+00;
	v1 =	vmin.f32 v1, v6;
	v6 =	vand.u32 $0x7FFFFFFF, v42;
	v43 =	vld.idx.msk [tilespmem:v35+s13+$0x0], $0xffff  }
0x24c: {  	vm15 =	vgt.f32 v0, $0.0e+00;
	v44 =	vand.u32 $0x7FFFFFFF, v37;
	v1 =	vmin.f32 v1, v6;
	v3 =	vld [tilespmem:$0x1FFF0]  }
0x24d: {  	v46 =	vshll.u32 v30, $0x1;
	v48 =	vand.u32 $0x7FFFFFFF, v23;
	v53 =	vld [tilespmem:$0x1FE90];
	v1 =	vmin.f32 v1, v44  }
0x24e: {  	v50 =	vand.u32 $0x7FFFFFFF, v9;
	v54 =	vld [tilespmem:$0x1FEA0];
	v1 =	vmin.f32 v1, v48;
	v2 =	vmul.f32 v2, v4  }
0x24f: {  	v36 =	vsel vm13, $0x2, v27;
	v52 =	vld [tilespmem:$0x1FE70];
	v12 =	vshll.u32 v12, $0x1;
	v1 =	vmin.f32 v1, v50  }
0x250: {  	v45 =	vsel vm15, $0x2, v27;
	v41 =	vadd.s32 v36, v12;
	v1 =	vmul.f32 v43, v1;
	[tilespmem:v15+s24+$0x0 ss:$0x1] =	vst.idx.msk $0xffff, v2;
	v2 =	vld [tilespmem:$0x1FE80]  }
0x251: {  	v55 =	vld [tilespmem:$0x1FEC0];
	v8 =	vadd.s32 v45, v46;
	v3 =	vadd.s32 v3, v41  }
0x252: {  	v8 =	vadd.s32 v49, v8;
	[tilespmem:v15+s23+$0x0 ss:$0x1] =	vst.idx.msk $0xffff, v1;
	v1 =	vld [tilespmem:$0x1FEB0];
	_ =	sdelay $0x1  }
0x253: {  	v9 =	vand.u32 $0x7FFFFFFF, v51;
	v7 =	vand.u32 $0x7FFFFFFF, v52  }
0x254: {  	v56 =	vld [tilespmem:$0x1FF80];
	v6 =	vand.u32 $0x7FFFFFFF, v53;
	v4 =	vmin.f32 v61, v9;
	v2 =	vand.u32 $0x7FFFFFFF, v2  }
0x255: {  	v4 =	vmin.f32 v4, v7;
	v3 =	vld.idx.msk [tilespmem:v3+s13+$0x0], $0xffff;
	v2 =	vmin.f32 v2, v6;
	v6 =	vand.u32 $0x7FFFFFFF, v54  }
0x256: {  	v62 =	vld.idx.msk [tilespmem:v8+s13+$0x0], $0xffff;
	v1 =	vand.u32 $0x7FFFFFFF, v1;
	v2 =	vmin.f32 v2, v6;
	v6 =	vand.u32 $0x7FFFFFFF, v55  }
0x257: {  	s20 =	sadd.s32 $0x2, s20;
	v60 =	vld [tilespmem:$0x1FF90];
	v1 =	vmin.f32 v4, v1;
	v4 =	vand.u32 $0x7FFFFFFF, v47;
	v2 =	vmin.f32 v2, v6  }
0x258: {  	p0 =	slt.u32 s20, $0xE;
	v5 =	vand.u32 $0x7FFFFFFF, v5;
	v16 =	vld [tilespmem:$0x1FF70];
	v2 =	vmin.f32 v2, v4;
	v4 =	vand.u32 $0x7FFFFFFF, v24  }
.Ltmp0:
0x259: {  	v0 =	vand.u32 $0x7FFFFFFF, v0;
	v63 =	vld [tilespmem:$0x1FFB0];
	v1 =	vmin.f32 v1, v5;
	v2 =	vmin.f32 v2, v4;
	(pc) =	sbr.rel @p0 .LBB2_4-.Ltmp0, $4  }
0x25a: {  	v12 =	vld [tilespmem:$0x1FF60];
	v1 =	vmul.f32 v3, v1;
	v0 =	vmin.f32 v2, v0  }
0x25b: {  	v61 =	vld [tilespmem:$0x1FFA0];
	v0 =	vmul.f32 v62, v0  }
0x25c: {  	v3 =	vld [tilespmem:$0x1FF50];
	[tilespmem:v21+s24+$0x0 ss:$0x1] =	vst.idx.msk $0xffff, v1  }
0x25d: {  	s21 =	sadd.s32 $0x200, s21;
	s22 =	sadd.s32 $0x1000, s22;
	v2 =	vld [tilespmem:$0x1FF40];
	v1 =	vimm.s32 $0x2;
	[tilespmem:v21+s23+$0x0 ss:$0x1] =	vst.idx.msk $0xffff, v0  }
0x25e: {  	s18 =	sadd.s32 $0x1, s18  }
0x25f: {  	p0 =	sne.s32 s18, $0x10  }
.Ltmp1:
0x260: {  	_ = 	snop;
	(pc) =	sbr.rel @p0 .LBB2_3-.Ltmp1, $1  }
0x261: {  	_ =	sdelay $0x3  }
0x262: {  	s16 =	sadd.s32 $0x1, s16  }
0x263: {  	p0 =	sne.s32 s16, $0x10  }
.Ltmp2:
0x264: {  	s17 =	sadd.s32 s2, s17;
	(pc) =	sbr.rel @p0 .LBB2_2-.Ltmp2, $4  }
0x265: {  	[hbm4b:s17+s3] =	stream.linear.scatter [tilespmem:s14], [sflag:$0x1], $0x8000, $0x38;
	[tilespmem:$0x16000] =	vst v63  }
0x266: {  	_ =	swait.ge [sflag:s10], $0x8000  }
0x267: {  	[sflag:s10] =	ssyncset.done $0x0  }
0x268: {  	[sflag:s10] =	ssyncadd.s32 $0xFFFF8000  }
0x269: {  	s15 =	sadd.s32 $0x1, s15  }
0x26a: {  	p0 =	sne.s32 s15, s9  }
.Ltmp3:
0x26b: {  	_ = 	snop;
	(pc) =	sbr.rel @p0 .LBB2_1-.Ltmp3, $1  }
0x26c: {  	_ =	sdelay $0x3  }
0x26d: {  	_ =	sfence.sel $0x180000  }
0x26e: {  	[bflag:$0x0] =	sbarrier.arrive $0xFFFF  }
0x26f: {  	p0 =	sne.s32 s5, $0x0;
	_ =	strace $0x9000004A  }
0x270: {  	s0 =	sadd.s32 @!p0 $0x100000, s0;
	[bflag:$0x2] =	sbarrier.arrive $0xFFFF  }
0x271: {  	[sflag:s0] =	ssyncadd.tile.s32 @!p0 $0x1;
	_ =	shalt  }
.Lfunc_end2:
_tile_overlayer_lowered:
.L_overlay_start_2:
0x272: {  	(tag) =	ssettag $0x2  }
0x273: {  	s0 =	rddreg [dreg:$0x0];
	s2 =	stileid.u32  }
0x274: {  	s1 =	rddreg [dreg:$0x1];
	p0 =	sne.s32 s2, $0x0  }
0x275: {  	s3 =	rddreg [dreg:$0x2];
	[bflag:$0x3] =	sbarrier.arrive $0xFFFF;
	s2 =	simm.s32 @!p0 $0x1C01  }
0x276: {  	[timem:s3], [sflag:s2] =	dma.local @!p0 [hbm:s0], s1  }
0x277: {  	s0 =	simm.s32 @!p0 $0x1  }
0x278: {  	_ =	swait.ge @!p0 [sflag:s0], s1  }
0x279: {  	s1 =	ssub.s32 @!p0 $0x0, s1;
	[sflag:s0] =	ssyncset.done @!p0 $0x0  }
0x27a: {  	[sflag:s0] =	ssyncadd.s32 @!p0 s1  }
0x27b: {  	[bflag:$0x3] =	sbarrier.arrive $0xFFFF  }
0x27c: {  	_ =	shalt  }

// kernel: sparse-core-data-format-call.cloned.1.call-start
scs
called_computation_lowered:
.L_overlay_start_0:
0x0: {  	s2 =	sld [smem:$0x3FD9]  }
0x1: {  	s3 =	sld [smem:$0x3FFE];
	_ =	sdelay $0x1  }
0x2: {  	s1 =	srdreg.scid  }
0x3: {  	s0 =	sand.u32 $0x1, s1  }
0x4: {  	s18 =	sshll.u32 s0, $0xA;
	s2 =	sadd.s32 s3, s2  }
0x5: {  	s2 =	sadd.s32 s2, s18  }
0x6: {  	[smem:$0x3FC4] =	sst s2  }
0x7: {  	_ = 	snop  }
0x8: {  	s2 =	sld [smem:$0x3FC9];
	(tm) =	ssettm $0x1  }
0x9: {  	s19 =	sld [smem:$0x3FFB];
	_ =	sdelay $0x3  }
0xa: {  	_ =	strace s19  }
0xb: {  	s3 =	sld [smem:$0x3FFC];
	_ =	sdelay $0x3  }
0xc: {  	_ =	strace s3  }
0xd: {  	s3 =	sld [smem:$0x3FFD];
	_ =	sdelay $0x3  }
0xe: {  	_ =	strace s3  }
0xf: {  	_ =	strace $0x8FFFFFFF  }
0x10: {  	s20 =	sld [smem:$0x3FDB];
	_ =	sdelay $0x1  }
0x11: {  	s4 =	simm.s32 $_scs_section_size  }
0x12: {  	s5 =	simm.s32 $_size__tile_overlayer_lowered;
	s6 =	simm.s32 $_tile_overlayer_lowered  }
0x13: {  	s23 =	simm.s32 $0x1BFF;
	s22 =	sshll.u32 s6, $0x1;
	s3 =	sadd.s32 s4, s20  }
0x14: {  	s7 =	simm.s32 $0x0;
	s21 =	sshll.u32 s5, $0x1;
	s5 =	sadd.s32 s22, s3  }
0x15: {  	[timem:s7], [sflag:s23] =	dma.local [hbm:s5], s21  }
0x16: {  	_ =	swait.ge [sflag:s23], s21  }
0x17: {  	s4 =	ssub.s32 $0x0, s21;
	[sflag:s23] =	ssyncset.done $0x0  }
0x18: {  	[sflag:s23] =	ssyncadd.s32 s4;
	_ =	sdelay $0x1  }
0x19: {  	s24 =	simm.s32 $0x1B8B  }
0x1a: {  	_ =	swait.ge [sflag:s24], $0x1  }
0x1b: {  	[sflag:s24] =	ssyncset.done $0x0  }
0x1c: {  	s26 =	simm.s32 $0x1B8E;
	s25 =	sld [smem:$0x3FFE];
	[sflag:s24] =	ssyncadd.s32 $0xFFFFFFFF  }
0x1d: {  	s27 =	simm.s32 $execute0_lowered;
	[smem:$0x3FD2] =	sst s26  }
0x1e: {  	s5 =	sshll.u32 s27, $0x1;
	_ =	strace $0x80000046;
	[dreg:$0x1] =	wrdreg $0xFFFFFFFF  }
0x1f: {  	s28 =	simm.s32 $_size_execute0_lowered;
	s3 =	sadd.s32 s3, s5;
	[dreg:$0x0] =	wrdreg $0x0  }
0x20: {  	s5 =	sshll.u32 s28, $0x1;
	[dreg:$0x2] =	wrdreg s3  }
0x21: {  	[dreg:$0x3] =	wrdreg s5  }
0x22: {  	[dreg:$0x4] =	wrdreg $0xC0  }
0x23: {  	_ =	task [dreg:s7], $0x5FFFF  }
0x24: {  	[dreg:$0x1] =	wrdreg $0xFFFFFFFF  }
0x25: {  	[dreg:$0x0] =	wrdreg $0x60  }
0x26: {  	[dreg:$0x2] =	wrdreg s2  }
0x27: {  	[dreg:$0x3] =	wrdreg s25  }
0x28: {  	[dreg:$0x4] =	wrdreg $0x9  }
0x29: {  	_ =	task.clear_ibuf [dreg:s7], $0x5FFFF;
	_ =	strace $0x90000046  }
0x2a: {  	s29 =	simm.s32 $0x9;
	_ =	strace $0x80000048  }
0x2b: {  	_ =	swait.ge [sflag:s29], $0x1  }
0x2c: {  	[sflag:s29] =	ssyncadd.s32 $0xFFFFFFFF  }
0x2d: {  	_ =	strace $0x90000048  }
0x2e: {  	_ =	sfence  }
0x2f: {  	s30 =	sld [smem:$0x0];
	_ =	sdelay $0x2  }
0x30: {  	s31 =	sshll.u32 s1, $0xD;
	s1 =	sshrl.u32 s1, $0x2  }
0x31: {  	s3 =	sand.u32 $0x4000, s31;
	s1 =	sadd.s32 s1, s30  }
0x32: {  	s0 =	sor.u32 s3, s0;
	s1 =	sshll.u32 s1, $0x11  }
0x33: {  	s0 =	sor.u32 s1, s0  }
0x34: {  	s0 =	sadd.s32 $0x8F2B, s0  }
0x35: {  	[sflag:s0] =	ssyncadd.remote.s32 $0x1  }
0x36: {  	_ =	sfence.sel $0xFFFF  }
0x37: {  	[dreg:$0x0] =	wrdreg $0xFFFFFFFF;
	(pc) =	sbr.abs _section_cstart, $3  }
0x38: {  	[dreg:$0x1] =	wrdreg $0xFFFFFFFF  }
0x39: {  	_ =	task.clear_ibuf [dreg:s7], $0x2FFFF;
	_ =	strace $0x9FFFFFFF  }
0x3a: {  	(tm) =	ssettm $0x7FFFFFFF  }
0x3b: {  	_ =	shalt  }
tec
execute0_lowered:
.L_overlay_start_1:
0x0: {  	(tag) =	ssettag $0x1  }
0x1: {  	s0 =	srdreg.scid  }
0x2: {  	s1 =	sshll.u32 s0, $0x4  }
0x3: {  	s2 =	rddreg [dreg:$0x0];
	s0 =	stileid.u32;
	s1 =	sand.u32 $0x10, s1  }
0x4: {  	s4 =	rddreg [dreg:$0x1];
	s7 =	simm.s32 $0x1;
	s1 =	sor.u32 s0, s1  }
0x5: {  	s8 =	simm.s32 $0x2;
	s9 =	simm.s32 $0x0;
	s3 =	sshll.u32 s1, $0x1  }
0x6: {  	s12 =	simm.s32 $0x0;
	s11 =	simm.s32 $0x0;
	s6 =	ssub.s32 $0x800, s3  }
.Ltmp0:
0x7: {  	s4 =	sadd.s32 $0xC00, s4;
	s5 =	sand.u32 $0x3E, s6;
	(pc) =	sbr.rel .LBB1_1-.Ltmp0, $4  }
0x8: {  	s1 =	rddreg [dreg:$0x2];
	_ =	strace $0x80000047;
	p0 =	sne.s32 s5, $0x0  }
0x9: {  	s6 =	sshrl.u32 s6, $0x6;
	s5 =	simm.s32 $0x1;
	s7 =	simm.s32 @!p0 $0x0  }
0xa: {  	s10 =	smov.u32 s3;
	[sflag:s5] =	ssyncpa.u1 $0x0;
	s6 =	sadd.s32 s7, s6  }
0xb: {  	[sflag:s8] =	ssyncpa.u1 $0x0;
	s8 =	simm.s32 $0x0;
	s7 =	sadd.s32 $0x1, s6  }
.LBB1_9:
0xc: {  	s14 =	sadd.s32 $0x40, s10  }
0xd: {  	p1 =	sgt.s32 s14, $0x7FF  }
0xe: {  	s14 =	smov.u32 @p1 s3;
	p1 =	sne.s32 s11, s7  }
.Ltmp1:
0xf: {  	p0 =	slt.u32 s11, $0x2;
	(pc) =	sbr.rel @!p1 .LBB1_10-.Ltmp1, $4  }
0x10: {  	s13 =	simm.s32 @!p0 $0x2  }
0x11: {  	s15 =	sadd.s32 $0x1, s11;
	_ =	swait.ge @!p0 [sflag:s13], $0x4000  }
0x12: {  	s12 =	smov.u32 s10;
	s9 =	sadd.s32 $0x4000, s9;
	[sflag:s13] =	ssyncset.done @!p0 $0x0  }
0x13: {  	s11 =	smov.u32 s15;
	s10 =	smov.u32 s14;
	[sflag:s13] =	ssyncadd.s32 @!p0 $0xFFFFC000  }
.LBB1_1:
0x14: {  	p0 =	sge.u32 s11, s6  }
0x15: {  	s13 =	sxor.u32 @!p0 $0xFFFFFFFF, s11  }
0x16: {  	s31 =	sadd.s32 $0xFFFFFFFF, s11;
	s14 =	sshll.u32 @!p0 s10, $0xA;
	s13 =	sshll.u32 @!p0 s13, $0xE  }
0x17: {  	s15 =	simm.s32 @!p0 $0x0;
	s14 =	sadd.s32 @!p0 s2, s14;
	s13 =	sand.u32 @!p0 $0x4000, s13  }
0x18: {  	[tilespmem:s13], [sflag:$0x1] =	stream.linear.gather @!p0 [hbm4b:s14+s15], $0x4000, $0x38;
	[tilespmem:$0x10000] =	vst v63  }
0x19: {  	p0 =	sge.u32 s31, s6  }
.Ltmp2:
0x1a: {  	_ = 	snop;
	(pc) =	sbr.rel @p0 .LBB1_9-.Ltmp2, $1  }
0x1b: {  	_ =	sdelay $0x3  }
0x1c: {  	s13 =	sshll.u32 s9, $0x2  }
0x1d: {  	_ =	swait.ge [sflag:s5], $0x4000;
	s14 =	sshll.u32 s11, $0xE;
	s16 =	simm.s32 $0x0  }
0x1e: {  	p1 =	por $0x1, $0x1;
	s13 =	sand.u32 $0x10000, s13;
	[sflag:s5] =	ssyncset.done $0x0  }
0x1f: {  	s14 =	sand.u32 $0x4000, s14;
	s15 =	sshrl.u32 s13, $0x2;
	[sflag:s5] =	ssyncadd.s32 $0xFFFFC000  }
0x20: {  	s13 =	sor.u32 $0x8000, s14;
	s14 =	sadd.s32 $0x8040, s15;
	s15 =	sadd.s32 $0x40, s15  }
.LBB1_3:
0x21: {  	s16 =	sshll.u32 s16, $0x2  }
0x22: {  	p0 =	por p1, p1;
	s17 =	sshra.s32 s16, $0x2  }
0x23: {  	s18 =	simm.s32 $0x0;
	s16 =	sadd.s32 s17, s14;
	s17 =	sadd.s32 s17, s15  }
.LBB1_4:
0x24: {  	v0 =	vmov s17;
	_ =	sdelay $0x3  }
0x25: {  	s20 =	simm.s32 $0x0  }
0x26: {  	v6 =	vld.idx.msk [tilespmem:v0+s20+$0x30 ss:$0x1], $0xffff  }
0x27: {  	v7 =	vld.idx.msk [tilespmem:v0+s20+$0xFFFFFFC0 ss:$0x1], $0xffff  }
0x28: {  	v5 =	vld.idx.msk [tilespmem:v0+s20+$0xFFFFFFD0 ss:$0x1], $0xffff  }
0x29: {  	v4 =	vld.idx.msk [tilespmem:v0+s20+$0xFFFFFFE0 ss:$0x1], $0xffff  }
0x2a: {  	v3 =	vld.idx.msk [tilespmem:v0+s20+$0xFFFFFFF0 ss:$0x1], $0xffff  }
0x2b: {  	v1 =	vld.idx.msk [tilespmem:v0+s20+$0x0 ss:$0x1], $0xffff  }
0x2c: {  	v2 =	vld.idx.msk [tilespmem:v0+s20+$0x10 ss:$0x1], $0xffff;
	[tilespmem:s16+$0x30] =	vst v6  }
0x2d: {  	s19 =	simm.s32 $0x80;
	s21 =	simm.s32 $0x400;
	[tilespmem:s16+$0xFFFFFFC0] =	vst v7;
	v6 =	vld.idx.msk [tilespmem:v0+s20+$0x20 ss:$0x1], $0xffff;
	s20 =	smov.u32 s16  }
.LBB1_5:
0x2e: {  	p1 =	sne.s32 s21, $0xE00;
	v7 =	vld.idx.msk [tilespmem:v0+s19+$0x30 ss:$0x1], $0xffff;
	[tilespmem:s20+$0xFFFFFFD0] =	vst v5  }
0x2f: {  	v8 =	vld.idx.msk [tilespmem:v0+s19+$0xFFFFFFC0 ss:$0x1], $0xffff;
	[tilespmem:s20+$0xFFFFFFE0] =	vst v4  }
0x30: {  	v5 =	vld.idx.msk [tilespmem:v0+s19+$0xFFFFFFD0 ss:$0x1], $0xffff;
	[tilespmem:s20+$0xFFFFFFF0] =	vst v3  }
.Ltmp3:
0x31: {  	v4 =	vld.idx.msk [tilespmem:v0+s19+$0xFFFFFFE0 ss:$0x1], $0xffff;
	[tilespmem:s20+$0x0] =	vst v1;
	(pc) =	sbr.rel @p1 .LBB1_5-.Ltmp3, $4  }
0x32: {  	v3 =	vld.idx.msk [tilespmem:v0+s19+$0xFFFFFFF0 ss:$0x1], $0xffff;
	[tilespmem:s20+$0x10] =	vst v2  }
0x33: {  	v1 =	vld.idx.msk [tilespmem:v0+s19+$0x0 ss:$0x1], $0xffff;
	[tilespmem:s20+$0x20] =	vst v6;
	s20 =	sadd.s32 $0x400, s20  }
0x34: {  	v2 =	vld.idx.msk [tilespmem:v0+s19+$0x10 ss:$0x1], $0xffff;
	[tilespmem:s20+$0x30] =	vst v7  }
0x35: {  	[tilespmem:s20+$0xFFFFFFC0] =	vst v8;
	v6 =	vld.idx.msk [tilespmem:v0+s19+$0x20 ss:$0x1], $0xffff;
	s19 =	sshra.s32 s21, $0x2;
	s21 =	sadd.s32 $0x200, s21  }
0x36: {  	_ =	sdelay $0x2  }
0x37: {  	[tilespmem:s20+$0xFFFFFFD0] =	vst v5  }
0x38: {  	v56 =	vld.idx.msk [tilespmem:v0+s19+$0x30 ss:$0x1], $0xffff;
	[tilespmem:s20+$0xFFFFFFE0] =	vst v4  }
0x39: {  	v57 =	vld.idx.msk [tilespmem:v0+s19+$0xFFFFFFC0 ss:$0x1], $0xffff;
	[tilespmem:s20+$0xFFFFFFF0] =	vst v3  }
0x3a: {  	v58 =	vld.idx.msk [tilespmem:v0+s19+$0xFFFFFFD0 ss:$0x1], $0xffff;
	[tilespmem:s20+$0x0] =	vst v1  }
0x3b: {  	v59 =	vld.idx.msk [tilespmem:v0+s19+$0xFFFFFFE0 ss:$0x1], $0xffff;
	[tilespmem:s20+$0x10] =	vst v2  }
0x3c: {  	v60 =	vld.idx.msk [tilespmem:v0+s19+$0xFFFFFFF0 ss:$0x1], $0xffff;
	s31 =	sadd.s32 $0x400, s20;
	[tilespmem:s20+$0x20] =	vst v6  }
0x3d: {  	v61 =	vld.idx.msk [tilespmem:v0+s19+$0x0 ss:$0x1], $0xffff;
	[tilespmem:s31+$0x30] =	vst v56  }
0x3e: {  	v62 =	vld.idx.msk [tilespmem:v0+s19+$0x10 ss:$0x1], $0xffff;
	s18 =	sadd.s32 $0x1, s18;
	[tilespmem:s31+$0xFFFFFFC0] =	vst v57  }
0x3f: {  	v63 =	vld.idx.msk [tilespmem:v0+s19+$0x20 ss:$0x1], $0xffff;
	p1 =	sne.s32 s18, $0x8;
	[tilespmem:s31+$0xFFFFFFD0] =	vst v58  }
.Ltmp4:
0x40: {  	[tilespmem:s31+$0xFFFFFFE0] =	vst v59;
	(pc) =	sbr.rel @p1 .LBB1_4-.Ltmp4, $4  }
0x41: {  	[tilespmem:s31+$0xFFFFFFF0] =	vst v60  }
0x42: {  	[tilespmem:s31+$0x0] =	vst v61  }
0x43: {  	[tilespmem:s31+$0x10] =	vst v62  }
0x44: {  	s16 =	sadd.s32 $0x80, s16;
	s17 =	sadd.s32 $0x400, s17;
	[tilespmem:s31+$0x20] =	vst v63  }
.Ltmp5:
0x45: {  	(pc) =	sbr.rel @p0 .LBB1_3-.Ltmp5, $2  }
0x46: {  	_ =	sdelay $0x2  }
0x47: {  	s16 =	simm.s32 $0x2000;
	p1 =	por $0x0, $0x0  }
.Ltmp6:
0x48: {  	(pc) =	sbr.rel .LBB1_9-.Ltmp6, $4  }
0x49: {  	_ = 	snop  }
0x4a: {  	s12 =	sshll.u32 s12, $0xA  }
0x4b: {  	s12 =	sadd.s32 s4, s12  }
0x4c: {  	[hbm4b:s12+s8] =	stream.linear.scatter [tilespmem:s13], [sflag:$0x2], $0x4000, $0x38;
	[tilespmem:$0x10000] =	vst v63  }
.LBB1_10:
0x4d: {  	_ =	sfence.sel $0x180000  }
0x4e: {  	s2 =	simm.s32 $0x1;
	[bflag:$0x0] =	sbarrier.arrive $0xFFFF  }
0x4f: {  	s31 =	simm.s32 $0x2;
	[sflag:s2] =	ssyncpa.u1 $0x1  }
0x50: {  	[sflag:s31] =	ssyncpa.u1 $0x1  }
0x51: {  	p0 =	sne.s32 s0, $0x0;
	_ =	strace $0x90000047  }
0x52: {  	s0 =	sadd.s32 @!p0 $0x100000, s1;
	[bflag:$0x2] =	sbarrier.arrive $0xFFFF  }
0x53: {  	[sflag:s0] =	ssyncadd.tile.s32 @!p0 $0x1;
	_ =	shalt  }
.Lfunc_end1:
_tile_overlayer_lowered:
.L_overlay_start_2:
0x54: {  	(tag) =	ssettag $0x2  }
0x55: {  	s0 =	rddreg [dreg:$0x0];
	s2 =	stileid.u32  }
0x56: {  	s1 =	rddreg [dreg:$0x1];
	p0 =	sne.s32 s2, $0x0  }
0x57: {  	s3 =	rddreg [dreg:$0x2];
	[bflag:$0x3] =	sbarrier.arrive $0xFFFF;
	s2 =	simm.s32 @!p0 $0x1C01  }
0x58: {  	[timem:s3], [sflag:s2] =	dma.local @!p0 [hbm:s0], s1  }
0x59: {  	s0 =	simm.s32 @!p0 $0x1  }
0x5a: {  	_ =	swait.ge @!p0 [sflag:s0], s1  }
0x5b: {  	s1 =	ssub.s32 @!p0 $0x0, s1;
	[sflag:s0] =	ssyncset.done @!p0 $0x0  }
0x5c: {  	[sflag:s0] =	ssyncadd.s32 @!p0 s1  }
0x5d: {  	[bflag:$0x3] =	sbarrier.arrive $0xFFFF  }
0x5e: {  	_ =	shalt  }

</sc_bundles>
